<compile_context>
chip_gen: v7x
topology: tpu7x:2x2x1
jax: 0.10.2.dev20260603
libtpu: 0.0.44.dev20260713+nightly
codegen_flags: <defaults>
</compile_context>

<pallas_src>
import functools

import jax
import jax.numpy as jnp
from jax import lax
from jax.experimental import pallas as pl
from jax.experimental.pallas import tpu as pltpu
from jax.experimental.pallas import tpu_sc as plsc

B, C, N, K, OUT = 4, 128, 1024, 20, 256
KP = 24
NC, NS = 2, 16
NW = NC * NS
BN = B * N
PPW = BN // NW
L = 16
NCH = OUT // L


def _phase_a_body(x_ref, w_ref, jdx_ref, y1t_ref, zt_ref, s_ref):
    b = pl.program_id(0)
    xb = x_ref[0]
    w1 = w_ref[:, :C]
    wz = w_ref[:, C:] - w1

    gram = lax.dot_general(xb, xb, (((0,), (0,)), ((), ())),
                           preferred_element_type=jnp.float32)
    xx = jnp.sum(xb * xb, axis=0, keepdims=True)
    s_ref[...] = 2.0 * gram - xx

    y1t_ref[0] = lax.dot_general(xb, w1, (((0,), (1,)), ((), ())),
                                 preferred_element_type=jnp.float32)
    zt_ref[0] = lax.dot_general(xb, wz, (((0,), (1,)), ((), ())),
                                preferred_element_type=jnp.float32)

    lane = lax.broadcasted_iota(jnp.int32, (N, N), 1)
    kcol = lax.broadcasted_iota(jnp.int32, (N, KP), 1)
    neg = jnp.float32(-3.0e38)

    def body(t, idx_acc):
        s = s_ref[...]
        m = jnp.max(s, axis=1, keepdims=True)
        cand = jnp.where(s == m, lane, N)
        idx = jnp.min(cand, axis=1, keepdims=True)
        s_ref[...] = jnp.where(lane == idx, neg, s)
        return jnp.where(kcol == t, idx, idx_acc)

    idx_acc = jnp.zeros((N, KP), jnp.int32)
    idx_acc = lax.fori_loop(0, K, body, idx_acc)
    jdx_ref[0] = idx_acc + b * N


def _phase_a(x, W):
    return pl.pallas_call(
        _phase_a_body,
        grid=(B,),
        in_specs=[
            pl.BlockSpec((1, C, N), lambda b: (b, 0, 0)),
            pl.BlockSpec((OUT, 2 * C), lambda b: (0, 0)),
        ],
        out_specs=[
            pl.BlockSpec((1, N, KP), lambda b: (b, 0, 0)),
            pl.BlockSpec((1, N, OUT), lambda b: (b, 0, 0)),
            pl.BlockSpec((1, N, OUT), lambda b: (b, 0, 0)),
        ],
        out_shape=[
            jax.ShapeDtypeStruct((B, N, KP), jnp.int32),
            jax.ShapeDtypeStruct((B, N, OUT), jnp.float32),
            jax.ShapeDtypeStruct((B, N, OUT), jnp.float32),
        ],
        scratch_shapes=[pltpu.VMEM((N, N), jnp.float32)],
    )(x, W)


_GDN = lax.GatherDimensionNumbers(offset_dims=(), collapsed_slice_dims=(0,),
                                  start_index_map=(0,))


def _shuffle(v, perm):
    return lax.gather(v, perm.reshape(L, 1), _GDN, slice_sizes=(1,),
                      mode=lax.GatherScatterMode.PROMISE_IN_BOUNDS)


def _allreduce_sum(v):
    idx = lax.iota(jnp.int32, L)
    for sh in (8, 4, 2, 1):
        v = v + _shuffle(v, idx ^ sh)
    return v


def _rsqrt_vec(v):
    x = v
    scale = jnp.full((L,), 1.0, jnp.float32)
    for k in (16, 8, 4, 2, 1):
        c = x >= jnp.float32(2.0 ** k)
        x = jnp.where(c, x * jnp.float32(2.0 ** -k), x)
        scale = jnp.where(c, scale * jnp.float32(2.0 ** (-k / 2)), scale)
    for k in (16, 8, 4, 2, 1):
        c = x < jnp.float32(2.0 ** -k)
        x = jnp.where(c, x * jnp.float32(2.0 ** k), x)
        scale = jnp.where(c, scale * jnp.float32(2.0 ** (k / 2)), scale)
    y = jnp.float32(1.65) - jnp.float32(0.4714) * x
    for _ in range(4):
        y = y * (jnp.float32(1.5) - jnp.float32(0.5) * x * y * y)
    return y * scale


def _phase_b_body(y1t_hbm, zt_hbm, jdx_hbm, out_hbm,
                  jdx_v, zt_v, out_v, buf0, buf1, sem0, sem1):
    wid = lax.axis_index("s") * NC + lax.axis_index("c")
    base = wid * PPW

    pltpu.sync_copy(jdx_hbm.at[pl.ds(base, PPW), :], jdx_v)
    pltpu.sync_copy(zt_hbm.at[pl.ds(base, PPW), :], zt_v)

    def gather(i, buf, sem):
        pltpu.make_async_copy(y1t_hbm.at[jdx_v.at[i]], buf, sem).start()

    gather(0, buf0, sem0)
    gather(1, buf1, sem1)

    def point(i, buf, sem):
        pltpu.make_async_copy(y1t_hbm.at[jdx_v.at[i]], buf, sem).wait()
        z = [zt_v[i, pl.ds(c * L, L)] for c in range(NCH)]
        acc = [jnp.full((L,), -3.0e38, jnp.float32) for _ in range(NCH)]
        inv = jnp.float32(1.0 / OUT)

        def nk(k, acc):
            hs = []
            s = jnp.zeros((L,), jnp.float32)
            q = jnp.zeros((L,), jnp.float32)
            for c in range(NCH):
                h = buf[k, pl.ds(c * L, L)] + z[c]
                hs.append(h)
                s = s + h
                q = q + h * h
            mv = _allreduce_sum(s) * inv
            var = _allreduce_sum(q) * inv - mv * mv + jnp.float32(1e-5)
            r = _rsqrt_vec(var)
            out = []
            for c in range(NCH):
                hn = (hs[c] - mv) * r
                out.append(jnp.maximum(acc[c], jnp.maximum(hn, 0.2 * hn)))
            return tuple(out)

        acc = lax.fori_loop(0, K, nk, tuple(acc))
        for c in range(NCH):
            out_v[i, pl.ds(c * L, L)] = acc[c]

    def pair(i2, carry):
        i = i2 * 2
        point(i, buf0, sem0)

        @pl.when(i + 2 < PPW)
        def _():
            gather(i + 2, buf0, sem0)

        point(i + 1, buf1, sem1)

        @pl.when(i + 3 < PPW)
        def _():
            gather(i + 3, buf1, sem1)

        return carry

    lax.fori_loop(0, PPW // 2, pair, 0)
    pltpu.sync_copy(out_v, out_hbm.at[pl.ds(base, PPW), :])


@functools.lru_cache(maxsize=1)
def _phase_b():
    return functools.partial(
        pl.kernel,
        out_type=jax.ShapeDtypeStruct((BN, OUT), jnp.float32),
        mesh=plsc.VectorSubcoreMesh(core_axis_name="c", subcore_axis_name="s"),
        scratch_types=[
            pltpu.VMEM((PPW, KP), jnp.int32),
            pltpu.VMEM((PPW, OUT), jnp.float32),
            pltpu.VMEM((PPW, OUT), jnp.float32),
            pltpu.VMEM((KP, OUT), jnp.float32),
            pltpu.VMEM((KP, OUT), jnp.float32),
            pltpu.SemaphoreType.DMA,
            pltpu.SemaphoreType.DMA,
        ],
    )(_phase_b_body)


def kernel(x, W, gamma, beta):
    jdx, y1t, zt = _phase_a(x, W)
    out = _phase_b()(y1t.reshape(BN, OUT), zt.reshape(BN, OUT), jdx.reshape(BN, KP))
    out = out.reshape(B, N, OUT).transpose(0, 2, 1)
    return out * gamma[None, :, None] + beta[None, :, None]

# --- scband reference (transcript-rebuilt; emitter-appended) ---
"""Pipeline reference for scband-edge-conv-29970281791919 (READ-ONLY COPY).

The authoritative reference and input builder live on the scoring server;
editing this copy changes nothing except your own understanding.
"""

import jax, jax.numpy as jnp
import numpy as np

B, C, N, K, OUT = 4, 128, 1024, 20, 256


def setup_inputs(seed: int = 0) -> dict:
    key = jax.random.key(seed)
    k1, k2 = jax.random.split(key, 2)
    x = jax.random.normal(k1, (B, C, N), dtype=jnp.float32)
    W = jax.random.normal(k2, (OUT, 2 * C), dtype=jnp.float32) * (1.0 / np.sqrt(2 * C))
    gamma = jnp.ones((OUT,), dtype=jnp.float32)
    beta = jnp.zeros((OUT,), dtype=jnp.float32)
    return {"x": x, "W": W, "gamma": gamma, "beta": beta}


def knn(x, k):
    # x: [B, C, N]
    xt = jnp.transpose(x, (0, 2, 1))  # [B, N, C]
    inner = -2.0 * jnp.einsum('bnc,bcm->bnm', xt, x)  # [B, N, N]
    xx = jnp.sum(x ** 2, axis=1, keepdims=True)  # [B, 1, N]
    pairwise_distance = -xx - inner - jnp.transpose(xx, (0, 2, 1))
    idx = jax.lax.top_k(pairwise_distance, k)[1]  # [B, N, k]
    return idx


def get_graph_feature(x, k):
    b, c, n = x.shape
    idx = knn(x, k)  # [B, N, k]
    idx_base = jnp.arange(b, dtype=idx.dtype).reshape(-1, 1, 1) * n
    idx_flat = (idx + idx_base).reshape(-1)  # [B*N*k]
    xt = jnp.transpose(x, (0, 2, 1)).reshape(b * n, c)  # [B*N, C]
    feature = jnp.take(xt, idx_flat, axis=0).reshape(b, n, k, c)
    xc = xt.reshape(b, n, 1, c)
    xc = jnp.broadcast_to(xc, (b, n, k, c))
    combined = jnp.concatenate((feature - xc, xc), axis=3)  # [B, N, k, 2C]
    return jnp.transpose(combined, (0, 3, 1, 2))  # [B, 2C, N, k]


def reference(x, W, gamma, beta):
    edge = get_graph_feature(x, K)  # [B, 2C, N, K]
    h = jnp.einsum('bcnk,oc->bonk', edge, W)  # 1x1 conv, no bias
    hp = jnp.transpose(h, (0, 2, 3, 1))  # [B, N, K, OUT]
    mean = jnp.mean(hp, axis=-1, keepdims=True)
    var = jnp.var(hp, axis=-1, keepdims=True)
    hn = (hp - mean) / jnp.sqrt(var + 1e-5) * gamma + beta
    hn = jnp.transpose(hn, (0, 3, 1, 2))  # [B, OUT, N, K]
    act = jnp.where(hn > 0, hn, 0.2 * hn)  # LeakyReLU(0.2)
    return jnp.max(act, axis=-1)  # [B, OUT, N]

if __name__ == "__main__":
    import jax
    _d = setup_inputs()
    print(jax.jit(kernel)(*tuple(_d.values())))

</pallas_src>

<mosaic_0001>
#map = affine_map<(d0, d1) -> (0, 0)>
module attributes {stable_mosaic.version = 14 : i64} {
  func.func @_phase_b_body(%arg0: i32, %arg1: i32, %arg2: memref<4096x256xf32, #tpu.memory_space<hbm>>, %arg3: memref<4096x256xf32, #tpu.memory_space<hbm>>, %arg4: memref<4096x24xi32, #tpu.memory_space<hbm>>, %arg5: memref<4096x256xf32, #tpu.memory_space<hbm>>, %arg6: memref<128x24xi32, #tpu.memory_space<vmem>>, %arg7: memref<128x256xf32, #tpu.memory_space<vmem>>, %arg8: memref<128x256xf32, #tpu.memory_space<vmem>>, %arg9: memref<24x256xf32, #tpu.memory_space<vmem>>, %arg10: memref<24x256xf32, #tpu.memory_space<vmem>>, %arg11: memref<!tpu.dma_semaphore, #tpu.memory_space<semaphore_mem>>, %arg12: memref<!tpu.dma_semaphore, #tpu.memory_space<semaphore_mem>>) attributes {dimension_semantics = [#tpu.dimension_semantics<core_parallel>, #tpu.dimension_semantics<subcore_parallel>], iteration_bounds = array<i64: 2, 16>, scalar_prefetch = 0 : i64, scratch_operands = 7 : i64, tpu.core_type = #tpu.core_type<sc_vector_subcore>, window_params = [{transform_indices = #map}, {transform_indices = #map}, {transform_indices = #map}, {transform_indices = #map}]} {
    %mul3A = arith.constant 2 : i32
    %mul3A_0 = arith.muli %arg1, %mul3A : i32
    %add3A = arith.addi %mul3A_0, %arg0 : i32
    %mul3A_1 = arith.constant 128 : i32
    %mul3A_2 = arith.muli %add3A, %mul3A_1 : i32
    "tpu.region"() ({
      %run_scoped3A = tpu.sem_alloc : memref<!tpu.dma_semaphore, #tpu.memory_space<semaphore_mem>>
      %dma_start3A_21 = arith.constant 0 : i32
      %dma_start3A_22 = tpu.memref_slice %arg4[%mul3A_2, %dma_start3A_21] : memref<4096x24xi32, #tpu.memory_space<hbm>> -> memref<128x24xi32, #tpu.memory_space<hbm>>
      %dma_start3A_23 = arith.constant 0 : i32
      %dma_start3A_24 = tpu.memref_slice %arg4[%mul3A_2, %dma_start3A_23] : memref<4096x24xi32, #tpu.memory_space<hbm>> -> memref<128x24xi32, #tpu.memory_space<hbm>>
      tpu.enqueue_dma source(%dma_start3A_24 : memref<128x24xi32, #tpu.memory_space<hbm>>) target(%arg6 : memref<128x24xi32, #tpu.memory_space<vmem>>) target_semaphore(%run_scoped3A : memref<!tpu.dma_semaphore, #tpu.memory_space<semaphore_mem>>)
      %dma_wait3A = arith.constant 0 : i32
      %dma_wait3A_25 = tpu.memref_slice %arg4[%mul3A_2, %dma_wait3A] : memref<4096x24xi32, #tpu.memory_space<hbm>> -> memref<128x24xi32, #tpu.memory_space<hbm>>
      %dma_wait3A_26 = arith.constant 0 : i32
      %dma_wait3A_27 = tpu.memref_slice %arg4[%mul3A_2, %dma_wait3A_26] : memref<4096x24xi32, #tpu.memory_space<hbm>> -> memref<128x24xi32, #tpu.memory_space<hbm>>
      tpu.wait_dma2 semaphore(%run_scoped3A : memref<!tpu.dma_semaphore, #tpu.memory_space<semaphore_mem>>) src(%dma_wait3A_27 : memref<128x24xi32, #tpu.memory_space<hbm>>) dst(%arg6 : memref<128x24xi32, #tpu.memory_space<vmem>>)
      tpu.yield
    }) : () -> ()
    "tpu.region"() ({
      %run_scoped3A = tpu.sem_alloc : memref<!tpu.dma_semaphore, #tpu.memory_space<semaphore_mem>>
      %dma_start3A_21 = arith.constant 0 : i32
      %dma_start3A_22 = tpu.memref_slice %arg3[%mul3A_2, %dma_start3A_21] : memref<4096x256xf32, #tpu.memory_space<hbm>> -> memref<128x256xf32, #tpu.memory_space<hbm>>
      %dma_start3A_23 = arith.constant 0 : i32
      %dma_start3A_24 = tpu.memref_slice %arg3[%mul3A_2, %dma_start3A_23] : memref<4096x256xf32, #tpu.memory_space<hbm>> -> memref<128x256xf32, #tpu.memory_space<hbm>>
      tpu.enqueue_dma source(%dma_start3A_24 : memref<128x256xf32, #tpu.memory_space<hbm>>) target(%arg7 : memref<128x256xf32, #tpu.memory_space<vmem>>) target_semaphore(%run_scoped3A : memref<!tpu.dma_semaphore, #tpu.memory_space<semaphore_mem>>)
      %dma_wait3A = arith.constant 0 : i32
      %dma_wait3A_25 = tpu.memref_slice %arg3[%mul3A_2, %dma_wait3A] : memref<4096x256xf32, #tpu.memory_space<hbm>> -> memref<128x256xf32, #tpu.memory_space<hbm>>
      %dma_wait3A_26 = arith.constant 0 : i32
      %dma_wait3A_27 = tpu.memref_slice %arg3[%mul3A_2, %dma_wait3A_26] : memref<4096x256xf32, #tpu.memory_space<hbm>> -> memref<128x256xf32, #tpu.memory_space<hbm>>
      tpu.wait_dma2 semaphore(%run_scoped3A : memref<!tpu.dma_semaphore, #tpu.memory_space<semaphore_mem>>) src(%dma_wait3A_27 : memref<128x256xf32, #tpu.memory_space<hbm>>) dst(%arg7 : memref<128x256xf32, #tpu.memory_space<vmem>>)
      tpu.yield
    }) : () -> ()
    %dma_start3A = arith.constant 0 : i32
    %dma_start3A_3 = arith.constant 0 : i32
    %dma_start3A_4 = tpu.memref_slice %arg6[%dma_start3A, %dma_start3A_3] : memref<128x24xi32, #tpu.memory_space<vmem>> -> memref<1x24xi32, #tpu.memory_space<vmem>>
    %dma_start3A_5 = tpu.memref_squeeze %dma_start3A_4 : memref<1x24xi32, #tpu.memory_space<vmem>> -> memref<24xi32, #tpu.memory_space<vmem>>
    %dma_start3A_6 = arith.constant 0 : i32
    %dma_start3A_7 = arith.constant 0 : i32
    %dma_start3A_8 = tpu.memref_slice %arg2[%dma_start3A_6, %dma_start3A_7] : memref<4096x256xf32, #tpu.memory_space<hbm>> -> memref<4096x256xf32, #tpu.memory_space<hbm>>
    tpu.enqueue_indirect_dma source(%dma_start3A_8 : memref<4096x256xf32, #tpu.memory_space<hbm>>) target(%arg9 : memref<24x256xf32, #tpu.memory_space<vmem>>) offsets(%dma_start3A_5 : memref<24xi32, #tpu.memory_space<vmem>>) semaphore(%arg11 : memref<!tpu.dma_semaphore, #tpu.memory_space<semaphore_mem>>)
    %dma_start3A_9 = arith.constant 1 : i32
    %dma_start3A_10 = arith.constant 0 : i32
    %dma_start3A_11 = tpu.memref_slice %arg6[%dma_start3A_9, %dma_start3A_10] : memref<128x24xi32, #tpu.memory_space<vmem>> -> memref<1x24xi32, #tpu.memory_space<vmem>>
    %dma_start3A_12 = tpu.memref_squeeze %dma_start3A_11 : memref<1x24xi32, #tpu.memory_space<vmem>> -> memref<24xi32, #tpu.memory_space<vmem>>
    %dma_start3A_13 = arith.constant 0 : i32
    %dma_start3A_14 = arith.constant 0 : i32
    %dma_start3A_15 = tpu.memref_slice %arg2[%dma_start3A_13, %dma_start3A_14] : memref<4096x256xf32, #tpu.memory_space<hbm>> -> memref<4096x256xf32, #tpu.memory_space<hbm>>
    tpu.enqueue_indirect_dma source(%dma_start3A_15 : memref<4096x256xf32, #tpu.memory_space<hbm>>) target(%arg10 : memref<24x256xf32, #tpu.memory_space<vmem>>) offsets(%dma_start3A_12 : memref<24xi32, #tpu.memory_space<vmem>>) semaphore(%arg12 : memref<!tpu.dma_semaphore, #tpu.memory_space<semaphore_mem>>)
    %scan3A = arith.constant 0 : i32
    %scan3A_16 = arith.constant 0 : i32
    %scan3A_17 = arith.constant 64 : i32
    %scan3A_18 = arith.addi %scan3A_16, %scan3A_17 : i32
    %scan3A_19 = arith.constant 1 : i32
    scf.for %scan3A_21 = %scan3A_16 to %scan3A_18 step %scan3A_19  : i32 {
      %mul3A_22 = arith.constant 2 : i32
      %mul3A_23 = arith.muli %scan3A_21, %mul3A_22 : i32
      %dma_wait3A = arith.constant 0 : i32
      %dma_wait3A_24 = tpu.memref_slice %arg6[%mul3A_23, %dma_wait3A] : memref<128x24xi32, #tpu.memory_space<vmem>> -> memref<1x24xi32, #tpu.memory_space<vmem>>
      %dma_wait3A_25 = tpu.memref_squeeze %dma_wait3A_24 : memref<1x24xi32, #tpu.memory_space<vmem>> -> memref<24xi32, #tpu.memory_space<vmem>>
      %dma_wait3A_26 = arith.constant 0 : i32
      %dma_wait3A_27 = arith.constant 0 : i32
      %dma_wait3A_28 = tpu.memref_slice %arg2[%dma_wait3A_26, %dma_wait3A_27] : memref<4096x256xf32, #tpu.memory_space<hbm>> -> memref<4096x256xf32, #tpu.memory_space<hbm>>
      tpu.wait_indirect_dma semaphore(%arg11 : memref<!tpu.dma_semaphore, #tpu.memory_space<semaphore_mem>>) src(%dma_wait3A_28 : memref<4096x256xf32, #tpu.memory_space<hbm>>) dst(%arg9 : memref<24x256xf32, #tpu.memory_space<vmem>>)
      %get3A = arith.index_cast %mul3A_23 : i32 to index
      %get3A_29 = arith.constant 0 : index
      %get3A_30 = tpu.vector_load %arg7[%get3A, %get3A_29] {strides = array<i32>} : memref<128x256xf32, #tpu.memory_space<vmem>>, vector<1x16xf32>,
      %get3A_31 = vector.shape_cast %get3A_30 : vector<1x16xf32> to vector<16xf32>
      %get3A_32 = arith.index_cast %mul3A_23 : i32 to index
      %get3A_33 = arith.constant 16 : index
      %get3A_34 = tpu.vector_load %arg7[%get3A_32, %get3A_33] {strides = array<i32>} : memref<128x256xf32, #tpu.memory_space<vmem>>, vector<1x16xf32>,
      %get3A_35 = vector.shape_cast %get3A_34 : vector<1x16xf32> to vector<16xf32>
      %get3A_36 = arith.index_cast %mul3A_23 : i32 to index
      %get3A_37 = arith.constant 32 : index
      %get3A_38 = tpu.vector_load %arg7[%get3A_36, %get3A_37] {strides = array<i32>} : memref<128x256xf32, #tpu.memory_space<vmem>>, vector<1x16xf32>,
      %get3A_39 = vector.shape_cast %get3A_38 : vector<1x16xf32> to vector<16xf32>
      %get3A_40 = arith.index_cast %mul3A_23 : i32 to index
      %get3A_41 = arith.constant 48 : index
      %get3A_42 = tpu.vector_load %arg7[%get3A_40, %get3A_41] {strides = array<i32>} : memref<128x256xf32, #tpu.memory_space<vmem>>, vector<1x16xf32>,
      %get3A_43 = vector.shape_cast %get3A_42 : vector<1x16xf32> to vector<16xf32>
      %get3A_44 = arith.index_cast %mul3A_23 : i32 to index
      %get3A_45 = arith.constant 64 : index
      %get3A_46 = tpu.vector_load %arg7[%get3A_44, %get3A_45] {strides = array<i32>} : memref<128x256xf32, #tpu.memory_space<vmem>>, vector<1x16xf32>,
      %get3A_47 = vector.shape_cast %get3A_46 : vector<1x16xf32> to vector<16xf32>
      %get3A_48 = arith.index_cast %mul3A_23 : i32 to index
      %get3A_49 = arith.constant 80 : index
      %get3A_50 = tpu.vector_load %arg7[%get3A_48, %get3A_49] {strides = array<i32>} : memref<128x256xf32, #tpu.memory_space<vmem>>, vector<1x16xf32>,
      %get3A_51 = vector.shape_cast %get3A_50 : vector<1x16xf32> to vector<16xf32>
      %get3A_52 = arith.index_cast %mul3A_23 : i32 to index
      %get3A_53 = arith.constant 96 : index
      %get3A_54 = tpu.vector_load %arg7[%get3A_52, %get3A_53] {strides = array<i32>} : memref<128x256xf32, #tpu.memory_space<vmem>>, vector<1x16xf32>,
      %get3A_55 = vector.shape_cast %get3A_54 : vector<1x16xf32> to vector<16xf32>
      %get3A_56 = arith.index_cast %mul3A_23 : i32 to index
      %get3A_57 = arith.constant 112 : index
      %get3A_58 = tpu.vector_load %arg7[%get3A_56, %get3A_57] {strides = array<i32>} : memref<128x256xf32, #tpu.memory_space<vmem>>, vector<1x16xf32>,
      %get3A_59 = vector.shape_cast %get3A_58 : vector<1x16xf32> to vector<16xf32>
      %get3A_60 = arith.index_cast %mul3A_23 : i32 to index
      %get3A_61 = arith.constant 128 : index
      %get3A_62 = tpu.vector_load %arg7[%get3A_60, %get3A_61] {strides = array<i32>} : memref<128x256xf32, #tpu.memory_space<vmem>>, vector<1x16xf32>,
      %get3A_63 = vector.shape_cast %get3A_62 : vector<1x16xf32> to vector<16xf32>
      %get3A_64 = arith.index_cast %mul3A_23 : i32 to index
      %get3A_65 = arith.constant 144 : index
      %get3A_66 = tpu.vector_load %arg7[%get3A_64, %get3A_65] {strides = array<i32>} : memref<128x256xf32, #tpu.memory_space<vmem>>, vector<1x16xf32>,
      %get3A_67 = vector.shape_cast %get3A_66 : vector<1x16xf32> to vector<16xf32>
      %get3A_68 = arith.index_cast %mul3A_23 : i32 to index
      %get3A_69 = arith.constant 160 : index
      %get3A_70 = tpu.vector_load %arg7[%get3A_68, %get3A_69] {strides = array<i32>} : memref<128x256xf32, #tpu.memory_space<vmem>>, vector<1x16xf32>,
      %get3A_71 = vector.shape_cast %get3A_70 : vector<1x16xf32> to vector<16xf32>
      %get3A_72 = arith.index_cast %mul3A_23 : i32 to index
      %get3A_73 = arith.constant 176 : index
      %get3A_74 = tpu.vector_load %arg7[%get3A_72, %get3A_73] {strides = array<i32>} : memref<128x256xf32, #tpu.memory_space<vmem>>, vector<1x16xf32>,
      %get3A_75 = vector.shape_cast %get3A_74 : vector<1x16xf32> to vector<16xf32>
      %get3A_76 = arith.index_cast %mul3A_23 : i32 to index
      %get3A_77 = arith.constant 192 : index
      %get3A_78 = tpu.vector_load %arg7[%get3A_76, %get3A_77] {strides = array<i32>} : memref<128x256xf32, #tpu.memory_space<vmem>>, vector<1x16xf32>,
      %get3A_79 = vector.shape_cast %get3A_78 : vector<1x16xf32> to vector<16xf32>
      %get3A_80 = arith.index_cast %mul3A_23 : i32 to index
      %get3A_81 = arith.constant 208 : index
      %get3A_82 = tpu.vector_load %arg7[%get3A_80, %get3A_81] {strides = array<i32>} : memref<128x256xf32, #tpu.memory_space<vmem>>, vector<1x16xf32>,
      %get3A_83 = vector.shape_cast %get3A_82 : vector<1x16xf32> to vector<16xf32>
      %get3A_84 = arith.index_cast %mul3A_23 : i32 to index
      %get3A_85 = arith.constant 224 : index
      %get3A_86 = tpu.vector_load %arg7[%get3A_84, %get3A_85] {strides = array<i32>} : memref<128x256xf32, #tpu.memory_space<vmem>>, vector<1x16xf32>,
      %get3A_87 = vector.shape_cast %get3A_86 : vector<1x16xf32> to vector<16xf32>
      %get3A_88 = arith.index_cast %mul3A_23 : i32 to index
      %get3A_89 = arith.constant 240 : index
      %get3A_90 = tpu.vector_load %arg7[%get3A_88, %get3A_89] {strides = array<i32>} : memref<128x256xf32, #tpu.memory_space<vmem>>, vector<1x16xf32>,
      %get3A_91 = vector.shape_cast %get3A_90 : vector<1x16xf32> to vector<16xf32>
      %broadcast_in_dim3A = arith.constant -3.000000e+38 : f32
      %broadcast_in_dim3A_92 = vector.broadcast %broadcast_in_dim3A : f32 to vector<16xf32>
      %broadcast_in_dim3A_93 = arith.constant -3.000000e+38 : f32
      %broadcast_in_dim3A_94 = vector.broadcast %broadcast_in_dim3A_93 : f32 to vector<16xf32>
      %broadcast_in_dim3A_95 = arith.constant -3.000000e+38 : f32
      %broadcast_in_dim3A_96 = vector.broadcast %broadcast_in_dim3A_95 : f32 to vector<16xf32>
      %broadcast_in_dim3A_97 = arith.constant -3.000000e+38 : f32
      %broadcast_in_dim3A_98 = vector.broadcast %broadcast_in_dim3A_97 : f32 to vector<16xf32>
      %broadcast_in_dim3A_99 = arith.constant -3.000000e+38 : f32
      %broadcast_in_dim3A_100 = vector.broadcast %broadcast_in_dim3A_99 : f32 to vector<16xf32>
      %broadcast_in_dim3A_101 = arith.constant -3.000000e+38 : f32
      %broadcast_in_dim3A_102 = vector.broadcast %broadcast_in_dim3A_101 : f32 to vector<16xf32>
      %broadcast_in_dim3A_103 = arith.constant -3.000000e+38 : f32
      %broadcast_in_dim3A_104 = vector.broadcast %broadcast_in_dim3A_103 : f32 to vector<16xf32>
      %broadcast_in_dim3A_105 = arith.constant -3.000000e+38 : f32
      %broadcast_in_dim3A_106 = vector.broadcast %broadcast_in_dim3A_105 : f32 to vector<16xf32>
      %broadcast_in_dim3A_107 = arith.constant -3.000000e+38 : f32
      %broadcast_in_dim3A_108 = vector.broadcast %broadcast_in_dim3A_107 : f32 to vector<16xf32>
      %broadcast_in_dim3A_109 = arith.constant -3.000000e+38 : f32
      %broadcast_in_dim3A_110 = vector.broadcast %broadcast_in_dim3A_109 : f32 to vector<16xf32>
      %broadcast_in_dim3A_111 = arith.constant -3.000000e+38 : f32
      %broadcast_in_dim3A_112 = vector.broadcast %broadcast_in_dim3A_111 : f32 to vector<16xf32>
      %broadcast_in_dim3A_113 = arith.constant -3.000000e+38 : f32
      %broadcast_in_dim3A_114 = vector.broadcast %broadcast_in_dim3A_113 : f32 to vector<16xf32>
      %broadcast_in_dim3A_115 = arith.constant -3.000000e+38 : f32
      %broadcast_in_dim3A_116 = vector.broadcast %broadcast_in_dim3A_115 : f32 to vector<16xf32>
      %broadcast_in_dim3A_117 = arith.constant -3.000000e+38 : f32
      %broadcast_in_dim3A_118 = vector.broadcast %broadcast_in_dim3A_117 : f32 to vector<16xf32>
      %broadcast_in_dim3A_119 = arith.constant -3.000000e+38 : f32
      %broadcast_in_dim3A_120 = vector.broadcast %broadcast_in_dim3A_119 : f32 to vector<16xf32>
      %broadcast_in_dim3A_121 = arith.constant -3.000000e+38 : f32
      %broadcast_in_dim3A_122 = vector.broadcast %broadcast_in_dim3A_121 : f32 to vector<16xf32>
      %scan3A_123 = arith.constant 3.906250e-03 : f32
      %scan3A_124 = arith.constant 0 : i32
      %scan3A_125 = arith.constant 20 : i32
      %scan3A_126 = arith.addi %scan3A_124, %scan3A_125 : i32
      %scan3A_127 = arith.constant 1 : i32
      %scan3A_128:16 = scf.for %scan3A_411 = %scan3A_124 to %scan3A_126 step %scan3A_127 iter_args(%scan3A_412 = %broadcast_in_dim3A_92, %scan3A_413 = %broadcast_in_dim3A_94, %scan3A_414 = %broadcast_in_dim3A_96, %scan3A_415 = %broadcast_in_dim3A_98, %scan3A_416 = %broadcast_in_dim3A_100, %scan3A_417 = %broadcast_in_dim3A_102, %scan3A_418 = %broadcast_in_dim3A_104, %scan3A_419 = %broadcast_in_dim3A_106, %scan3A_420 = %broadcast_in_dim3A_108, %scan3A_421 = %broadcast_in_dim3A_110, %scan3A_422 = %broadcast_in_dim3A_112, %scan3A_423 = %broadcast_in_dim3A_114, %scan3A_424 = %broadcast_in_dim3A_116, %scan3A_425 = %broadcast_in_dim3A_118, %scan3A_426 = %broadcast_in_dim3A_120, %scan3A_427 = %broadcast_in_dim3A_122) -> (vector<16xf32>, vector<16xf32>, vector<16xf32>, vector<16xf32>, vector<16xf32>, vector<16xf32>, vector<16xf32>, vector<16xf32>, vector<16xf32>, vector<16xf32>, vector<16xf32>, vector<16xf32>, vector<16xf32>, vector<16xf32>, vector<16xf32>, vector<16xf32>)  : i32 {
        %broadcast_in_dim3A_428 = arith.constant 0.000000e+00 : f32
        %broadcast_in_dim3A_429 = vector.broadcast %broadcast_in_dim3A_428 : f32 to vector<16xf32>
        %broadcast_in_dim3A_430 = arith.constant 0.000000e+00 : f32
        %broadcast_in_dim3A_431 = vector.broadcast %broadcast_in_dim3A_430 : f32 to vector<16xf32>
        %get3A_432 = arith.index_cast %scan3A_411 : i32 to index
        %get3A_433 = arith.constant 0 : index
        %get3A_434 = tpu.vector_load %arg9[%get3A_432, %get3A_433] {strides = array<i32>} : memref<24x256xf32, #tpu.memory_space<vmem>>, vector<1x16xf32>,
        %get3A_435 = vector.shape_cast %get3A_434 : vector<1x16xf32> to vector<16xf32>
        %add3A_436 = arith.addf %get3A_435, %get3A_31 : vector<16xf32>
        %add3A_437 = arith.addf %broadcast_in_dim3A_429, %add3A_436 : vector<16xf32>
        %mul3A_438 = arith.mulf %add3A_436, %add3A_436 : vector<16xf32>
        %add3A_439 = arith.addf %broadcast_in_dim3A_431, %mul3A_438 : vector<16xf32>
        %get3A_440 = arith.index_cast %scan3A_411 : i32 to index
        %get3A_441 = arith.constant 16 : index
        %get3A_442 = tpu.vector_load %arg9[%get3A_440, %get3A_441] {strides = array<i32>} : memref<24x256xf32, #tpu.memory_space<vmem>>, vector<1x16xf32>,
        %get3A_443 = vector.shape_cast %get3A_442 : vector<1x16xf32> to vector<16xf32>
        %add3A_444 = arith.addf %get3A_443, %get3A_35 : vector<16xf32>
        %add3A_445 = arith.addf %add3A_437, %add3A_444 : vector<16xf32>
        %mul3A_446 = arith.mulf %add3A_444, %add3A_444 : vector<16xf32>
        %add3A_447 = arith.addf %add3A_439, %mul3A_446 : vector<16xf32>
        %get3A_448 = arith.index_cast %scan3A_411 : i32 to index
        %get3A_449 = arith.constant 32 : index
        %get3A_450 = tpu.vector_load %arg9[%get3A_448, %get3A_449] {strides = array<i32>} : memref<24x256xf32, #tpu.memory_space<vmem>>, vector<1x16xf32>,
        %get3A_451 = vector.shape_cast %get3A_450 : vector<1x16xf32> to vector<16xf32>
        %add3A_452 = arith.addf %get3A_451, %get3A_39 : vector<16xf32>
        %add3A_453 = arith.addf %add3A_445, %add3A_452 : vector<16xf32>
        %mul3A_454 = arith.mulf %add3A_452, %add3A_452 : vector<16xf32>
        %add3A_455 = arith.addf %add3A_447, %mul3A_454 : vector<16xf32>
        %get3A_456 = arith.index_cast %scan3A_411 : i32 to index
        %get3A_457 = arith.constant 48 : index
        %get3A_458 = tpu.vector_load %arg9[%get3A_456, %get3A_457] {strides = array<i32>} : memref<24x256xf32, #tpu.memory_space<vmem>>, vector<1x16xf32>,
        %get3A_459 = vector.shape_cast %get3A_458 : vector<1x16xf32> to vector<16xf32>
        %add3A_460 = arith.addf %get3A_459, %get3A_43 : vector<16xf32>
        %add3A_461 = arith.addf %add3A_453, %add3A_460 : vector<16xf32>
        %mul3A_462 = arith.mulf %add3A_460, %add3A_460 : vector<16xf32>
        %add3A_463 = arith.addf %add3A_455, %mul3A_462 : vector<16xf32>
        %get3A_464 = arith.index_cast %scan3A_411 : i32 to index
        %get3A_465 = arith.constant 64 : index
        %get3A_466 = tpu.vector_load %arg9[%get3A_464, %get3A_465] {strides = array<i32>} : memref<24x256xf32, #tpu.memory_space<vmem>>, vector<1x16xf32>,
        %get3A_467 = vector.shape_cast %get3A_466 : vector<1x16xf32> to vector<16xf32>
        %add3A_468 = arith.addf %get3A_467, %get3A_47 : vector<16xf32>
        %add3A_469 = arith.addf %add3A_461, %add3A_468 : vector<16xf32>
        %mul3A_470 = arith.mulf %add3A_468, %add3A_468 : vector<16xf32>
        %add3A_471 = arith.addf %add3A_463, %mul3A_470 : vector<16xf32>
        %get3A_472 = arith.index_cast %scan3A_411 : i32 to index
        %get3A_473 = arith.constant 80 : index
        %get3A_474 = tpu.vector_load %arg9[%get3A_472, %get3A_473] {strides = array<i32>} : memref<24x256xf32, #tpu.memory_space<vmem>>, vector<1x16xf32>,
        %get3A_475 = vector.shape_cast %get3A_474 : vector<1x16xf32> to vector<16xf32>
        %add3A_476 = arith.addf %get3A_475, %get3A_51 : vector<16xf32>
        %add3A_477 = arith.addf %add3A_469, %add3A_476 : vector<16xf32>
        %mul3A_478 = arith.mulf %add3A_476, %add3A_476 : vector<16xf32>
        %add3A_479 = arith.addf %add3A_471, %mul3A_478 : vector<16xf32>
        %get3A_480 = arith.index_cast %scan3A_411 : i32 to index
        %get3A_481 = arith.constant 96 : index
        %get3A_482 = tpu.vector_load %arg9[%get3A_480, %get3A_481] {strides = array<i32>} : memref<24x256xf32, #tpu.memory_space<vmem>>, vector<1x16xf32>,
        %get3A_483 = vector.shape_cast %get3A_482 : vector<1x16xf32> to vector<16xf32>
        %add3A_484 = arith.addf %get3A_483, %get3A_55 : vector<16xf32>
        %add3A_485 = arith.addf %add3A_477, %add3A_484 : vector<16xf32>
        %mul3A_486 = arith.mulf %add3A_484, %add3A_484 : vector<16xf32>
        %add3A_487 = arith.addf %add3A_479, %mul3A_486 : vector<16xf32>
        %get3A_488 = arith.index_cast %scan3A_411 : i32 to index
        %get3A_489 = arith.constant 112 : index
        %get3A_490 = tpu.vector_load %arg9[%get3A_488, %get3A_489] {strides = array<i32>} : memref<24x256xf32, #tpu.memory_space<vmem>>, vector<1x16xf32>,
        %get3A_491 = vector.shape_cast %get3A_490 : vector<1x16xf32> to vector<16xf32>
        %add3A_492 = arith.addf %get3A_491, %get3A_59 : vector<16xf32>
        %add3A_493 = arith.addf %add3A_485, %add3A_492 : vector<16xf32>
        %mul3A_494 = arith.mulf %add3A_492, %add3A_492 : vector<16xf32>
        %add3A_495 = arith.addf %add3A_487, %mul3A_494 : vector<16xf32>
        %get3A_496 = arith.index_cast %scan3A_411 : i32 to index
        %get3A_497 = arith.constant 128 : index
        %get3A_498 = tpu.vector_load %arg9[%get3A_496, %get3A_497] {strides = array<i32>} : memref<24x256xf32, #tpu.memory_space<vmem>>, vector<1x16xf32>,
        %get3A_499 = vector.shape_cast %get3A_498 : vector<1x16xf32> to vector<16xf32>
        %add3A_500 = arith.addf %get3A_499, %get3A_63 : vector<16xf32>
        %add3A_501 = arith.addf %add3A_493, %add3A_500 : vector<16xf32>
        %mul3A_502 = arith.mulf %add3A_500, %add3A_500 : vector<16xf32>
        %add3A_503 = arith.addf %add3A_495, %mul3A_502 : vector<16xf32>
        %get3A_504 = arith.index_cast %scan3A_411 : i32 to index
        %get3A_505 = arith.constant 144 : index
        %get3A_506 = tpu.vector_load %arg9[%get3A_504, %get3A_505] {strides = array<i32>} : memref<24x256xf32, #tpu.memory_space<vmem>>, vector<1x16xf32>,
        %get3A_507 = vector.shape_cast %get3A_506 : vector<1x16xf32> to vector<16xf32>
        %add3A_508 = arith.addf %get3A_507, %get3A_67 : vector<16xf32>
        %add3A_509 = arith.addf %add3A_501, %add3A_508 : vector<16xf32>
        %mul3A_510 = arith.mulf %add3A_508, %add3A_508 : vector<16xf32>
        %add3A_511 = arith.addf %add3A_503, %mul3A_510 : vector<16xf32>
        %get3A_512 = arith.index_cast %scan3A_411 : i32 to index
        %get3A_513 = arith.constant 160 : index
        %get3A_514 = tpu.vector_load %arg9[%get3A_512, %get3A_513] {strides = array<i32>} : memref<24x256xf32, #tpu.memory_space<vmem>>, vector<1x16xf32>,
        %get3A_515 = vector.shape_cast %get3A_514 : vector<1x16xf32> to vector<16xf32>
        %add3A_516 = arith.addf %get3A_515, %get3A_71 : vector<16xf32>
        %add3A_517 = arith.addf %add3A_509, %add3A_516 : vector<16xf32>
        %mul3A_518 = arith.mulf %add3A_516, %add3A_516 : vector<16xf32>
        %add3A_519 = arith.addf %add3A_511, %mul3A_518 : vector<16xf32>
        %get3A_520 = arith.index_cast %scan3A_411 : i32 to index
        %get3A_521 = arith.constant 176 : index
        %get3A_522 = tpu.vector_load %arg9[%get3A_520, %get3A_521] {strides = array<i32>} : memref<24x256xf32, #tpu.memory_space<vmem>>, vector<1x16xf32>,
        %get3A_523 = vector.shape_cast %get3A_522 : vector<1x16xf32> to vector<16xf32>
        %add3A_524 = arith.addf %get3A_523, %get3A_75 : vector<16xf32>
        %add3A_525 = arith.addf %add3A_517, %add3A_524 : vector<16xf32>
        %mul3A_526 = arith.mulf %add3A_524, %add3A_524 : vector<16xf32>
        %add3A_527 = arith.addf %add3A_519, %mul3A_526 : vector<16xf32>
        %get3A_528 = arith.index_cast %scan3A_411 : i32 to index
        %get3A_529 = arith.constant 192 : index
        %get3A_530 = tpu.vector_load %arg9[%get3A_528, %get3A_529] {strides = array<i32>} : memref<24x256xf32, #tpu.memory_space<vmem>>, vector<1x16xf32>,
        %get3A_531 = vector.shape_cast %get3A_530 : vector<1x16xf32> to vector<16xf32>
        %add3A_532 = arith.addf %get3A_531, %get3A_79 : vector<16xf32>
        %add3A_533 = arith.addf %add3A_525, %add3A_532 : vector<16xf32>
        %mul3A_534 = arith.mulf %add3A_532, %add3A_532 : vector<16xf32>
        %add3A_535 = arith.addf %add3A_527, %mul3A_534 : vector<16xf32>
        %get3A_536 = arith.index_cast %scan3A_411 : i32 to index
        %get3A_537 = arith.constant 208 : index
        %get3A_538 = tpu.vector_load %arg9[%get3A_536, %get3A_537] {strides = array<i32>} : memref<24x256xf32, #tpu.memory_space<vmem>>, vector<1x16xf32>,
        %get3A_539 = vector.shape_cast %get3A_538 : vector<1x16xf32> to vector<16xf32>
        %add3A_540 = arith.addf %get3A_539, %get3A_83 : vector<16xf32>
        %add3A_541 = arith.addf %add3A_533, %add3A_540 : vector<16xf32>
        %mul3A_542 = arith.mulf %add3A_540, %add3A_540 : vector<16xf32>
        %add3A_543 = arith.addf %add3A_535, %mul3A_542 : vector<16xf32>
        %get3A_544 = arith.index_cast %scan3A_411 : i32 to index
        %get3A_545 = arith.constant 224 : index
        %get3A_546 = tpu.vector_load %arg9[%get3A_544, %get3A_545] {strides = array<i32>} : memref<24x256xf32, #tpu.memory_space<vmem>>, vector<1x16xf32>,
        %get3A_547 = vector.shape_cast %get3A_546 : vector<1x16xf32> to vector<16xf32>
        %add3A_548 = arith.addf %get3A_547, %get3A_87 : vector<16xf32>
        %add3A_549 = arith.addf %add3A_541, %add3A_548 : vector<16xf32>
        %mul3A_550 = arith.mulf %add3A_548, %add3A_548 : vector<16xf32>
        %add3A_551 = arith.addf %add3A_543, %mul3A_550 : vector<16xf32>
        %get3A_552 = arith.index_cast %scan3A_411 : i32 to index
        %get3A_553 = arith.constant 240 : index
        %get3A_554 = tpu.vector_load %arg9[%get3A_552, %get3A_553] {strides = array<i32>} : memref<24x256xf32, #tpu.memory_space<vmem>>, vector<1x16xf32>,
        %get3A_555 = vector.shape_cast %get3A_554 : vector<1x16xf32> to vector<16xf32>
        %add3A_556 = arith.addf %get3A_555, %get3A_91 : vector<16xf32>
        %add3A_557 = arith.addf %add3A_549, %add3A_556 : vector<16xf32>
        %mul3A_558 = arith.mulf %add3A_556, %add3A_556 : vector<16xf32>
        %add3A_559 = arith.addf %add3A_551, %mul3A_558 : vector<16xf32>
        %iota3A = tpu.iota {dimensions = array<i32: 0>} : vector<16xi32>
        %xor3A = arith.constant 8 : i32
        %xor3A_560 = vector.broadcast %xor3A : i32 to vector<16xi32>
        %xor3A_561 = arith.xori %iota3A, %xor3A_560 : vector<16xi32>
        %reshape3A = vector.shape_cast %xor3A_561 : vector<16xi32> to vector<16x1xi32>
        %gather3A = vector.shape_cast %reshape3A : vector<16x1xi32> to vector<16xi32>
        %gather3A_562 = tpu.dynamic_gather %add3A_557[%gather3A] in [0] : vector<16xf32>, vector<16xi32> -> vector<16xf32>
        %add3A_563 = arith.addf %add3A_557, %gather3A_562 : vector<16xf32>
        %xor3A_564 = arith.constant 4 : i32
        %xor3A_565 = vector.broadcast %xor3A_564 : i32 to vector<16xi32>
        %xor3A_566 = arith.xori %iota3A, %xor3A_565 : vector<16xi32>
        %reshape3A_567 = vector.shape_cast %xor3A_566 : vector<16xi32> to vector<16x1xi32>
        %gather3A_568 = vector.shape_cast %reshape3A_567 : vector<16x1xi32> to vector<16xi32>
        %gather3A_569 = tpu.dynamic_gather %add3A_563[%gather3A_568] in [0] : vector<16xf32>, vector<16xi32> -> vector<16xf32>
        %add3A_570 = arith.addf %add3A_563, %gather3A_569 : vector<16xf32>
        %xor3A_571 = arith.constant 2 : i32
        %xor3A_572 = vector.broadcast %xor3A_571 : i32 to vector<16xi32>
        %xor3A_573 = arith.xori %iota3A, %xor3A_572 : vector<16xi32>
        %reshape3A_574 = vector.shape_cast %xor3A_573 : vector<16xi32> to vector<16x1xi32>
        %gather3A_575 = vector.shape_cast %reshape3A_574 : vector<16x1xi32> to vector<16xi32>
        %gather3A_576 = tpu.dynamic_gather %add3A_570[%gather3A_575] in [0] : vector<16xf32>, vector<16xi32> -> vector<16xf32>
        %add3A_577 = arith.addf %add3A_570, %gather3A_576 : vector<16xf32>
        %xor3A_578 = arith.constant 1 : i32
        %xor3A_579 = vector.broadcast %xor3A_578 : i32 to vector<16xi32>
        %xor3A_580 = arith.xori %iota3A, %xor3A_579 : vector<16xi32>
        %reshape3A_581 = vector.shape_cast %xor3A_580 : vector<16xi32> to vector<16x1xi32>
        %gather3A_582 = vector.shape_cast %reshape3A_581 : vector<16x1xi32> to vector<16xi32>
        %gather3A_583 = tpu.dynamic_gather %add3A_577[%gather3A_582] in [0] : vector<16xf32>, vector<16xi32> -> vector<16xf32>
        %add3A_584 = arith.addf %add3A_577, %gather3A_583 : vector<16xf32>
        %mul3A_585 = vector.broadcast %scan3A_123 : f32 to vector<16xf32>
        %mul3A_586 = arith.mulf %add3A_584, %mul3A_585 : vector<16xf32>
        %iota3A_587 = tpu.iota {dimensions = array<i32: 0>} : vector<16xi32>
        %xor3A_588 = arith.constant 8 : i32
        %xor3A_589 = vector.broadcast %xor3A_588 : i32 to vector<16xi32>
        %xor3A_590 = arith.xori %iota3A_587, %xor3A_589 : vector<16xi32>
        %reshape3A_591 = vector.shape_cast %xor3A_590 : vector<16xi32> to vector<16x1xi32>
        %gather3A_592 = vector.shape_cast %reshape3A_591 : vector<16x1xi32> to vector<16xi32>
        %gather3A_593 = tpu.dynamic_gather %add3A_559[%gather3A_592] in [0] : vector<16xf32>, vector<16xi32> -> vector<16xf32>
        %add3A_594 = arith.addf %add3A_559, %gather3A_593 : vector<16xf32>
        %xor3A_595 = arith.constant 4 : i32
        %xor3A_596 = vector.broadcast %xor3A_595 : i32 to vector<16xi32>
        %xor3A_597 = arith.xori %iota3A_587, %xor3A_596 : vector<16xi32>
        %reshape3A_598 = vector.shape_cast %xor3A_597 : vector<16xi32> to vector<16x1xi32>
        %gather3A_599 = vector.shape_cast %reshape3A_598 : vector<16x1xi32> to vector<16xi32>
        %gather3A_600 = tpu.dynamic_gather %add3A_594[%gather3A_599] in [0] : vector<16xf32>, vector<16xi32> -> vector<16xf32>
        %add3A_601 = arith.addf %add3A_594, %gather3A_600 : vector<16xf32>
        %xor3A_602 = arith.constant 2 : i32
        %xor3A_603 = vector.broadcast %xor3A_602 : i32 to vector<16xi32>
        %xor3A_604 = arith.xori %iota3A_587, %xor3A_603 : vector<16xi32>
        %reshape3A_605 = vector.shape_cast %xor3A_604 : vector<16xi32> to vector<16x1xi32>
        %gather3A_606 = vector.shape_cast %reshape3A_605 : vector<16x1xi32> to vector<16xi32>
        %gather3A_607 = tpu.dynamic_gather %add3A_601[%gather3A_606] in [0] : vector<16xf32>, vector<16xi32> -> vector<16xf32>
        %add3A_608 = arith.addf %add3A_601, %gather3A_607 : vector<16xf32>
        %xor3A_609 = arith.constant 1 : i32
        %xor3A_610 = vector.broadcast %xor3A_609 : i32 to vector<16xi32>
        %xor3A_611 = arith.xori %iota3A_587, %xor3A_610 : vector<16xi32>
        %reshape3A_612 = vector.shape_cast %xor3A_611 : vector<16xi32> to vector<16x1xi32>
        %gather3A_613 = vector.shape_cast %reshape3A_612 : vector<16x1xi32> to vector<16xi32>
        %gather3A_614 = tpu.dynamic_gather %add3A_608[%gather3A_613] in [0] : vector<16xf32>, vector<16xi32> -> vector<16xf32>
        %add3A_615 = arith.addf %add3A_608, %gather3A_614 : vector<16xf32>
        %mul3A_616 = vector.broadcast %scan3A_123 : f32 to vector<16xf32>
        %mul3A_617 = arith.mulf %add3A_615, %mul3A_616 : vector<16xf32>
        %mul3A_618 = arith.mulf %mul3A_586, %mul3A_586 : vector<16xf32>
        %sub3A = arith.subf %mul3A_617, %mul3A_618 : vector<16xf32>
        %add3A_619 = arith.constant 9.99999974E-6 : f32
        %add3A_620 = vector.broadcast %add3A_619 : f32 to vector<16xf32>
        %add3A_621 = arith.addf %sub3A, %add3A_620 : vector<16xf32>
        %broadcast_in_dim3A_622 = arith.constant 1.000000e+00 : f32
        %broadcast_in_dim3A_623 = vector.broadcast %broadcast_in_dim3A_622 : f32 to vector<16xf32>
        %ge3A = arith.constant 6.553600e+04 : f32
        %ge3A_624 = vector.broadcast %ge3A : f32 to vector<16xf32>
        %ge3A_625 = arith.cmpf oge, %add3A_621, %ge3A_624 : vector<16xf32>
        %mul3A_626 = arith.constant 1.52587891E-5 : f32
        %mul3A_627 = vector.broadcast %mul3A_626 : f32 to vector<16xf32>
        %mul3A_628 = arith.mulf %add3A_621, %mul3A_627 : vector<16xf32>
        %select_n3A = arith.select %ge3A_625, %mul3A_628, %add3A_621 : vector<16xi1>, vector<16xf32>
        %mul3A_629 = arith.constant 3.906250e-03 : f32
        %mul3A_630 = vector.broadcast %mul3A_629 : f32 to vector<16xf32>
        %mul3A_631 = arith.mulf %broadcast_in_dim3A_623, %mul3A_630 : vector<16xf32>
        %select_n3A_632 = arith.select %ge3A_625, %mul3A_631, %broadcast_in_dim3A_623 : vector<16xi1>, vector<16xf32>
        %ge3A_633 = arith.constant 2.560000e+02 : f32
        %ge3A_634 = vector.broadcast %ge3A_633 : f32 to vector<16xf32>
        %ge3A_635 = arith.cmpf oge, %select_n3A, %ge3A_634 : vector<16xf32>
        %mul3A_636 = arith.constant 3.906250e-03 : f32
        %mul3A_637 = vector.broadcast %mul3A_636 : f32 to vector<16xf32>
        %mul3A_638 = arith.mulf %select_n3A, %mul3A_637 : vector<16xf32>
        %select_n3A_639 = arith.select %ge3A_635, %mul3A_638, %select_n3A : vector<16xi1>, vector<16xf32>
        %mul3A_640 = arith.constant 6.250000e-02 : f32
        %mul3A_641 = vector.broadcast %mul3A_640 : f32 to vector<16xf32>
        %mul3A_642 = arith.mulf %select_n3A_632, %mul3A_641 : vector<16xf32>
        %select_n3A_643 = arith.select %ge3A_635, %mul3A_642, %select_n3A_632 : vector<16xi1>, vector<16xf32>
        %ge3A_644 = arith.constant 1.600000e+01 : f32
        %ge3A_645 = vector.broadcast %ge3A_644 : f32 to vector<16xf32>
        %ge3A_646 = arith.cmpf oge, %select_n3A_639, %ge3A_645 : vector<16xf32>
        %mul3A_647 = arith.constant 6.250000e-02 : f32
        %mul3A_648 = vector.broadcast %mul3A_647 : f32 to vector<16xf32>
        %mul3A_649 = arith.mulf %select_n3A_639, %mul3A_648 : vector<16xf32>
        %select_n3A_650 = arith.select %ge3A_646, %mul3A_649, %select_n3A_639 : vector<16xi1>, vector<16xf32>
        %mul3A_651 = arith.constant 2.500000e-01 : f32
        %mul3A_652 = vector.broadcast %mul3A_651 : f32 to vector<16xf32>
        %mul3A_653 = arith.mulf %select_n3A_643, %mul3A_652 : vector<16xf32>
        %select_n3A_654 = arith.select %ge3A_646, %mul3A_653, %select_n3A_643 : vector<16xi1>, vector<16xf32>
        %ge3A_655 = arith.constant 4.000000e+00 : f32
        %ge3A_656 = vector.broadcast %ge3A_655 : f32 to vector<16xf32>
        %ge3A_657 = arith.cmpf oge, %select_n3A_650, %ge3A_656 : vector<16xf32>
        %mul3A_658 = arith.constant 2.500000e-01 : f32
        %mul3A_659 = vector.broadcast %mul3A_658 : f32 to vector<16xf32>
        %mul3A_660 = arith.mulf %select_n3A_650, %mul3A_659 : vector<16xf32>
        %select_n3A_661 = arith.select %ge3A_657, %mul3A_660, %select_n3A_650 : vector<16xi1>, vector<16xf32>
        %mul3A_662 = arith.constant 5.000000e-01 : f32
        %mul3A_663 = vector.broadcast %mul3A_662 : f32 to vector<16xf32>
        %mul3A_664 = arith.mulf %select_n3A_654, %mul3A_663 : vector<16xf32>
        %select_n3A_665 = arith.select %ge3A_657, %mul3A_664, %select_n3A_654 : vector<16xi1>, vector<16xf32>
        %ge3A_666 = arith.constant 2.000000e+00 : f32
        %ge3A_667 = vector.broadcast %ge3A_666 : f32 to vector<16xf32>
        %ge3A_668 = arith.cmpf oge, %select_n3A_661, %ge3A_667 : vector<16xf32>
        %mul3A_669 = arith.constant 5.000000e-01 : f32
        %mul3A_670 = vector.broadcast %mul3A_669 : f32 to vector<16xf32>
        %mul3A_671 = arith.mulf %select_n3A_661, %mul3A_670 : vector<16xf32>
        %select_n3A_672 = arith.select %ge3A_668, %mul3A_671, %select_n3A_661 : vector<16xi1>, vector<16xf32>
        %mul3A_673 = arith.constant 0.707106769 : f32
        %mul3A_674 = vector.broadcast %mul3A_673 : f32 to vector<16xf32>
        %mul3A_675 = arith.mulf %select_n3A_665, %mul3A_674 : vector<16xf32>
        %select_n3A_676 = arith.select %ge3A_668, %mul3A_675, %select_n3A_665 : vector<16xi1>, vector<16xf32>
        %lt3A_677 = arith.constant 1.52587891E-5 : f32
        %lt3A_678 = vector.broadcast %lt3A_677 : f32 to vector<16xf32>
        %lt3A_679 = arith.cmpf olt, %select_n3A_672, %lt3A_678 : vector<16xf32>
        %mul3A_680 = arith.constant 6.553600e+04 : f32
        %mul3A_681 = vector.broadcast %mul3A_680 : f32 to vector<16xf32>
        %mul3A_682 = arith.mulf %select_n3A_672, %mul3A_681 : vector<16xf32>
        %select_n3A_683 = arith.select %lt3A_679, %mul3A_682, %select_n3A_672 : vector<16xi1>, vector<16xf32>
        %mul3A_684 = arith.constant 2.560000e+02 : f32
        %mul3A_685 = vector.broadcast %mul3A_684 : f32 to vector<16xf32>
        %mul3A_686 = arith.mulf %select_n3A_676, %mul3A_685 : vector<16xf32>
        %select_n3A_687 = arith.select %lt3A_679, %mul3A_686, %select_n3A_676 : vector<16xi1>, vector<16xf32>
        %lt3A_688 = arith.constant 3.906250e-03 : f32
        %lt3A_689 = vector.broadcast %lt3A_688 : f32 to vector<16xf32>
        %lt3A_690 = arith.cmpf olt, %select_n3A_683, %lt3A_689 : vector<16xf32>
        %mul3A_691 = arith.constant 2.560000e+02 : f32
        %mul3A_692 = vector.broadcast %mul3A_691 : f32 to vector<16xf32>
        %mul3A_693 = arith.mulf %select_n3A_683, %mul3A_692 : vector<16xf32>
        %select_n3A_694 = arith.select %lt3A_690, %mul3A_693, %select_n3A_683 : vector<16xi1>, vector<16xf32>
        %mul3A_695 = arith.constant 1.600000e+01 : f32
        %mul3A_696 = vector.broadcast %mul3A_695 : f32 to vector<16xf32>
        %mul3A_697 = arith.mulf %select_n3A_687, %mul3A_696 : vector<16xf32>
        %select_n3A_698 = arith.select %lt3A_690, %mul3A_697, %select_n3A_687 : vector<16xi1>, vector<16xf32>
        %lt3A_699 = arith.constant 6.250000e-02 : f32
        %lt3A_700 = vector.broadcast %lt3A_699 : f32 to vector<16xf32>
        %lt3A_701 = arith.cmpf olt, %select_n3A_694, %lt3A_700 : vector<16xf32>
        %mul3A_702 = arith.constant 1.600000e+01 : f32
        %mul3A_703 = vector.broadcast %mul3A_702 : f32 to vector<16xf32>
        %mul3A_704 = arith.mulf %select_n3A_694, %mul3A_703 : vector<16xf32>
        %select_n3A_705 = arith.select %lt3A_701, %mul3A_704, %select_n3A_694 : vector<16xi1>, vector<16xf32>
        %mul3A_706 = arith.constant 4.000000e+00 : f32
        %mul3A_707 = vector.broadcast %mul3A_706 : f32 to vector<16xf32>
        %mul3A_708 = arith.mulf %select_n3A_698, %mul3A_707 : vector<16xf32>
        %select_n3A_709 = arith.select %lt3A_701, %mul3A_708, %select_n3A_698 : vector<16xi1>, vector<16xf32>
        %lt3A_710 = arith.constant 2.500000e-01 : f32
        %lt3A_711 = vector.broadcast %lt3A_710 : f32 to vector<16xf32>
        %lt3A_712 = arith.cmpf olt, %select_n3A_705, %lt3A_711 : vector<16xf32>
        %mul3A_713 = arith.constant 4.000000e+00 : f32
        %mul3A_714 = vector.broadcast %mul3A_713 : f32 to vector<16xf32>
        %mul3A_715 = arith.mulf %select_n3A_705, %mul3A_714 : vector<16xf32>
        %select_n3A_716 = arith.select %lt3A_712, %mul3A_715, %select_n3A_705 : vector<16xi1>, vector<16xf32>
        %mul3A_717 = arith.constant 2.000000e+00 : f32
        %mul3A_718 = vector.broadcast %mul3A_717 : f32 to vector<16xf32>
        %mul3A_719 = arith.mulf %select_n3A_709, %mul3A_718 : vector<16xf32>
        %select_n3A_720 = arith.select %lt3A_712, %mul3A_719, %select_n3A_709 : vector<16xi1>, vector<16xf32>
        %lt3A_721 = arith.constant 5.000000e-01 : f32
        %lt3A_722 = vector.broadcast %lt3A_721 : f32 to vector<16xf32>
        %lt3A_723 = arith.cmpf olt, %select_n3A_716, %lt3A_722 : vector<16xf32>
        %mul3A_724 = arith.constant 2.000000e+00 : f32
        %mul3A_725 = vector.broadcast %mul3A_724 : f32 to vector<16xf32>
        %mul3A_726 = arith.mulf %select_n3A_716, %mul3A_725 : vector<16xf32>
        %select_n3A_727 = arith.select %lt3A_723, %mul3A_726, %select_n3A_716 : vector<16xi1>, vector<16xf32>
        %mul3A_728 = arith.constant 1.41421354 : f32
        %mul3A_729 = vector.broadcast %mul3A_728 : f32 to vector<16xf32>
        %mul3A_730 = arith.mulf %select_n3A_720, %mul3A_729 : vector<16xf32>
        %select_n3A_731 = arith.select %lt3A_723, %mul3A_730, %select_n3A_720 : vector<16xi1>, vector<16xf32>
        %mul3A_732 = arith.constant 4.714000e-01 : f32
        %mul3A_733 = vector.broadcast %mul3A_732 : f32 to vector<16xf32>
        %mul3A_734 = arith.mulf %mul3A_733, %select_n3A_727 : vector<16xf32>
        %sub3A_735 = arith.constant 1.650000e+00 : f32
        %sub3A_736 = vector.broadcast %sub3A_735 : f32 to vector<16xf32>
        %sub3A_737 = arith.subf %sub3A_736, %mul3A_734 : vector<16xf32>
        %mul3A_738 = arith.constant 5.000000e-01 : f32
        %mul3A_739 = vector.broadcast %mul3A_738 : f32 to vector<16xf32>
        %mul3A_740 = arith.mulf %mul3A_739, %select_n3A_727 : vector<16xf32>
        %mul3A_741 = arith.mulf %mul3A_740, %sub3A_737 : vector<16xf32>
        %mul3A_742 = arith.mulf %mul3A_741, %sub3A_737 : vector<16xf32>
        %sub3A_743 = arith.constant 1.500000e+00 : f32
        %sub3A_744 = vector.broadcast %sub3A_743 : f32 to vector<16xf32>
        %sub3A_745 = arith.subf %sub3A_744, %mul3A_742 : vector<16xf32>
        %mul3A_746 = arith.mulf %sub3A_737, %sub3A_745 : vector<16xf32>
        %mul3A_747 = arith.constant 5.000000e-01 : f32
        %mul3A_748 = vector.broadcast %mul3A_747 : f32 to vector<16xf32>
        %mul3A_749 = arith.mulf %mul3A_748, %select_n3A_727 : vector<16xf32>
        %mul3A_750 = arith.mulf %mul3A_749, %mul3A_746 : vector<16xf32>
        %mul3A_751 = arith.mulf %mul3A_750, %mul3A_746 : vector<16xf32>
        %sub3A_752 = arith.constant 1.500000e+00 : f32
        %sub3A_753 = vector.broadcast %sub3A_752 : f32 to vector<16xf32>
        %sub3A_754 = arith.subf %sub3A_753, %mul3A_751 : vector<16xf32>
        %mul3A_755 = arith.mulf %mul3A_746, %sub3A_754 : vector<16xf32>
        %mul3A_756 = arith.constant 5.000000e-01 : f32
        %mul3A_757 = vector.broadcast %mul3A_756 : f32 to vector<16xf32>
        %mul3A_758 = arith.mulf %mul3A_757, %select_n3A_727 : vector<16xf32>
        %mul3A_759 = arith.mulf %mul3A_758, %mul3A_755 : vector<16xf32>
        %mul3A_760 = arith.mulf %mul3A_759, %mul3A_755 : vector<16xf32>
        %sub3A_761 = arith.constant 1.500000e+00 : f32
        %sub3A_762 = vector.broadcast %sub3A_761 : f32 to vector<16xf32>
        %sub3A_763 = arith.subf %sub3A_762, %mul3A_760 : vector<16xf32>
        %mul3A_764 = arith.mulf %mul3A_755, %sub3A_763 : vector<16xf32>
        %mul3A_765 = arith.constant 5.000000e-01 : f32
        %mul3A_766 = vector.broadcast %mul3A_765 : f32 to vector<16xf32>
        %mul3A_767 = arith.mulf %mul3A_766, %select_n3A_727 : vector<16xf32>
        %mul3A_768 = arith.mulf %mul3A_767, %mul3A_764 : vector<16xf32>
        %mul3A_769 = arith.mulf %mul3A_768, %mul3A_764 : vector<16xf32>
        %sub3A_770 = arith.constant 1.500000e+00 : f32
        %sub3A_771 = vector.broadcast %sub3A_770 : f32 to vector<16xf32>
        %sub3A_772 = arith.subf %sub3A_771, %mul3A_769 : vector<16xf32>
        %mul3A_773 = arith.mulf %mul3A_764, %sub3A_772 : vector<16xf32>
        %mul3A_774 = arith.mulf %mul3A_773, %select_n3A_731 : vector<16xf32>
        %sub3A_775 = arith.subf %add3A_436, %mul3A_586 : vector<16xf32>
        %mul3A_776 = arith.mulf %sub3A_775, %mul3A_774 : vector<16xf32>
        %mul3A_777 = arith.constant 2.000000e-01 : f32
        %mul3A_778 = vector.broadcast %mul3A_777 : f32 to vector<16xf32>
        %mul3A_779 = arith.mulf %mul3A_778, %mul3A_776 : vector<16xf32>
        %max3A = arith.maximumf %mul3A_776, %mul3A_779 : vector<16xf32>
        %max3A_780 = arith.maximumf %scan3A_412, %max3A : vector<16xf32>
        %sub3A_781 = arith.subf %add3A_444, %mul3A_586 : vector<16xf32>
        %mul3A_782 = arith.mulf %sub3A_781, %mul3A_774 : vector<16xf32>
        %mul3A_783 = arith.constant 2.000000e-01 : f32
        %mul3A_784 = vector.broadcast %mul3A_783 : f32 to vector<16xf32>
        %mul3A_785 = arith.mulf %mul3A_784, %mul3A_782 : vector<16xf32>
        %max3A_786 = arith.maximumf %mul3A_782, %mul3A_785 : vector<16xf32>
        %max3A_787 = arith.maximumf %scan3A_413, %max3A_786 : vector<16xf32>
        %sub3A_788 = arith.subf %add3A_452, %mul3A_586 : vector<16xf32>
        %mul3A_789 = arith.mulf %sub3A_788, %mul3A_774 : vector<16xf32>
        %mul3A_790 = arith.constant 2.000000e-01 : f32
        %mul3A_791 = vector.broadcast %mul3A_790 : f32 to vector<16xf32>
        %mul3A_792 = arith.mulf %mul3A_791, %mul3A_789 : vector<16xf32>
        %max3A_793 = arith.maximumf %mul3A_789, %mul3A_792 : vector<16xf32>
        %max3A_794 = arith.maximumf %scan3A_414, %max3A_793 : vector<16xf32>
        %sub3A_795 = arith.subf %add3A_460, %mul3A_586 : vector<16xf32>
        %mul3A_796 = arith.mulf %sub3A_795, %mul3A_774 : vector<16xf32>
        %mul3A_797 = arith.constant 2.000000e-01 : f32
        %mul3A_798 = vector.broadcast %mul3A_797 : f32 to vector<16xf32>
        %mul3A_799 = arith.mulf %mul3A_798, %mul3A_796 : vector<16xf32>
        %max3A_800 = arith.maximumf %mul3A_796, %mul3A_799 : vector<16xf32>
        %max3A_801 = arith.maximumf %scan3A_415, %max3A_800 : vector<16xf32>
        %sub3A_802 = arith.subf %add3A_468, %mul3A_586 : vector<16xf32>
        %mul3A_803 = arith.mulf %sub3A_802, %mul3A_774 : vector<16xf32>
        %mul3A_804 = arith.constant 2.000000e-01 : f32
        %mul3A_805 = vector.broadcast %mul3A_804 : f32 to vector<16xf32>
        %mul3A_806 = arith.mulf %mul3A_805, %mul3A_803 : vector<16xf32>
        %max3A_807 = arith.maximumf %mul3A_803, %mul3A_806 : vector<16xf32>
        %max3A_808 = arith.maximumf %scan3A_416, %max3A_807 : vector<16xf32>
        %sub3A_809 = arith.subf %add3A_476, %mul3A_586 : vector<16xf32>
        %mul3A_810 = arith.mulf %sub3A_809, %mul3A_774 : vector<16xf32>
        %mul3A_811 = arith.constant 2.000000e-01 : f32
        %mul3A_812 = vector.broadcast %mul3A_811 : f32 to vector<16xf32>
        %mul3A_813 = arith.mulf %mul3A_812, %mul3A_810 : vector<16xf32>
        %max3A_814 = arith.maximumf %mul3A_810, %mul3A_813 : vector<16xf32>
        %max3A_815 = arith.maximumf %scan3A_417, %max3A_814 : vector<16xf32>
        %sub3A_816 = arith.subf %add3A_484, %mul3A_586 : vector<16xf32>
        %mul3A_817 = arith.mulf %sub3A_816, %mul3A_774 : vector<16xf32>
        %mul3A_818 = arith.constant 2.000000e-01 : f32
        %mul3A_819 = vector.broadcast %mul3A_818 : f32 to vector<16xf32>
        %mul3A_820 = arith.mulf %mul3A_819, %mul3A_817 : vector<16xf32>
        %max3A_821 = arith.maximumf %mul3A_817, %mul3A_820 : vector<16xf32>
        %max3A_822 = arith.maximumf %scan3A_418, %max3A_821 : vector<16xf32>
        %sub3A_823 = arith.subf %add3A_492, %mul3A_586 : vector<16xf32>
        %mul3A_824 = arith.mulf %sub3A_823, %mul3A_774 : vector<16xf32>
        %mul3A_825 = arith.constant 2.000000e-01 : f32
        %mul3A_826 = vector.broadcast %mul3A_825 : f32 to vector<16xf32>
        %mul3A_827 = arith.mulf %mul3A_826, %mul3A_824 : vector<16xf32>
        %max3A_828 = arith.maximumf %mul3A_824, %mul3A_827 : vector<16xf32>
        %max3A_829 = arith.maximumf %scan3A_419, %max3A_828 : vector<16xf32>
        %sub3A_830 = arith.subf %add3A_500, %mul3A_586 : vector<16xf32>
        %mul3A_831 = arith.mulf %sub3A_830, %mul3A_774 : vector<16xf32>
        %mul3A_832 = arith.constant 2.000000e-01 : f32
        %mul3A_833 = vector.broadcast %mul3A_832 : f32 to vector<16xf32>
        %mul3A_834 = arith.mulf %mul3A_833, %mul3A_831 : vector<16xf32>
        %max3A_835 = arith.maximumf %mul3A_831, %mul3A_834 : vector<16xf32>
        %max3A_836 = arith.maximumf %scan3A_420, %max3A_835 : vector<16xf32>
        %sub3A_837 = arith.subf %add3A_508, %mul3A_586 : vector<16xf32>
        %mul3A_838 = arith.mulf %sub3A_837, %mul3A_774 : vector<16xf32>
        %mul3A_839 = arith.constant 2.000000e-01 : f32
        %mul3A_840 = vector.broadcast %mul3A_839 : f32 to vector<16xf32>
        %mul3A_841 = arith.mulf %mul3A_840, %mul3A_838 : vector<16xf32>
        %max3A_842 = arith.maximumf %mul3A_838, %mul3A_841 : vector<16xf32>
        %max3A_843 = arith.maximumf %scan3A_421, %max3A_842 : vector<16xf32>
        %sub3A_844 = arith.subf %add3A_516, %mul3A_586 : vector<16xf32>
        %mul3A_845 = arith.mulf %sub3A_844, %mul3A_774 : vector<16xf32>
        %mul3A_846 = arith.constant 2.000000e-01 : f32
        %mul3A_847 = vector.broadcast %mul3A_846 : f32 to vector<16xf32>
        %mul3A_848 = arith.mulf %mul3A_847, %mul3A_845 : vector<16xf32>
        %max3A_849 = arith.maximumf %mul3A_845, %mul3A_848 : vector<16xf32>
        %max3A_850 = arith.maximumf %scan3A_422, %max3A_849 : vector<16xf32>
        %sub3A_851 = arith.subf %add3A_524, %mul3A_586 : vector<16xf32>
        %mul3A_852 = arith.mulf %sub3A_851, %mul3A_774 : vector<16xf32>
        %mul3A_853 = arith.constant 2.000000e-01 : f32
        %mul3A_854 = vector.broadcast %mul3A_853 : f32 to vector<16xf32>
        %mul3A_855 = arith.mulf %mul3A_854, %mul3A_852 : vector<16xf32>
        %max3A_856 = arith.maximumf %mul3A_852, %mul3A_855 : vector<16xf32>
        %max3A_857 = arith.maximumf %scan3A_423, %max3A_856 : vector<16xf32>
        %sub3A_858 = arith.subf %add3A_532, %mul3A_586 : vector<16xf32>
        %mul3A_859 = arith.mulf %sub3A_858, %mul3A_774 : vector<16xf32>
        %mul3A_860 = arith.constant 2.000000e-01 : f32
        %mul3A_861 = vector.broadcast %mul3A_860 : f32 to vector<16xf32>
        %mul3A_862 = arith.mulf %mul3A_861, %mul3A_859 : vector<16xf32>
        %max3A_863 = arith.maximumf %mul3A_859, %mul3A_862 : vector<16xf32>
        %max3A_864 = arith.maximumf %scan3A_424, %max3A_863 : vector<16xf32>
        %sub3A_865 = arith.subf %add3A_540, %mul3A_586 : vector<16xf32>
        %mul3A_866 = arith.mulf %sub3A_865, %mul3A_774 : vector<16xf32>
        %mul3A_867 = arith.constant 2.000000e-01 : f32
        %mul3A_868 = vector.broadcast %mul3A_867 : f32 to vector<16xf32>
        %mul3A_869 = arith.mulf %mul3A_868, %mul3A_866 : vector<16xf32>
        %max3A_870 = arith.maximumf %mul3A_866, %mul3A_869 : vector<16xf32>
        %max3A_871 = arith.maximumf %scan3A_425, %max3A_870 : vector<16xf32>
        %sub3A_872 = arith.subf %add3A_548, %mul3A_586 : vector<16xf32>
        %mul3A_873 = arith.mulf %sub3A_872, %mul3A_774 : vector<16xf32>
        %mul3A_874 = arith.constant 2.000000e-01 : f32
        %mul3A_875 = vector.broadcast %mul3A_874 : f32 to vector<16xf32>
        %mul3A_876 = arith.mulf %mul3A_875, %mul3A_873 : vector<16xf32>
        %max3A_877 = arith.maximumf %mul3A_873, %mul3A_876 : vector<16xf32>
        %max3A_878 = arith.maximumf %scan3A_426, %max3A_877 : vector<16xf32>
        %sub3A_879 = arith.subf %add3A_556, %mul3A_586 : vector<16xf32>
        %mul3A_880 = arith.mulf %sub3A_879, %mul3A_774 : vector<16xf32>
        %mul3A_881 = arith.constant 2.000000e-01 : f32
        %mul3A_882 = vector.broadcast %mul3A_881 : f32 to vector<16xf32>
        %mul3A_883 = arith.mulf %mul3A_882, %mul3A_880 : vector<16xf32>
        %max3A_884 = arith.maximumf %mul3A_880, %mul3A_883 : vector<16xf32>
        %max3A_885 = arith.maximumf %scan3A_427, %max3A_884 : vector<16xf32>
        scf.yield %max3A_780, %max3A_787, %max3A_794, %max3A_801, %max3A_808, %max3A_815, %max3A_822, %max3A_829, %max3A_836, %max3A_843, %max3A_850, %max3A_857, %max3A_864, %max3A_871, %max3A_878, %max3A_885 : vector<16xf32>, vector<16xf32>, vector<16xf32>, vector<16xf32>, vector<16xf32>, vector<16xf32>, vector<16xf32>, vector<16xf32>, vector<16xf32>, vector<16xf32>, vector<16xf32>, vector<16xf32>, vector<16xf32>, vector<16xf32>, vector<16xf32>, vector<16xf32>
      }
      %scan3A_129 = arith.constant 20 : i32
      %swap3A = arith.index_cast %mul3A_23 : i32 to index
      %swap3A_130 = arith.constant 0 : index
      %swap3A_131 = tpu.vector_load %arg8[%swap3A, %swap3A_130] {strides = array<i32>} : memref<128x256xf32, #tpu.memory_space<vmem>>, vector<1x16xf32>,
      %swap3A_132 = vector.shape_cast %swap3A_131 : vector<1x16xf32> to vector<16xf32>
      %swap3A_133 = vector.shape_cast %scan3A_128#0 : vector<16xf32> to vector<1x16xf32>
      tpu.vector_store %arg8[%swap3A, %swap3A_130], %swap3A_133 {strides = array<i32>} : memref<128x256xf32, #tpu.memory_space<vmem>>, vector<1x16xf32>,
      %swap3A_134 = arith.index_cast %mul3A_23 : i32 to index
      %swap3A_135 = arith.constant 16 : index
      %swap3A_136 = tpu.vector_load %arg8[%swap3A_134, %swap3A_135] {strides = array<i32>} : memref<128x256xf32, #tpu.memory_space<vmem>>, vector<1x16xf32>,
      %swap3A_137 = vector.shape_cast %swap3A_136 : vector<1x16xf32> to vector<16xf32>
      %swap3A_138 = vector.shape_cast %scan3A_128#1 : vector<16xf32> to vector<1x16xf32>
      tpu.vector_store %arg8[%swap3A_134, %swap3A_135], %swap3A_138 {strides = array<i32>} : memref<128x256xf32, #tpu.memory_space<vmem>>, vector<1x16xf32>,
      %swap3A_139 = arith.index_cast %mul3A_23 : i32 to index
      %swap3A_140 = arith.constant 32 : index
      %swap3A_141 = tpu.vector_load %arg8[%swap3A_139, %swap3A_140] {strides = array<i32>} : memref<128x256xf32, #tpu.memory_space<vmem>>, vector<1x16xf32>,
      %swap3A_142 = vector.shape_cast %swap3A_141 : vector<1x16xf32> to vector<16xf32>
      %swap3A_143 = vector.shape_cast %scan3A_128#2 : vector<16xf32> to vector<1x16xf32>
      tpu.vector_store %arg8[%swap3A_139, %swap3A_140], %swap3A_143 {strides = array<i32>} : memref<128x256xf32, #tpu.memory_space<vmem>>, vector<1x16xf32>,
      %swap3A_144 = arith.index_cast %mul3A_23 : i32 to index
      %swap3A_145 = arith.constant 48 : index
      %swap3A_146 = tpu.vector_load %arg8[%swap3A_144, %swap3A_145] {strides = array<i32>} : memref<128x256xf32, #tpu.memory_space<vmem>>, vector<1x16xf32>,
      %swap3A_147 = vector.shape_cast %swap3A_146 : vector<1x16xf32> to vector<16xf32>
      %swap3A_148 = vector.shape_cast %scan3A_128#3 : vector<16xf32> to vector<1x16xf32>
      tpu.vector_store %arg8[%swap3A_144, %swap3A_145], %swap3A_148 {strides = array<i32>} : memref<128x256xf32, #tpu.memory_space<vmem>>, vector<1x16xf32>,
      %swap3A_149 = arith.index_cast %mul3A_23 : i32 to index
      %swap3A_150 = arith.constant 64 : index
      %swap3A_151 = tpu.vector_load %arg8[%swap3A_149, %swap3A_150] {strides = array<i32>} : memref<128x256xf32, #tpu.memory_space<vmem>>, vector<1x16xf32>,
      %swap3A_152 = vector.shape_cast %swap3A_151 : vector<1x16xf32> to vector<16xf32>
      %swap3A_153 = vector.shape_cast %scan3A_128#4 : vector<16xf32> to vector<1x16xf32>
      tpu.vector_store %arg8[%swap3A_149, %swap3A_150], %swap3A_153 {strides = array<i32>} : memref<128x256xf32, #tpu.memory_space<vmem>>, vector<1x16xf32>,
      %swap3A_154 = arith.index_cast %mul3A_23 : i32 to index
      %swap3A_155 = arith.constant 80 : index
      %swap3A_156 = tpu.vector_load %arg8[%swap3A_154, %swap3A_155] {strides = array<i32>} : memref<128x256xf32, #tpu.memory_space<vmem>>, vector<1x16xf32>,
      %swap3A_157 = vector.shape_cast %swap3A_156 : vector<1x16xf32> to vector<16xf32>
      %swap3A_158 = vector.shape_cast %scan3A_128#5 : vector<16xf32> to vector<1x16xf32>
      tpu.vector_store %arg8[%swap3A_154, %swap3A_155], %swap3A_158 {strides = array<i32>} : memref<128x256xf32, #tpu.memory_space<vmem>>, vector<1x16xf32>,
      %swap3A_159 = arith.index_cast %mul3A_23 : i32 to index
      %swap3A_160 = arith.constant 96 : index
      %swap3A_161 = tpu.vector_load %arg8[%swap3A_159, %swap3A_160] {strides = array<i32>} : memref<128x256xf32, #tpu.memory_space<vmem>>, vector<1x16xf32>,
      %swap3A_162 = vector.shape_cast %swap3A_161 : vector<1x16xf32> to vector<16xf32>
      %swap3A_163 = vector.shape_cast %scan3A_128#6 : vector<16xf32> to vector<1x16xf32>
      tpu.vector_store %arg8[%swap3A_159, %swap3A_160], %swap3A_163 {strides = array<i32>} : memref<128x256xf32, #tpu.memory_space<vmem>>, vector<1x16xf32>,
      %swap3A_164 = arith.index_cast %mul3A_23 : i32 to index
      %swap3A_165 = arith.constant 112 : index
      %swap3A_166 = tpu.vector_load %arg8[%swap3A_164, %swap3A_165] {strides = array<i32>} : memref<128x256xf32, #tpu.memory_space<vmem>>, vector<1x16xf32>,
      %swap3A_167 = vector.shape_cast %swap3A_166 : vector<1x16xf32> to vector<16xf32>
      %swap3A_168 = vector.shape_cast %scan3A_128#7 : vector<16xf32> to vector<1x16xf32>
      tpu.vector_store %arg8[%swap3A_164, %swap3A_165], %swap3A_168 {strides = array<i32>} : memref<128x256xf32, #tpu.memory_space<vmem>>, vector<1x16xf32>,
      %swap3A_169 = arith.index_cast %mul3A_23 : i32 to index
      %swap3A_170 = arith.constant 128 : index
      %swap3A_171 = tpu.vector_load %arg8[%swap3A_169, %swap3A_170] {strides = array<i32>} : memref<128x256xf32, #tpu.memory_space<vmem>>, vector<1x16xf32>,
      %swap3A_172 = vector.shape_cast %swap3A_171 : vector<1x16xf32> to vector<16xf32>
      %swap3A_173 = vector.shape_cast %scan3A_128#8 : vector<16xf32> to vector<1x16xf32>
      tpu.vector_store %arg8[%swap3A_169, %swap3A_170], %swap3A_173 {strides = array<i32>} : memref<128x256xf32, #tpu.memory_space<vmem>>, vector<1x16xf32>,
      %swap3A_174 = arith.index_cast %mul3A_23 : i32 to index
      %swap3A_175 = arith.constant 144 : index
      %swap3A_176 = tpu.vector_load %arg8[%swap3A_174, %swap3A_175] {strides = array<i32>} : memref<128x256xf32, #tpu.memory_space<vmem>>, vector<1x16xf32>,
      %swap3A_177 = vector.shape_cast %swap3A_176 : vector<1x16xf32> to vector<16xf32>
      %swap3A_178 = vector.shape_cast %scan3A_128#9 : vector<16xf32> to vector<1x16xf32>
      tpu.vector_store %arg8[%swap3A_174, %swap3A_175], %swap3A_178 {strides = array<i32>} : memref<128x256xf32, #tpu.memory_space<vmem>>, vector<1x16xf32>,
      %swap3A_179 = arith.index_cast %mul3A_23 : i32 to index
      %swap3A_180 = arith.constant 160 : index
      %swap3A_181 = tpu.vector_load %arg8[%swap3A_179, %swap3A_180] {strides = array<i32>} : memref<128x256xf32, #tpu.memory_space<vmem>>, vector<1x16xf32>,
      %swap3A_182 = vector.shape_cast %swap3A_181 : vector<1x16xf32> to vector<16xf32>
      %swap3A_183 = vector.shape_cast %scan3A_128#10 : vector<16xf32> to vector<1x16xf32>
      tpu.vector_store %arg8[%swap3A_179, %swap3A_180], %swap3A_183 {strides = array<i32>} : memref<128x256xf32, #tpu.memory_space<vmem>>, vector<1x16xf32>,
      %swap3A_184 = arith.index_cast %mul3A_23 : i32 to index
      %swap3A_185 = arith.constant 176 : index
      %swap3A_186 = tpu.vector_load %arg8[%swap3A_184, %swap3A_185] {strides = array<i32>} : memref<128x256xf32, #tpu.memory_space<vmem>>, vector<1x16xf32>,
      %swap3A_187 = vector.shape_cast %swap3A_186 : vector<1x16xf32> to vector<16xf32>
      %swap3A_188 = vector.shape_cast %scan3A_128#11 : vector<16xf32> to vector<1x16xf32>
      tpu.vector_store %arg8[%swap3A_184, %swap3A_185], %swap3A_188 {strides = array<i32>} : memref<128x256xf32, #tpu.memory_space<vmem>>, vector<1x16xf32>,
      %swap3A_189 = arith.index_cast %mul3A_23 : i32 to index
      %swap3A_190 = arith.constant 192 : index
      %swap3A_191 = tpu.vector_load %arg8[%swap3A_189, %swap3A_190] {strides = array<i32>} : memref<128x256xf32, #tpu.memory_space<vmem>>, vector<1x16xf32>,
      %swap3A_192 = vector.shape_cast %swap3A_191 : vector<1x16xf32> to vector<16xf32>
      %swap3A_193 = vector.shape_cast %scan3A_128#12 : vector<16xf32> to vector<1x16xf32>
      tpu.vector_store %arg8[%swap3A_189, %swap3A_190], %swap3A_193 {strides = array<i32>} : memref<128x256xf32, #tpu.memory_space<vmem>>, vector<1x16xf32>,
      %swap3A_194 = arith.index_cast %mul3A_23 : i32 to index
      %swap3A_195 = arith.constant 208 : index
      %swap3A_196 = tpu.vector_load %arg8[%swap3A_194, %swap3A_195] {strides = array<i32>} : memref<128x256xf32, #tpu.memory_space<vmem>>, vector<1x16xf32>,
      %swap3A_197 = vector.shape_cast %swap3A_196 : vector<1x16xf32> to vector<16xf32>
      %swap3A_198 = vector.shape_cast %scan3A_128#13 : vector<16xf32> to vector<1x16xf32>
      tpu.vector_store %arg8[%swap3A_194, %swap3A_195], %swap3A_198 {strides = array<i32>} : memref<128x256xf32, #tpu.memory_space<vmem>>, vector<1x16xf32>,
      %swap3A_199 = arith.index_cast %mul3A_23 : i32 to index
      %swap3A_200 = arith.constant 224 : index
      %swap3A_201 = tpu.vector_load %arg8[%swap3A_199, %swap3A_200] {strides = array<i32>} : memref<128x256xf32, #tpu.memory_space<vmem>>, vector<1x16xf32>,
      %swap3A_202 = vector.shape_cast %swap3A_201 : vector<1x16xf32> to vector<16xf32>
      %swap3A_203 = vector.shape_cast %scan3A_128#14 : vector<16xf32> to vector<1x16xf32>
      tpu.vector_store %arg8[%swap3A_199, %swap3A_200], %swap3A_203 {strides = array<i32>} : memref<128x256xf32, #tpu.memory_space<vmem>>, vector<1x16xf32>,
      %swap3A_204 = arith.index_cast %mul3A_23 : i32 to index
      %swap3A_205 = arith.constant 240 : index
      %swap3A_206 = tpu.vector_load %arg8[%swap3A_204, %swap3A_205] {strides = array<i32>} : memref<128x256xf32, #tpu.memory_space<vmem>>, vector<1x16xf32>,
      %swap3A_207 = vector.shape_cast %swap3A_206 : vector<1x16xf32> to vector<16xf32>
      %swap3A_208 = vector.shape_cast %scan3A_128#15 : vector<16xf32> to vector<1x16xf32>
      tpu.vector_store %arg8[%swap3A_204, %swap3A_205], %swap3A_208 {strides = array<i32>} : memref<128x256xf32, #tpu.memory_space<vmem>>, vector<1x16xf32>,
      %add3A_209 = arith.constant 2 : i32
      %add3A_210 = arith.addi %mul3A_23, %add3A_209 : i32
      %lt3A = arith.constant 128 : i32
      %lt3A_211 = arith.cmpi slt, %add3A_210, %lt3A : i32
      %convert_element_type3A = arith.extui %lt3A_211 : i1 to i32
      %cond3A = arith.constant 0 : i32
      %cond3A_212 = arith.cmpi ne, %convert_element_type3A, %cond3A : i32
      scf.if %cond3A_212 {
        %add3A_411 = arith.constant 2 : i32
        %add3A_412 = arith.addi %mul3A_23, %add3A_411 : i32
        %dma_start3A_413 = arith.constant 0 : i32
        %dma_start3A_414 = tpu.memref_slice %arg6[%add3A_412, %dma_start3A_413] : memref<128x24xi32, #tpu.memory_space<vmem>> -> memref<1x24xi32, #tpu.memory_space<vmem>>
        %dma_start3A_415 = tpu.memref_squeeze %dma_start3A_414 : memref<1x24xi32, #tpu.memory_space<vmem>> -> memref<24xi32, #tpu.memory_space<vmem>>
        %dma_start3A_416 = arith.constant 0 : i32
        %dma_start3A_417 = arith.constant 0 : i32
        %dma_start3A_418 = tpu.memref_slice %arg2[%dma_start3A_416, %dma_start3A_417] : memref<4096x256xf32, #tpu.memory_space<hbm>> -> memref<4096x256xf32, #tpu.memory_space<hbm>>
        tpu.enqueue_indirect_dma source(%dma_start3A_418 : memref<4096x256xf32, #tpu.memory_space<hbm>>) target(%arg9 : memref<24x256xf32, #tpu.memory_space<vmem>>) offsets(%dma_start3A_415 : memref<24xi32, #tpu.memory_space<vmem>>) semaphore(%arg11 : memref<!tpu.dma_semaphore, #tpu.memory_space<semaphore_mem>>)
      } else {
      }
      %add3A_213 = arith.constant 1 : i32
      %add3A_214 = arith.addi %mul3A_23, %add3A_213 : i32
      %dma_wait3A_215 = arith.constant 0 : i32
      %dma_wait3A_216 = tpu.memref_slice %arg6[%add3A_214, %dma_wait3A_215] : memref<128x24xi32, #tpu.memory_space<vmem>> -> memref<1x24xi32, #tpu.memory_space<vmem>>
      %dma_wait3A_217 = tpu.memref_squeeze %dma_wait3A_216 : memref<1x24xi32, #tpu.memory_space<vmem>> -> memref<24xi32, #tpu.memory_space<vmem>>
      %dma_wait3A_218 = arith.constant 0 : i32
      %dma_wait3A_219 = arith.constant 0 : i32
      %dma_wait3A_220 = tpu.memref_slice %arg2[%dma_wait3A_218, %dma_wait3A_219] : memref<4096x256xf32, #tpu.memory_space<hbm>> -> memref<4096x256xf32, #tpu.memory_space<hbm>>
      tpu.wait_indirect_dma semaphore(%arg12 : memref<!tpu.dma_semaphore, #tpu.memory_space<semaphore_mem>>) src(%dma_wait3A_220 : memref<4096x256xf32, #tpu.memory_space<hbm>>) dst(%arg10 : memref<24x256xf32, #tpu.memory_space<vmem>>)
      %get3A_221 = arith.index_cast %add3A_214 : i32 to index
      %get3A_222 = arith.constant 0 : index
      %get3A_223 = tpu.vector_load %arg7[%get3A_221, %get3A_222] {strides = array<i32>} : memref<128x256xf32, #tpu.memory_space<vmem>>, vector<1x16xf32>,
      %get3A_224 = vector.shape_cast %get3A_223 : vector<1x16xf32> to vector<16xf32>
      %get3A_225 = arith.index_cast %add3A_214 : i32 to index
      %get3A_226 = arith.constant 16 : index
      %get3A_227 = tpu.vector_load %arg7[%get3A_225, %get3A_226] {strides = array<i32>} : memref<128x256xf32, #tpu.memory_space<vmem>>, vector<1x16xf32>,
      %get3A_228 = vector.shape_cast %get3A_227 : vector<1x16xf32> to vector<16xf32>
      %get3A_229 = arith.index_cast %add3A_214 : i32 to index
      %get3A_230 = arith.constant 32 : index
      %get3A_231 = tpu.vector_load %arg7[%get3A_229, %get3A_230] {strides = array<i32>} : memref<128x256xf32, #tpu.memory_space<vmem>>, vector<1x16xf32>,
      %get3A_232 = vector.shape_cast %get3A_231 : vector<1x16xf32> to vector<16xf32>
      %get3A_233 = arith.index_cast %add3A_214 : i32 to index
      %get3A_234 = arith.constant 48 : index
      %get3A_235 = tpu.vector_load %arg7[%get3A_233, %get3A_234] {strides = array<i32>} : memref<128x256xf32, #tpu.memory_space<vmem>>, vector<1x16xf32>,
      %get3A_236 = vector.shape_cast %get3A_235 : vector<1x16xf32> to vector<16xf32>
      %get3A_237 = arith.index_cast %add3A_214 : i32 to index
      %get3A_238 = arith.constant 64 : index
      %get3A_239 = tpu.vector_load %arg7[%get3A_237, %get3A_238] {strides = array<i32>} : memref<128x256xf32, #tpu.memory_space<vmem>>, vector<1x16xf32>,
      %get3A_240 = vector.shape_cast %get3A_239 : vector<1x16xf32> to vector<16xf32>
      %get3A_241 = arith.index_cast %add3A_214 : i32 to index
      %get3A_242 = arith.constant 80 : index
      %get3A_243 = tpu.vector_load %arg7[%get3A_241, %get3A_242] {strides = array<i32>} : memref<128x256xf32, #tpu.memory_space<vmem>>, vector<1x16xf32>,
      %get3A_244 = vector.shape_cast %get3A_243 : vector<1x16xf32> to vector<16xf32>
      %get3A_245 = arith.index_cast %add3A_214 : i32 to index
      %get3A_246 = arith.constant 96 : index
      %get3A_247 = tpu.vector_load %arg7[%get3A_245, %get3A_246] {strides = array<i32>} : memref<128x256xf32, #tpu.memory_space<vmem>>, vector<1x16xf32>,
      %get3A_248 = vector.shape_cast %get3A_247 : vector<1x16xf32> to vector<16xf32>
      %get3A_249 = arith.index_cast %add3A_214 : i32 to index
      %get3A_250 = arith.constant 112 : index
      %get3A_251 = tpu.vector_load %arg7[%get3A_249, %get3A_250] {strides = array<i32>} : memref<128x256xf32, #tpu.memory_space<vmem>>, vector<1x16xf32>,
      %get3A_252 = vector.shape_cast %get3A_251 : vector<1x16xf32> to vector<16xf32>
      %get3A_253 = arith.index_cast %add3A_214 : i32 to index
      %get3A_254 = arith.constant 128 : index
      %get3A_255 = tpu.vector_load %arg7[%get3A_253, %get3A_254] {strides = array<i32>} : memref<128x256xf32, #tpu.memory_space<vmem>>, vector<1x16xf32>,
      %get3A_256 = vector.shape_cast %get3A_255 : vector<1x16xf32> to vector<16xf32>
      %get3A_257 = arith.index_cast %add3A_214 : i32 to index
      %get3A_258 = arith.constant 144 : index
      %get3A_259 = tpu.vector_load %arg7[%get3A_257, %get3A_258] {strides = array<i32>} : memref<128x256xf32, #tpu.memory_space<vmem>>, vector<1x16xf32>,
      %get3A_260 = vector.shape_cast %get3A_259 : vector<1x16xf32> to vector<16xf32>
      %get3A_261 = arith.index_cast %add3A_214 : i32 to index
      %get3A_262 = arith.constant 160 : index
      %get3A_263 = tpu.vector_load %arg7[%get3A_261, %get3A_262] {strides = array<i32>} : memref<128x256xf32, #tpu.memory_space<vmem>>, vector<1x16xf32>,
      %get3A_264 = vector.shape_cast %get3A_263 : vector<1x16xf32> to vector<16xf32>
      %get3A_265 = arith.index_cast %add3A_214 : i32 to index
      %get3A_266 = arith.constant 176 : index
      %get3A_267 = tpu.vector_load %arg7[%get3A_265, %get3A_266] {strides = array<i32>} : memref<128x256xf32, #tpu.memory_space<vmem>>, vector<1x16xf32>,
      %get3A_268 = vector.shape_cast %get3A_267 : vector<1x16xf32> to vector<16xf32>
      %get3A_269 = arith.index_cast %add3A_214 : i32 to index
      %get3A_270 = arith.constant 192 : index
      %get3A_271 = tpu.vector_load %arg7[%get3A_269, %get3A_270] {strides = array<i32>} : memref<128x256xf32, #tpu.memory_space<vmem>>, vector<1x16xf32>,
      %get3A_272 = vector.shape_cast %get3A_271 : vector<1x16xf32> to vector<16xf32>
      %get3A_273 = arith.index_cast %add3A_214 : i32 to index
      %get3A_274 = arith.constant 208 : index
      %get3A_275 = tpu.vector_load %arg7[%get3A_273, %get3A_274] {strides = array<i32>} : memref<128x256xf32, #tpu.memory_space<vmem>>, vector<1x16xf32>,
      %get3A_276 = vector.shape_cast %get3A_275 : vector<1x16xf32> to vector<16xf32>
      %get3A_277 = arith.index_cast %add3A_214 : i32 to index
      %get3A_278 = arith.constant 224 : index
      %get3A_279 = tpu.vector_load %arg7[%get3A_277, %get3A_278] {strides = array<i32>} : memref<128x256xf32, #tpu.memory_space<vmem>>, vector<1x16xf32>,
      %get3A_280 = vector.shape_cast %get3A_279 : vector<1x16xf32> to vector<16xf32>
      %get3A_281 = arith.index_cast %add3A_214 : i32 to index
      %get3A_282 = arith.constant 240 : index
      %get3A_283 = tpu.vector_load %arg7[%get3A_281, %get3A_282] {strides = array<i32>} : memref<128x256xf32, #tpu.memory_space<vmem>>, vector<1x16xf32>,
      %get3A_284 = vector.shape_cast %get3A_283 : vector<1x16xf32> to vector<16xf32>
      %broadcast_in_dim3A_285 = arith.constant -3.000000e+38 : f32
      %broadcast_in_dim3A_286 = vector.broadcast %broadcast_in_dim3A_285 : f32 to vector<16xf32>
      %broadcast_in_dim3A_287 = arith.constant -3.000000e+38 : f32
      %broadcast_in_dim3A_288 = vector.broadcast %broadcast_in_dim3A_287 : f32 to vector<16xf32>
      %broadcast_in_dim3A_289 = arith.constant -3.000000e+38 : f32
      %broadcast_in_dim3A_290 = vector.broadcast %broadcast_in_dim3A_289 : f32 to vector<16xf32>
      %broadcast_in_dim3A_291 = arith.constant -3.000000e+38 : f32
      %broadcast_in_dim3A_292 = vector.broadcast %broadcast_in_dim3A_291 : f32 to vector<16xf32>
      %broadcast_in_dim3A_293 = arith.constant -3.000000e+38 : f32
      %broadcast_in_dim3A_294 = vector.broadcast %broadcast_in_dim3A_293 : f32 to vector<16xf32>
      %broadcast_in_dim3A_295 = arith.constant -3.000000e+38 : f32
      %broadcast_in_dim3A_296 = vector.broadcast %broadcast_in_dim3A_295 : f32 to vector<16xf32>
      %broadcast_in_dim3A_297 = arith.constant -3.000000e+38 : f32
      %broadcast_in_dim3A_298 = vector.broadcast %broadcast_in_dim3A_297 : f32 to vector<16xf32>
      %broadcast_in_dim3A_299 = arith.constant -3.000000e+38 : f32
      %broadcast_in_dim3A_300 = vector.broadcast %broadcast_in_dim3A_299 : f32 to vector<16xf32>
      %broadcast_in_dim3A_301 = arith.constant -3.000000e+38 : f32
      %broadcast_in_dim3A_302 = vector.broadcast %broadcast_in_dim3A_301 : f32 to vector<16xf32>
      %broadcast_in_dim3A_303 = arith.constant -3.000000e+38 : f32
      %broadcast_in_dim3A_304 = vector.broadcast %broadcast_in_dim3A_303 : f32 to vector<16xf32>
      %broadcast_in_dim3A_305 = arith.constant -3.000000e+38 : f32
      %broadcast_in_dim3A_306 = vector.broadcast %broadcast_in_dim3A_305 : f32 to vector<16xf32>
      %broadcast_in_dim3A_307 = arith.constant -3.000000e+38 : f32
      %broadcast_in_dim3A_308 = vector.broadcast %broadcast_in_dim3A_307 : f32 to vector<16xf32>
      %broadcast_in_dim3A_309 = arith.constant -3.000000e+38 : f32
      %broadcast_in_dim3A_310 = vector.broadcast %broadcast_in_dim3A_309 : f32 to vector<16xf32>
      %broadcast_in_dim3A_311 = arith.constant -3.000000e+38 : f32
      %broadcast_in_dim3A_312 = vector.broadcast %broadcast_in_dim3A_311 : f32 to vector<16xf32>
      %broadcast_in_dim3A_313 = arith.constant -3.000000e+38 : f32
      %broadcast_in_dim3A_314 = vector.broadcast %broadcast_in_dim3A_313 : f32 to vector<16xf32>
      %broadcast_in_dim3A_315 = arith.constant -3.000000e+38 : f32
      %broadcast_in_dim3A_316 = vector.broadcast %broadcast_in_dim3A_315 : f32 to vector<16xf32>
      %scan3A_317 = arith.constant 3.906250e-03 : f32
      %scan3A_318 = arith.constant 0 : i32
      %scan3A_319 = arith.constant 20 : i32
      %scan3A_320 = arith.addi %scan3A_318, %scan3A_319 : i32
      %scan3A_321 = arith.constant 1 : i32
      %scan3A_322:16 = scf.for %scan3A_411 = %scan3A_318 to %scan3A_320 step %scan3A_321 iter_args(%scan3A_412 = %broadcast_in_dim3A_286, %scan3A_413 = %broadcast_in_dim3A_288, %scan3A_414 = %broadcast_in_dim3A_290, %scan3A_415 = %broadcast_in_dim3A_292, %scan3A_416 = %broadcast_in_dim3A_294, %scan3A_417 = %broadcast_in_dim3A_296, %scan3A_418 = %broadcast_in_dim3A_298, %scan3A_419 = %broadcast_in_dim3A_300, %scan3A_420 = %broadcast_in_dim3A_302, %scan3A_421 = %broadcast_in_dim3A_304, %scan3A_422 = %broadcast_in_dim3A_306, %scan3A_423 = %broadcast_in_dim3A_308, %scan3A_424 = %broadcast_in_dim3A_310, %scan3A_425 = %broadcast_in_dim3A_312, %scan3A_426 = %broadcast_in_dim3A_314, %scan3A_427 = %broadcast_in_dim3A_316) -> (vector<16xf32>, vector<16xf32>, vector<16xf32>, vector<16xf32>, vector<16xf32>, vector<16xf32>, vector<16xf32>, vector<16xf32>, vector<16xf32>, vector<16xf32>, vector<16xf32>, vector<16xf32>, vector<16xf32>, vector<16xf32>, vector<16xf32>, vector<16xf32>)  : i32 {
        %broadcast_in_dim3A_428 = arith.constant 0.000000e+00 : f32
        %broadcast_in_dim3A_429 = vector.broadcast %broadcast_in_dim3A_428 : f32 to vector<16xf32>
        %broadcast_in_dim3A_430 = arith.constant 0.000000e+00 : f32
        %broadcast_in_dim3A_431 = vector.broadcast %broadcast_in_dim3A_430 : f32 to vector<16xf32>
        %get3A_432 = arith.index_cast %scan3A_411 : i32 to index
        %get3A_433 = arith.constant 0 : index
        %get3A_434 = tpu.vector_load %arg10[%get3A_432, %get3A_433] {strides = array<i32>} : memref<24x256xf32, #tpu.memory_space<vmem>>, vector<1x16xf32>,
        %get3A_435 = vector.shape_cast %get3A_434 : vector<1x16xf32> to vector<16xf32>
        %add3A_436 = arith.addf %get3A_435, %get3A_224 : vector<16xf32>
        %add3A_437 = arith.addf %broadcast_in_dim3A_429, %add3A_436 : vector<16xf32>
        %mul3A_438 = arith.mulf %add3A_436, %add3A_436 : vector<16xf32>
        %add3A_439 = arith.addf %broadcast_in_dim3A_431, %mul3A_438 : vector<16xf32>
        %get3A_440 = arith.index_cast %scan3A_411 : i32 to index
        %get3A_441 = arith.constant 16 : index
        %get3A_442 = tpu.vector_load %arg10[%get3A_440, %get3A_441] {strides = array<i32>} : memref<24x256xf32, #tpu.memory_space<vmem>>, vector<1x16xf32>,
        %get3A_443 = vector.shape_cast %get3A_442 : vector<1x16xf32> to vector<16xf32>
        %add3A_444 = arith.addf %get3A_443, %get3A_228 : vector<16xf32>
        %add3A_445 = arith.addf %add3A_437, %add3A_444 : vector<16xf32>
        %mul3A_446 = arith.mulf %add3A_444, %add3A_444 : vector<16xf32>
        %add3A_447 = arith.addf %add3A_439, %mul3A_446 : vector<16xf32>
        %get3A_448 = arith.index_cast %scan3A_411 : i32 to index
        %get3A_449 = arith.constant 32 : index
        %get3A_450 = tpu.vector_load %arg10[%get3A_448, %get3A_449] {strides = array<i32>} : memref<24x256xf32, #tpu.memory_space<vmem>>, vector<1x16xf32>,
        %get3A_451 = vector.shape_cast %get3A_450 : vector<1x16xf32> to vector<16xf32>
        %add3A_452 = arith.addf %get3A_451, %get3A_232 : vector<16xf32>
        %add3A_453 = arith.addf %add3A_445, %add3A_452 : vector<16xf32>
        %mul3A_454 = arith.mulf %add3A_452, %add3A_452 : vector<16xf32>
        %add3A_455 = arith.addf %add3A_447, %mul3A_454 : vector<16xf32>
        %get3A_456 = arith.index_cast %scan3A_411 : i32 to index
        %get3A_457 = arith.constant 48 : index
        %get3A_458 = tpu.vector_load %arg10[%get3A_456, %get3A_457] {strides = array<i32>} : memref<24x256xf32, #tpu.memory_space<vmem>>, vector<1x16xf32>,
        %get3A_459 = vector.shape_cast %get3A_458 : vector<1x16xf32> to vector<16xf32>
        %add3A_460 = arith.addf %get3A_459, %get3A_236 : vector<16xf32>
        %add3A_461 = arith.addf %add3A_453, %add3A_460 : vector<16xf32>
        %mul3A_462 = arith.mulf %add3A_460, %add3A_460 : vector<16xf32>
        %add3A_463 = arith.addf %add3A_455, %mul3A_462 : vector<16xf32>
        %get3A_464 = arith.index_cast %scan3A_411 : i32 to index
        %get3A_465 = arith.constant 64 : index
        %get3A_466 = tpu.vector_load %arg10[%get3A_464, %get3A_465] {strides = array<i32>} : memref<24x256xf32, #tpu.memory_space<vmem>>, vector<1x16xf32>,
        %get3A_467 = vector.shape_cast %get3A_466 : vector<1x16xf32> to vector<16xf32>
        %add3A_468 = arith.addf %get3A_467, %get3A_240 : vector<16xf32>
        %add3A_469 = arith.addf %add3A_461, %add3A_468 : vector<16xf32>
        %mul3A_470 = arith.mulf %add3A_468, %add3A_468 : vector<16xf32>
        %add3A_471 = arith.addf %add3A_463, %mul3A_470 : vector<16xf32>
        %get3A_472 = arith.index_cast %scan3A_411 : i32 to index
        %get3A_473 = arith.constant 80 : index
        %get3A_474 = tpu.vector_load %arg10[%get3A_472, %get3A_473] {strides = array<i32>} : memref<24x256xf32, #tpu.memory_space<vmem>>, vector<1x16xf32>,
        %get3A_475 = vector.shape_cast %get3A_474 : vector<1x16xf32> to vector<16xf32>
        %add3A_476 = arith.addf %get3A_475, %get3A_244 : vector<16xf32>
        %add3A_477 = arith.addf %add3A_469, %add3A_476 : vector<16xf32>
        %mul3A_478 = arith.mulf %add3A_476, %add3A_476 : vector<16xf32>
        %add3A_479 = arith.addf %add3A_471, %mul3A_478 : vector<16xf32>
        %get3A_480 = arith.index_cast %scan3A_411 : i32 to index
        %get3A_481 = arith.constant 96 : index
        %get3A_482 = tpu.vector_load %arg10[%get3A_480, %get3A_481] {strides = array<i32>} : memref<24x256xf32, #tpu.memory_space<vmem>>, vector<1x16xf32>,
        %get3A_483 = vector.shape_cast %get3A_482 : vector<1x16xf32> to vector<16xf32>
        %add3A_484 = arith.addf %get3A_483, %get3A_248 : vector<16xf32>
        %add3A_485 = arith.addf %add3A_477, %add3A_484 : vector<16xf32>
        %mul3A_486 = arith.mulf %add3A_484, %add3A_484 : vector<16xf32>
        %add3A_487 = arith.addf %add3A_479, %mul3A_486 : vector<16xf32>
        %get3A_488 = arith.index_cast %scan3A_411 : i32 to index
        %get3A_489 = arith.constant 112 : index
        %get3A_490 = tpu.vector_load %arg10[%get3A_488, %get3A_489] {strides = array<i32>} : memref<24x256xf32, #tpu.memory_space<vmem>>, vector<1x16xf32>,
        %get3A_491 = vector.shape_cast %get3A_490 : vector<1x16xf32> to vector<16xf32>
        %add3A_492 = arith.addf %get3A_491, %get3A_252 : vector<16xf32>
        %add3A_493 = arith.addf %add3A_485, %add3A_492 : vector<16xf32>
        %mul3A_494 = arith.mulf %add3A_492, %add3A_492 : vector<16xf32>
        %add3A_495 = arith.addf %add3A_487, %mul3A_494 : vector<16xf32>
        %get3A_496 = arith.index_cast %scan3A_411 : i32 to index
        %get3A_497 = arith.constant 128 : index
        %get3A_498 = tpu.vector_load %arg10[%get3A_496, %get3A_497] {strides = array<i32>} : memref<24x256xf32, #tpu.memory_space<vmem>>, vector<1x16xf32>,
        %get3A_499 = vector.shape_cast %get3A_498 : vector<1x16xf32> to vector<16xf32>
        %add3A_500 = arith.addf %get3A_499, %get3A_256 : vector<16xf32>
        %add3A_501 = arith.addf %add3A_493, %add3A_500 : vector<16xf32>
        %mul3A_502 = arith.mulf %add3A_500, %add3A_500 : vector<16xf32>
        %add3A_503 = arith.addf %add3A_495, %mul3A_502 : vector<16xf32>
        %get3A_504 = arith.index_cast %scan3A_411 : i32 to index
        %get3A_505 = arith.constant 144 : index
        %get3A_506 = tpu.vector_load %arg10[%get3A_504, %get3A_505] {strides = array<i32>} : memref<24x256xf32, #tpu.memory_space<vmem>>, vector<1x16xf32>,
        %get3A_507 = vector.shape_cast %get3A_506 : vector<1x16xf32> to vector<16xf32>
        %add3A_508 = arith.addf %get3A_507, %get3A_260 : vector<16xf32>
        %add3A_509 = arith.addf %add3A_501, %add3A_508 : vector<16xf32>
        %mul3A_510 = arith.mulf %add3A_508, %add3A_508 : vector<16xf32>
        %add3A_511 = arith.addf %add3A_503, %mul3A_510 : vector<16xf32>
        %get3A_512 = arith.index_cast %scan3A_411 : i32 to index
        %get3A_513 = arith.constant 160 : index
        %get3A_514 = tpu.vector_load %arg10[%get3A_512, %get3A_513] {strides = array<i32>} : memref<24x256xf32, #tpu.memory_space<vmem>>, vector<1x16xf32>,
        %get3A_515 = vector.shape_cast %get3A_514 : vector<1x16xf32> to vector<16xf32>
        %add3A_516 = arith.addf %get3A_515, %get3A_264 : vector<16xf32>
        %add3A_517 = arith.addf %add3A_509, %add3A_516 : vector<16xf32>
        %mul3A_518 = arith.mulf %add3A_516, %add3A_516 : vector<16xf32>
        %add3A_519 = arith.addf %add3A_511, %mul3A_518 : vector<16xf32>
        %get3A_520 = arith.index_cast %scan3A_411 : i32 to index
        %get3A_521 = arith.constant 176 : index
        %get3A_522 = tpu.vector_load %arg10[%get3A_520, %get3A_521] {strides = array<i32>} : memref<24x256xf32, #tpu.memory_space<vmem>>, vector<1x16xf32>,
        %get3A_523 = vector.shape_cast %get3A_522 : vector<1x16xf32> to vector<16xf32>
        %add3A_524 = arith.addf %get3A_523, %get3A_268 : vector<16xf32>
        %add3A_525 = arith.addf %add3A_517, %add3A_524 : vector<16xf32>
        %mul3A_526 = arith.mulf %add3A_524, %add3A_524 : vector<16xf32>
        %add3A_527 = arith.addf %add3A_519, %mul3A_526 : vector<16xf32>
        %get3A_528 = arith.index_cast %scan3A_411 : i32 to index
        %get3A_529 = arith.constant 192 : index
        %get3A_530 = tpu.vector_load %arg10[%get3A_528, %get3A_529] {strides = array<i32>} : memref<24x256xf32, #tpu.memory_space<vmem>>, vector<1x16xf32>,
        %get3A_531 = vector.shape_cast %get3A_530 : vector<1x16xf32> to vector<16xf32>
        %add3A_532 = arith.addf %get3A_531, %get3A_272 : vector<16xf32>
        %add3A_533 = arith.addf %add3A_525, %add3A_532 : vector<16xf32>
        %mul3A_534 = arith.mulf %add3A_532, %add3A_532 : vector<16xf32>
        %add3A_535 = arith.addf %add3A_527, %mul3A_534 : vector<16xf32>
        %get3A_536 = arith.index_cast %scan3A_411 : i32 to index
        %get3A_537 = arith.constant 208 : index
        %get3A_538 = tpu.vector_load %arg10[%get3A_536, %get3A_537] {strides = array<i32>} : memref<24x256xf32, #tpu.memory_space<vmem>>, vector<1x16xf32>,
        %get3A_539 = vector.shape_cast %get3A_538 : vector<1x16xf32> to vector<16xf32>
        %add3A_540 = arith.addf %get3A_539, %get3A_276 : vector<16xf32>
        %add3A_541 = arith.addf %add3A_533, %add3A_540 : vector<16xf32>
        %mul3A_542 = arith.mulf %add3A_540, %add3A_540 : vector<16xf32>
        %add3A_543 = arith.addf %add3A_535, %mul3A_542 : vector<16xf32>
        %get3A_544 = arith.index_cast %scan3A_411 : i32 to index
        %get3A_545 = arith.constant 224 : index
        %get3A_546 = tpu.vector_load %arg10[%get3A_544, %get3A_545] {strides = array<i32>} : memref<24x256xf32, #tpu.memory_space<vmem>>, vector<1x16xf32>,
        %get3A_547 = vector.shape_cast %get3A_546 : vector<1x16xf32> to vector<16xf32>
        %add3A_548 = arith.addf %get3A_547, %get3A_280 : vector<16xf32>
        %add3A_549 = arith.addf %add3A_541, %add3A_548 : vector<16xf32>
        %mul3A_550 = arith.mulf %add3A_548, %add3A_548 : vector<16xf32>
        %add3A_551 = arith.addf %add3A_543, %mul3A_550 : vector<16xf32>
        %get3A_552 = arith.index_cast %scan3A_411 : i32 to index
        %get3A_553 = arith.constant 240 : index
        %get3A_554 = tpu.vector_load %arg10[%get3A_552, %get3A_553] {strides = array<i32>} : memref<24x256xf32, #tpu.memory_space<vmem>>, vector<1x16xf32>,
        %get3A_555 = vector.shape_cast %get3A_554 : vector<1x16xf32> to vector<16xf32>
        %add3A_556 = arith.addf %get3A_555, %get3A_284 : vector<16xf32>
        %add3A_557 = arith.addf %add3A_549, %add3A_556 : vector<16xf32>
        %mul3A_558 = arith.mulf %add3A_556, %add3A_556 : vector<16xf32>
        %add3A_559 = arith.addf %add3A_551, %mul3A_558 : vector<16xf32>
        %iota3A = tpu.iota {dimensions = array<i32: 0>} : vector<16xi32>
        %xor3A = arith.constant 8 : i32
        %xor3A_560 = vector.broadcast %xor3A : i32 to vector<16xi32>
        %xor3A_561 = arith.xori %iota3A, %xor3A_560 : vector<16xi32>
        %reshape3A = vector.shape_cast %xor3A_561 : vector<16xi32> to vector<16x1xi32>
        %gather3A = vector.shape_cast %reshape3A : vector<16x1xi32> to vector<16xi32>
        %gather3A_562 = tpu.dynamic_gather %add3A_557[%gather3A] in [0] : vector<16xf32>, vector<16xi32> -> vector<16xf32>
        %add3A_563 = arith.addf %add3A_557, %gather3A_562 : vector<16xf32>
        %xor3A_564 = arith.constant 4 : i32
        %xor3A_565 = vector.broadcast %xor3A_564 : i32 to vector<16xi32>
        %xor3A_566 = arith.xori %iota3A, %xor3A_565 : vector<16xi32>
        %reshape3A_567 = vector.shape_cast %xor3A_566 : vector<16xi32> to vector<16x1xi32>
        %gather3A_568 = vector.shape_cast %reshape3A_567 : vector<16x1xi32> to vector<16xi32>
        %gather3A_569 = tpu.dynamic_gather %add3A_563[%gather3A_568] in [0] : vector<16xf32>, vector<16xi32> -> vector<16xf32>
        %add3A_570 = arith.addf %add3A_563, %gather3A_569 : vector<16xf32>
        %xor3A_571 = arith.constant 2 : i32
        %xor3A_572 = vector.broadcast %xor3A_571 : i32 to vector<16xi32>
        %xor3A_573 = arith.xori %iota3A, %xor3A_572 : vector<16xi32>
        %reshape3A_574 = vector.shape_cast %xor3A_573 : vector<16xi32> to vector<16x1xi32>
        %gather3A_575 = vector.shape_cast %reshape3A_574 : vector<16x1xi32> to vector<16xi32>
        %gather3A_576 = tpu.dynamic_gather %add3A_570[%gather3A_575] in [0] : vector<16xf32>, vector<16xi32> -> vector<16xf32>
        %add3A_577 = arith.addf %add3A_570, %gather3A_576 : vector<16xf32>
        %xor3A_578 = arith.constant 1 : i32
        %xor3A_579 = vector.broadcast %xor3A_578 : i32 to vector<16xi32>
        %xor3A_580 = arith.xori %iota3A, %xor3A_579 : vector<16xi32>
        %reshape3A_581 = vector.shape_cast %xor3A_580 : vector<16xi32> to vector<16x1xi32>
        %gather3A_582 = vector.shape_cast %reshape3A_581 : vector<16x1xi32> to vector<16xi32>
        %gather3A_583 = tpu.dynamic_gather %add3A_577[%gather3A_582] in [0] : vector<16xf32>, vector<16xi32> -> vector<16xf32>
        %add3A_584 = arith.addf %add3A_577, %gather3A_583 : vector<16xf32>
        %mul3A_585 = vector.broadcast %scan3A_317 : f32 to vector<16xf32>
        %mul3A_586 = arith.mulf %add3A_584, %mul3A_585 : vector<16xf32>
        %iota3A_587 = tpu.iota {dimensions = array<i32: 0>} : vector<16xi32>
        %xor3A_588 = arith.constant 8 : i32
        %xor3A_589 = vector.broadcast %xor3A_588 : i32 to vector<16xi32>
        %xor3A_590 = arith.xori %iota3A_587, %xor3A_589 : vector<16xi32>
        %reshape3A_591 = vector.shape_cast %xor3A_590 : vector<16xi32> to vector<16x1xi32>
        %gather3A_592 = vector.shape_cast %reshape3A_591 : vector<16x1xi32> to vector<16xi32>
        %gather3A_593 = tpu.dynamic_gather %add3A_559[%gather3A_592] in [0] : vector<16xf32>, vector<16xi32> -> vector<16xf32>
        %add3A_594 = arith.addf %add3A_559, %gather3A_593 : vector<16xf32>
        %xor3A_595 = arith.constant 4 : i32
        %xor3A_596 = vector.broadcast %xor3A_595 : i32 to vector<16xi32>
        %xor3A_597 = arith.xori %iota3A_587, %xor3A_596 : vector<16xi32>
        %reshape3A_598 = vector.shape_cast %xor3A_597 : vector<16xi32> to vector<16x1xi32>
        %gather3A_599 = vector.shape_cast %reshape3A_598 : vector<16x1xi32> to vector<16xi32>
        %gather3A_600 = tpu.dynamic_gather %add3A_594[%gather3A_599] in [0] : vector<16xf32>, vector<16xi32> -> vector<16xf32>
        %add3A_601 = arith.addf %add3A_594, %gather3A_600 : vector<16xf32>
        %xor3A_602 = arith.constant 2 : i32
        %xor3A_603 = vector.broadcast %xor3A_602 : i32 to vector<16xi32>
        %xor3A_604 = arith.xori %iota3A_587, %xor3A_603 : vector<16xi32>
        %reshape3A_605 = vector.shape_cast %xor3A_604 : vector<16xi32> to vector<16x1xi32>
        %gather3A_606 = vector.shape_cast %reshape3A_605 : vector<16x1xi32> to vector<16xi32>
        %gather3A_607 = tpu.dynamic_gather %add3A_601[%gather3A_606] in [0] : vector<16xf32>, vector<16xi32> -> vector<16xf32>
        %add3A_608 = arith.addf %add3A_601, %gather3A_607 : vector<16xf32>
        %xor3A_609 = arith.constant 1 : i32
        %xor3A_610 = vector.broadcast %xor3A_609 : i32 to vector<16xi32>
        %xor3A_611 = arith.xori %iota3A_587, %xor3A_610 : vector<16xi32>
        %reshape3A_612 = vector.shape_cast %xor3A_611 : vector<16xi32> to vector<16x1xi32>
        %gather3A_613 = vector.shape_cast %reshape3A_612 : vector<16x1xi32> to vector<16xi32>
        %gather3A_614 = tpu.dynamic_gather %add3A_608[%gather3A_613] in [0] : vector<16xf32>, vector<16xi32> -> vector<16xf32>
        %add3A_615 = arith.addf %add3A_608, %gather3A_614 : vector<16xf32>
        %mul3A_616 = vector.broadcast %scan3A_317 : f32 to vector<16xf32>
        %mul3A_617 = arith.mulf %add3A_615, %mul3A_616 : vector<16xf32>
        %mul3A_618 = arith.mulf %mul3A_586, %mul3A_586 : vector<16xf32>
        %sub3A = arith.subf %mul3A_617, %mul3A_618 : vector<16xf32>
        %add3A_619 = arith.constant 9.99999974E-6 : f32
        %add3A_620 = vector.broadcast %add3A_619 : f32 to vector<16xf32>
        %add3A_621 = arith.addf %sub3A, %add3A_620 : vector<16xf32>
        %broadcast_in_dim3A_622 = arith.constant 1.000000e+00 : f32
        %broadcast_in_dim3A_623 = vector.broadcast %broadcast_in_dim3A_622 : f32 to vector<16xf32>
        %ge3A = arith.constant 6.553600e+04 : f32
        %ge3A_624 = vector.broadcast %ge3A : f32 to vector<16xf32>
        %ge3A_625 = arith.cmpf oge, %add3A_621, %ge3A_624 : vector<16xf32>
        %mul3A_626 = arith.constant 1.52587891E-5 : f32
        %mul3A_627 = vector.broadcast %mul3A_626 : f32 to vector<16xf32>
        %mul3A_628 = arith.mulf %add3A_621, %mul3A_627 : vector<16xf32>
        %select_n3A = arith.select %ge3A_625, %mul3A_628, %add3A_621 : vector<16xi1>, vector<16xf32>
        %mul3A_629 = arith.constant 3.906250e-03 : f32
        %mul3A_630 = vector.broadcast %mul3A_629 : f32 to vector<16xf32>
        %mul3A_631 = arith.mulf %broadcast_in_dim3A_623, %mul3A_630 : vector<16xf32>
        %select_n3A_632 = arith.select %ge3A_625, %mul3A_631, %broadcast_in_dim3A_623 : vector<16xi1>, vector<16xf32>
        %ge3A_633 = arith.constant 2.560000e+02 : f32
        %ge3A_634 = vector.broadcast %ge3A_633 : f32 to vector<16xf32>
        %ge3A_635 = arith.cmpf oge, %select_n3A, %ge3A_634 : vector<16xf32>
        %mul3A_636 = arith.constant 3.906250e-03 : f32
        %mul3A_637 = vector.broadcast %mul3A_636 : f32 to vector<16xf32>
        %mul3A_638 = arith.mulf %select_n3A, %mul3A_637 : vector<16xf32>
        %select_n3A_639 = arith.select %ge3A_635, %mul3A_638, %select_n3A : vector<16xi1>, vector<16xf32>
        %mul3A_640 = arith.constant 6.250000e-02 : f32
        %mul3A_641 = vector.broadcast %mul3A_640 : f32 to vector<16xf32>
        %mul3A_642 = arith.mulf %select_n3A_632, %mul3A_641 : vector<16xf32>
        %select_n3A_643 = arith.select %ge3A_635, %mul3A_642, %select_n3A_632 : vector<16xi1>, vector<16xf32>
        %ge3A_644 = arith.constant 1.600000e+01 : f32
        %ge3A_645 = vector.broadcast %ge3A_644 : f32 to vector<16xf32>
        %ge3A_646 = arith.cmpf oge, %select_n3A_639, %ge3A_645 : vector<16xf32>
        %mul3A_647 = arith.constant 6.250000e-02 : f32
        %mul3A_648 = vector.broadcast %mul3A_647 : f32 to vector<16xf32>
        %mul3A_649 = arith.mulf %select_n3A_639, %mul3A_648 : vector<16xf32>
        %select_n3A_650 = arith.select %ge3A_646, %mul3A_649, %select_n3A_639 : vector<16xi1>, vector<16xf32>
        %mul3A_651 = arith.constant 2.500000e-01 : f32
        %mul3A_652 = vector.broadcast %mul3A_651 : f32 to vector<16xf32>
        %mul3A_653 = arith.mulf %select_n3A_643, %mul3A_652 : vector<16xf32>
        %select_n3A_654 = arith.select %ge3A_646, %mul3A_653, %select_n3A_643 : vector<16xi1>, vector<16xf32>
        %ge3A_655 = arith.constant 4.000000e+00 : f32
        %ge3A_656 = vector.broadcast %ge3A_655 : f32 to vector<16xf32>
        %ge3A_657 = arith.cmpf oge, %select_n3A_650, %ge3A_656 : vector<16xf32>
        %mul3A_658 = arith.constant 2.500000e-01 : f32
        %mul3A_659 = vector.broadcast %mul3A_658 : f32 to vector<16xf32>
        %mul3A_660 = arith.mulf %select_n3A_650, %mul3A_659 : vector<16xf32>
        %select_n3A_661 = arith.select %ge3A_657, %mul3A_660, %select_n3A_650 : vector<16xi1>, vector<16xf32>
        %mul3A_662 = arith.constant 5.000000e-01 : f32
        %mul3A_663 = vector.broadcast %mul3A_662 : f32 to vector<16xf32>
        %mul3A_664 = arith.mulf %select_n3A_654, %mul3A_663 : vector<16xf32>
        %select_n3A_665 = arith.select %ge3A_657, %mul3A_664, %select_n3A_654 : vector<16xi1>, vector<16xf32>
        %ge3A_666 = arith.constant 2.000000e+00 : f32
        %ge3A_667 = vector.broadcast %ge3A_666 : f32 to vector<16xf32>
        %ge3A_668 = arith.cmpf oge, %select_n3A_661, %ge3A_667 : vector<16xf32>
        %mul3A_669 = arith.constant 5.000000e-01 : f32
        %mul3A_670 = vector.broadcast %mul3A_669 : f32 to vector<16xf32>
        %mul3A_671 = arith.mulf %select_n3A_661, %mul3A_670 : vector<16xf32>
        %select_n3A_672 = arith.select %ge3A_668, %mul3A_671, %select_n3A_661 : vector<16xi1>, vector<16xf32>
        %mul3A_673 = arith.constant 0.707106769 : f32
        %mul3A_674 = vector.broadcast %mul3A_673 : f32 to vector<16xf32>
        %mul3A_675 = arith.mulf %select_n3A_665, %mul3A_674 : vector<16xf32>
        %select_n3A_676 = arith.select %ge3A_668, %mul3A_675, %select_n3A_665 : vector<16xi1>, vector<16xf32>
        %lt3A_677 = arith.constant 1.52587891E-5 : f32
        %lt3A_678 = vector.broadcast %lt3A_677 : f32 to vector<16xf32>
        %lt3A_679 = arith.cmpf olt, %select_n3A_672, %lt3A_678 : vector<16xf32>
        %mul3A_680 = arith.constant 6.553600e+04 : f32
        %mul3A_681 = vector.broadcast %mul3A_680 : f32 to vector<16xf32>
        %mul3A_682 = arith.mulf %select_n3A_672, %mul3A_681 : vector<16xf32>
        %select_n3A_683 = arith.select %lt3A_679, %mul3A_682, %select_n3A_672 : vector<16xi1>, vector<16xf32>
        %mul3A_684 = arith.constant 2.560000e+02 : f32
        %mul3A_685 = vector.broadcast %mul3A_684 : f32 to vector<16xf32>
        %mul3A_686 = arith.mulf %select_n3A_676, %mul3A_685 : vector<16xf32>
        %select_n3A_687 = arith.select %lt3A_679, %mul3A_686, %select_n3A_676 : vector<16xi1>, vector<16xf32>
        %lt3A_688 = arith.constant 3.906250e-03 : f32
        %lt3A_689 = vector.broadcast %lt3A_688 : f32 to vector<16xf32>
        %lt3A_690 = arith.cmpf olt, %select_n3A_683, %lt3A_689 : vector<16xf32>
        %mul3A_691 = arith.constant 2.560000e+02 : f32
        %mul3A_692 = vector.broadcast %mul3A_691 : f32 to vector<16xf32>
        %mul3A_693 = arith.mulf %select_n3A_683, %mul3A_692 : vector<16xf32>
        %select_n3A_694 = arith.select %lt3A_690, %mul3A_693, %select_n3A_683 : vector<16xi1>, vector<16xf32>
        %mul3A_695 = arith.constant 1.600000e+01 : f32
        %mul3A_696 = vector.broadcast %mul3A_695 : f32 to vector<16xf32>
        %mul3A_697 = arith.mulf %select_n3A_687, %mul3A_696 : vector<16xf32>
        %select_n3A_698 = arith.select %lt3A_690, %mul3A_697, %select_n3A_687 : vector<16xi1>, vector<16xf32>
        %lt3A_699 = arith.constant 6.250000e-02 : f32
        %lt3A_700 = vector.broadcast %lt3A_699 : f32 to vector<16xf32>
        %lt3A_701 = arith.cmpf olt, %select_n3A_694, %lt3A_700 : vector<16xf32>
        %mul3A_702 = arith.constant 1.600000e+01 : f32
        %mul3A_703 = vector.broadcast %mul3A_702 : f32 to vector<16xf32>
        %mul3A_704 = arith.mulf %select_n3A_694, %mul3A_703 : vector<16xf32>
        %select_n3A_705 = arith.select %lt3A_701, %mul3A_704, %select_n3A_694 : vector<16xi1>, vector<16xf32>
        %mul3A_706 = arith.constant 4.000000e+00 : f32
        %mul3A_707 = vector.broadcast %mul3A_706 : f32 to vector<16xf32>
        %mul3A_708 = arith.mulf %select_n3A_698, %mul3A_707 : vector<16xf32>
        %select_n3A_709 = arith.select %lt3A_701, %mul3A_708, %select_n3A_698 : vector<16xi1>, vector<16xf32>
        %lt3A_710 = arith.constant 2.500000e-01 : f32
        %lt3A_711 = vector.broadcast %lt3A_710 : f32 to vector<16xf32>
        %lt3A_712 = arith.cmpf olt, %select_n3A_705, %lt3A_711 : vector<16xf32>
        %mul3A_713 = arith.constant 4.000000e+00 : f32
        %mul3A_714 = vector.broadcast %mul3A_713 : f32 to vector<16xf32>
        %mul3A_715 = arith.mulf %select_n3A_705, %mul3A_714 : vector<16xf32>
        %select_n3A_716 = arith.select %lt3A_712, %mul3A_715, %select_n3A_705 : vector<16xi1>, vector<16xf32>
        %mul3A_717 = arith.constant 2.000000e+00 : f32
        %mul3A_718 = vector.broadcast %mul3A_717 : f32 to vector<16xf32>
        %mul3A_719 = arith.mulf %select_n3A_709, %mul3A_718 : vector<16xf32>
        %select_n3A_720 = arith.select %lt3A_712, %mul3A_719, %select_n3A_709 : vector<16xi1>, vector<16xf32>
        %lt3A_721 = arith.constant 5.000000e-01 : f32
        %lt3A_722 = vector.broadcast %lt3A_721 : f32 to vector<16xf32>
        %lt3A_723 = arith.cmpf olt, %select_n3A_716, %lt3A_722 : vector<16xf32>
        %mul3A_724 = arith.constant 2.000000e+00 : f32
        %mul3A_725 = vector.broadcast %mul3A_724 : f32 to vector<16xf32>
        %mul3A_726 = arith.mulf %select_n3A_716, %mul3A_725 : vector<16xf32>
        %select_n3A_727 = arith.select %lt3A_723, %mul3A_726, %select_n3A_716 : vector<16xi1>, vector<16xf32>
        %mul3A_728 = arith.constant 1.41421354 : f32
        %mul3A_729 = vector.broadcast %mul3A_728 : f32 to vector<16xf32>
        %mul3A_730 = arith.mulf %select_n3A_720, %mul3A_729 : vector<16xf32>
        %select_n3A_731 = arith.select %lt3A_723, %mul3A_730, %select_n3A_720 : vector<16xi1>, vector<16xf32>
        %mul3A_732 = arith.constant 4.714000e-01 : f32
        %mul3A_733 = vector.broadcast %mul3A_732 : f32 to vector<16xf32>
        %mul3A_734 = arith.mulf %mul3A_733, %select_n3A_727 : vector<16xf32>
        %sub3A_735 = arith.constant 1.650000e+00 : f32
        %sub3A_736 = vector.broadcast %sub3A_735 : f32 to vector<16xf32>
        %sub3A_737 = arith.subf %sub3A_736, %mul3A_734 : vector<16xf32>
        %mul3A_738 = arith.constant 5.000000e-01 : f32
        %mul3A_739 = vector.broadcast %mul3A_738 : f32 to vector<16xf32>
        %mul3A_740 = arith.mulf %mul3A_739, %select_n3A_727 : vector<16xf32>
        %mul3A_741 = arith.mulf %mul3A_740, %sub3A_737 : vector<16xf32>
        %mul3A_742 = arith.mulf %mul3A_741, %sub3A_737 : vector<16xf32>
        %sub3A_743 = arith.constant 1.500000e+00 : f32
        %sub3A_744 = vector.broadcast %sub3A_743 : f32 to vector<16xf32>
        %sub3A_745 = arith.subf %sub3A_744, %mul3A_742 : vector<16xf32>
        %mul3A_746 = arith.mulf %sub3A_737, %sub3A_745 : vector<16xf32>
        %mul3A_747 = arith.constant 5.000000e-01 : f32
        %mul3A_748 = vector.broadcast %mul3A_747 : f32 to vector<16xf32>
        %mul3A_749 = arith.mulf %mul3A_748, %select_n3A_727 : vector<16xf32>
        %mul3A_750 = arith.mulf %mul3A_749, %mul3A_746 : vector<16xf32>
        %mul3A_751 = arith.mulf %mul3A_750, %mul3A_746 : vector<16xf32>
        %sub3A_752 = arith.constant 1.500000e+00 : f32
        %sub3A_753 = vector.broadcast %sub3A_752 : f32 to vector<16xf32>
        %sub3A_754 = arith.subf %sub3A_753, %mul3A_751 : vector<16xf32>
        %mul3A_755 = arith.mulf %mul3A_746, %sub3A_754 : vector<16xf32>
        %mul3A_756 = arith.constant 5.000000e-01 : f32
        %mul3A_757 = vector.broadcast %mul3A_756 : f32 to vector<16xf32>
        %mul3A_758 = arith.mulf %mul3A_757, %select_n3A_727 : vector<16xf32>
        %mul3A_759 = arith.mulf %mul3A_758, %mul3A_755 : vector<16xf32>
        %mul3A_760 = arith.mulf %mul3A_759, %mul3A_755 : vector<16xf32>
        %sub3A_761 = arith.constant 1.500000e+00 : f32
        %sub3A_762 = vector.broadcast %sub3A_761 : f32 to vector<16xf32>
        %sub3A_763 = arith.subf %sub3A_762, %mul3A_760 : vector<16xf32>
        %mul3A_764 = arith.mulf %mul3A_755, %sub3A_763 : vector<16xf32>
        %mul3A_765 = arith.constant 5.000000e-01 : f32
        %mul3A_766 = vector.broadcast %mul3A_765 : f32 to vector<16xf32>
        %mul3A_767 = arith.mulf %mul3A_766, %select_n3A_727 : vector<16xf32>
        %mul3A_768 = arith.mulf %mul3A_767, %mul3A_764 : vector<16xf32>
        %mul3A_769 = arith.mulf %mul3A_768, %mul3A_764 : vector<16xf32>
        %sub3A_770 = arith.constant 1.500000e+00 : f32
        %sub3A_771 = vector.broadcast %sub3A_770 : f32 to vector<16xf32>
        %sub3A_772 = arith.subf %sub3A_771, %mul3A_769 : vector<16xf32>
        %mul3A_773 = arith.mulf %mul3A_764, %sub3A_772 : vector<16xf32>
        %mul3A_774 = arith.mulf %mul3A_773, %select_n3A_731 : vector<16xf32>
        %sub3A_775 = arith.subf %add3A_436, %mul3A_586 : vector<16xf32>
        %mul3A_776 = arith.mulf %sub3A_775, %mul3A_774 : vector<16xf32>
        %mul3A_777 = arith.constant 2.000000e-01 : f32
        %mul3A_778 = vector.broadcast %mul3A_777 : f32 to vector<16xf32>
        %mul3A_779 = arith.mulf %mul3A_778, %mul3A_776 : vector<16xf32>
        %max3A = arith.maximumf %mul3A_776, %mul3A_779 : vector<16xf32>
        %max3A_780 = arith.maximumf %scan3A_412, %max3A : vector<16xf32>
        %sub3A_781 = arith.subf %add3A_444, %mul3A_586 : vector<16xf32>
        %mul3A_782 = arith.mulf %sub3A_781, %mul3A_774 : vector<16xf32>
        %mul3A_783 = arith.constant 2.000000e-01 : f32
        %mul3A_784 = vector.broadcast %mul3A_783 : f32 to vector<16xf32>
        %mul3A_785 = arith.mulf %mul3A_784, %mul3A_782 : vector<16xf32>
        %max3A_786 = arith.maximumf %mul3A_782, %mul3A_785 : vector<16xf32>
        %max3A_787 = arith.maximumf %scan3A_413, %max3A_786 : vector<16xf32>
        %sub3A_788 = arith.subf %add3A_452, %mul3A_586 : vector<16xf32>
        %mul3A_789 = arith.mulf %sub3A_788, %mul3A_774 : vector<16xf32>
        %mul3A_790 = arith.constant 2.000000e-01 : f32
        %mul3A_791 = vector.broadcast %mul3A_790 : f32 to vector<16xf32>
        %mul3A_792 = arith.mulf %mul3A_791, %mul3A_789 : vector<16xf32>
        %max3A_793 = arith.maximumf %mul3A_789, %mul3A_792 : vector<16xf32>
        %max3A_794 = arith.maximumf %scan3A_414, %max3A_793 : vector<16xf32>
        %sub3A_795 = arith.subf %add3A_460, %mul3A_586 : vector<16xf32>
        %mul3A_796 = arith.mulf %sub3A_795, %mul3A_774 : vector<16xf32>
        %mul3A_797 = arith.constant 2.000000e-01 : f32
        %mul3A_798 = vector.broadcast %mul3A_797 : f32 to vector<16xf32>
        %mul3A_799 = arith.mulf %mul3A_798, %mul3A_796 : vector<16xf32>
        %max3A_800 = arith.maximumf %mul3A_796, %mul3A_799 : vector<16xf32>
        %max3A_801 = arith.maximumf %scan3A_415, %max3A_800 : vector<16xf32>
        %sub3A_802 = arith.subf %add3A_468, %mul3A_586 : vector<16xf32>
        %mul3A_803 = arith.mulf %sub3A_802, %mul3A_774 : vector<16xf32>
        %mul3A_804 = arith.constant 2.000000e-01 : f32
        %mul3A_805 = vector.broadcast %mul3A_804 : f32 to vector<16xf32>
        %mul3A_806 = arith.mulf %mul3A_805, %mul3A_803 : vector<16xf32>
        %max3A_807 = arith.maximumf %mul3A_803, %mul3A_806 : vector<16xf32>
        %max3A_808 = arith.maximumf %scan3A_416, %max3A_807 : vector<16xf32>
        %sub3A_809 = arith.subf %add3A_476, %mul3A_586 : vector<16xf32>
        %mul3A_810 = arith.mulf %sub3A_809, %mul3A_774 : vector<16xf32>
        %mul3A_811 = arith.constant 2.000000e-01 : f32
        %mul3A_812 = vector.broadcast %mul3A_811 : f32 to vector<16xf32>
        %mul3A_813 = arith.mulf %mul3A_812, %mul3A_810 : vector<16xf32>
        %max3A_814 = arith.maximumf %mul3A_810, %mul3A_813 : vector<16xf32>
        %max3A_815 = arith.maximumf %scan3A_417, %max3A_814 : vector<16xf32>
        %sub3A_816 = arith.subf %add3A_484, %mul3A_586 : vector<16xf32>
        %mul3A_817 = arith.mulf %sub3A_816, %mul3A_774 : vector<16xf32>
        %mul3A_818 = arith.constant 2.000000e-01 : f32
        %mul3A_819 = vector.broadcast %mul3A_818 : f32 to vector<16xf32>
        %mul3A_820 = arith.mulf %mul3A_819, %mul3A_817 : vector<16xf32>
        %max3A_821 = arith.maximumf %mul3A_817, %mul3A_820 : vector<16xf32>
        %max3A_822 = arith.maximumf %scan3A_418, %max3A_821 : vector<16xf32>
        %sub3A_823 = arith.subf %add3A_492, %mul3A_586 : vector<16xf32>
        %mul3A_824 = arith.mulf %sub3A_823, %mul3A_774 : vector<16xf32>
        %mul3A_825 = arith.constant 2.000000e-01 : f32
        %mul3A_826 = vector.broadcast %mul3A_825 : f32 to vector<16xf32>
        %mul3A_827 = arith.mulf %mul3A_826, %mul3A_824 : vector<16xf32>
        %max3A_828 = arith.maximumf %mul3A_824, %mul3A_827 : vector<16xf32>
        %max3A_829 = arith.maximumf %scan3A_419, %max3A_828 : vector<16xf32>
        %sub3A_830 = arith.subf %add3A_500, %mul3A_586 : vector<16xf32>
        %mul3A_831 = arith.mulf %sub3A_830, %mul3A_774 : vector<16xf32>
        %mul3A_832 = arith.constant 2.000000e-01 : f32
        %mul3A_833 = vector.broadcast %mul3A_832 : f32 to vector<16xf32>
        %mul3A_834 = arith.mulf %mul3A_833, %mul3A_831 : vector<16xf32>
        %max3A_835 = arith.maximumf %mul3A_831, %mul3A_834 : vector<16xf32>
        %max3A_836 = arith.maximumf %scan3A_420, %max3A_835 : vector<16xf32>
        %sub3A_837 = arith.subf %add3A_508, %mul3A_586 : vector<16xf32>
        %mul3A_838 = arith.mulf %sub3A_837, %mul3A_774 : vector<16xf32>
        %mul3A_839 = arith.constant 2.000000e-01 : f32
        %mul3A_840 = vector.broadcast %mul3A_839 : f32 to vector<16xf32>
        %mul3A_841 = arith.mulf %mul3A_840, %mul3A_838 : vector<16xf32>
        %max3A_842 = arith.maximumf %mul3A_838, %mul3A_841 : vector<16xf32>
        %max3A_843 = arith.maximumf %scan3A_421, %max3A_842 : vector<16xf32>
        %sub3A_844 = arith.subf %add3A_516, %mul3A_586 : vector<16xf32>
        %mul3A_845 = arith.mulf %sub3A_844, %mul3A_774 : vector<16xf32>
        %mul3A_846 = arith.constant 2.000000e-01 : f32
        %mul3A_847 = vector.broadcast %mul3A_846 : f32 to vector<16xf32>
        %mul3A_848 = arith.mulf %mul3A_847, %mul3A_845 : vector<16xf32>
        %max3A_849 = arith.maximumf %mul3A_845, %mul3A_848 : vector<16xf32>
        %max3A_850 = arith.maximumf %scan3A_422, %max3A_849 : vector<16xf32>
        %sub3A_851 = arith.subf %add3A_524, %mul3A_586 : vector<16xf32>
        %mul3A_852 = arith.mulf %sub3A_851, %mul3A_774 : vector<16xf32>
        %mul3A_853 = arith.constant 2.000000e-01 : f32
        %mul3A_854 = vector.broadcast %mul3A_853 : f32 to vector<16xf32>
        %mul3A_855 = arith.mulf %mul3A_854, %mul3A_852 : vector<16xf32>
        %max3A_856 = arith.maximumf %mul3A_852, %mul3A_855 : vector<16xf32>
        %max3A_857 = arith.maximumf %scan3A_423, %max3A_856 : vector<16xf32>
        %sub3A_858 = arith.subf %add3A_532, %mul3A_586 : vector<16xf32>
        %mul3A_859 = arith.mulf %sub3A_858, %mul3A_774 : vector<16xf32>
        %mul3A_860 = arith.constant 2.000000e-01 : f32
        %mul3A_861 = vector.broadcast %mul3A_860 : f32 to vector<16xf32>
        %mul3A_862 = arith.mulf %mul3A_861, %mul3A_859 : vector<16xf32>
        %max3A_863 = arith.maximumf %mul3A_859, %mul3A_862 : vector<16xf32>
        %max3A_864 = arith.maximumf %scan3A_424, %max3A_863 : vector<16xf32>
        %sub3A_865 = arith.subf %add3A_540, %mul3A_586 : vector<16xf32>
        %mul3A_866 = arith.mulf %sub3A_865, %mul3A_774 : vector<16xf32>
        %mul3A_867 = arith.constant 2.000000e-01 : f32
        %mul3A_868 = vector.broadcast %mul3A_867 : f32 to vector<16xf32>
        %mul3A_869 = arith.mulf %mul3A_868, %mul3A_866 : vector<16xf32>
        %max3A_870 = arith.maximumf %mul3A_866, %mul3A_869 : vector<16xf32>
        %max3A_871 = arith.maximumf %scan3A_425, %max3A_870 : vector<16xf32>
        %sub3A_872 = arith.subf %add3A_548, %mul3A_586 : vector<16xf32>
        %mul3A_873 = arith.mulf %sub3A_872, %mul3A_774 : vector<16xf32>
        %mul3A_874 = arith.constant 2.000000e-01 : f32
        %mul3A_875 = vector.broadcast %mul3A_874 : f32 to vector<16xf32>
        %mul3A_876 = arith.mulf %mul3A_875, %mul3A_873 : vector<16xf32>
        %max3A_877 = arith.maximumf %mul3A_873, %mul3A_876 : vector<16xf32>
        %max3A_878 = arith.maximumf %scan3A_426, %max3A_877 : vector<16xf32>
        %sub3A_879 = arith.subf %add3A_556, %mul3A_586 : vector<16xf32>
        %mul3A_880 = arith.mulf %sub3A_879, %mul3A_774 : vector<16xf32>
        %mul3A_881 = arith.constant 2.000000e-01 : f32
        %mul3A_882 = vector.broadcast %mul3A_881 : f32 to vector<16xf32>
        %mul3A_883 = arith.mulf %mul3A_882, %mul3A_880 : vector<16xf32>
        %max3A_884 = arith.maximumf %mul3A_880, %mul3A_883 : vector<16xf32>
        %max3A_885 = arith.maximumf %scan3A_427, %max3A_884 : vector<16xf32>
        scf.yield %max3A_780, %max3A_787, %max3A_794, %max3A_801, %max3A_808, %max3A_815, %max3A_822, %max3A_829, %max3A_836, %max3A_843, %max3A_850, %max3A_857, %max3A_864, %max3A_871, %max3A_878, %max3A_885 : vector<16xf32>, vector<16xf32>, vector<16xf32>, vector<16xf32>, vector<16xf32>, vector<16xf32>, vector<16xf32>, vector<16xf32>, vector<16xf32>, vector<16xf32>, vector<16xf32>, vector<16xf32>, vector<16xf32>, vector<16xf32>, vector<16xf32>, vector<16xf32>
      }
      %scan3A_323 = arith.constant 20 : i32
      %swap3A_324 = arith.index_cast %add3A_214 : i32 to index
      %swap3A_325 = arith.constant 0 : index
      %swap3A_326 = tpu.vector_load %arg8[%swap3A_324, %swap3A_325] {strides = array<i32>} : memref<128x256xf32, #tpu.memory_space<vmem>>, vector<1x16xf32>,
      %swap3A_327 = vector.shape_cast %swap3A_326 : vector<1x16xf32> to vector<16xf32>
      %swap3A_328 = vector.shape_cast %scan3A_322#0 : vector<16xf32> to vector<1x16xf32>
      tpu.vector_store %arg8[%swap3A_324, %swap3A_325], %swap3A_328 {strides = array<i32>} : memref<128x256xf32, #tpu.memory_space<vmem>>, vector<1x16xf32>,
      %swap3A_329 = arith.index_cast %add3A_214 : i32 to index
      %swap3A_330 = arith.constant 16 : index
      %swap3A_331 = tpu.vector_load %arg8[%swap3A_329, %swap3A_330] {strides = array<i32>} : memref<128x256xf32, #tpu.memory_space<vmem>>, vector<1x16xf32>,
      %swap3A_332 = vector.shape_cast %swap3A_331 : vector<1x16xf32> to vector<16xf32>
      %swap3A_333 = vector.shape_cast %scan3A_322#1 : vector<16xf32> to vector<1x16xf32>
      tpu.vector_store %arg8[%swap3A_329, %swap3A_330], %swap3A_333 {strides = array<i32>} : memref<128x256xf32, #tpu.memory_space<vmem>>, vector<1x16xf32>,
      %swap3A_334 = arith.index_cast %add3A_214 : i32 to index
      %swap3A_335 = arith.constant 32 : index
      %swap3A_336 = tpu.vector_load %arg8[%swap3A_334, %swap3A_335] {strides = array<i32>} : memref<128x256xf32, #tpu.memory_space<vmem>>, vector<1x16xf32>,
      %swap3A_337 = vector.shape_cast %swap3A_336 : vector<1x16xf32> to vector<16xf32>
      %swap3A_338 = vector.shape_cast %scan3A_322#2 : vector<16xf32> to vector<1x16xf32>
      tpu.vector_store %arg8[%swap3A_334, %swap3A_335], %swap3A_338 {strides = array<i32>} : memref<128x256xf32, #tpu.memory_space<vmem>>, vector<1x16xf32>,
      %swap3A_339 = arith.index_cast %add3A_214 : i32 to index
      %swap3A_340 = arith.constant 48 : index
      %swap3A_341 = tpu.vector_load %arg8[%swap3A_339, %swap3A_340] {strides = array<i32>} : memref<128x256xf32, #tpu.memory_space<vmem>>, vector<1x16xf32>,
      %swap3A_342 = vector.shape_cast %swap3A_341 : vector<1x16xf32> to vector<16xf32>
      %swap3A_343 = vector.shape_cast %scan3A_322#3 : vector<16xf32> to vector<1x16xf32>
      tpu.vector_store %arg8[%swap3A_339, %swap3A_340], %swap3A_343 {strides = array<i32>} : memref<128x256xf32, #tpu.memory_space<vmem>>, vector<1x16xf32>,
      %swap3A_344 = arith.index_cast %add3A_214 : i32 to index
      %swap3A_345 = arith.constant 64 : index
      %swap3A_346 = tpu.vector_load %arg8[%swap3A_344, %swap3A_345] {strides = array<i32>} : memref<128x256xf32, #tpu.memory_space<vmem>>, vector<1x16xf32>,
      %swap3A_347 = vector.shape_cast %swap3A_346 : vector<1x16xf32> to vector<16xf32>
      %swap3A_348 = vector.shape_cast %scan3A_322#4 : vector<16xf32> to vector<1x16xf32>
      tpu.vector_store %arg8[%swap3A_344, %swap3A_345], %swap3A_348 {strides = array<i32>} : memref<128x256xf32, #tpu.memory_space<vmem>>, vector<1x16xf32>,
      %swap3A_349 = arith.index_cast %add3A_214 : i32 to index
      %swap3A_350 = arith.constant 80 : index
      %swap3A_351 = tpu.vector_load %arg8[%swap3A_349, %swap3A_350] {strides = array<i32>} : memref<128x256xf32, #tpu.memory_space<vmem>>, vector<1x16xf32>,
      %swap3A_352 = vector.shape_cast %swap3A_351 : vector<1x16xf32> to vector<16xf32>
      %swap3A_353 = vector.shape_cast %scan3A_322#5 : vector<16xf32> to vector<1x16xf32>
      tpu.vector_store %arg8[%swap3A_349, %swap3A_350], %swap3A_353 {strides = array<i32>} : memref<128x256xf32, #tpu.memory_space<vmem>>, vector<1x16xf32>,
      %swap3A_354 = arith.index_cast %add3A_214 : i32 to index
      %swap3A_355 = arith.constant 96 : index
      %swap3A_356 = tpu.vector_load %arg8[%swap3A_354, %swap3A_355] {strides = array<i32>} : memref<128x256xf32, #tpu.memory_space<vmem>>, vector<1x16xf32>,
      %swap3A_357 = vector.shape_cast %swap3A_356 : vector<1x16xf32> to vector<16xf32>
      %swap3A_358 = vector.shape_cast %scan3A_322#6 : vector<16xf32> to vector<1x16xf32>
      tpu.vector_store %arg8[%swap3A_354, %swap3A_355], %swap3A_358 {strides = array<i32>} : memref<128x256xf32, #tpu.memory_space<vmem>>, vector<1x16xf32>,
      %swap3A_359 = arith.index_cast %add3A_214 : i32 to index
      %swap3A_360 = arith.constant 112 : index
      %swap3A_361 = tpu.vector_load %arg8[%swap3A_359, %swap3A_360] {strides = array<i32>} : memref<128x256xf32, #tpu.memory_space<vmem>>, vector<1x16xf32>,
      %swap3A_362 = vector.shape_cast %swap3A_361 : vector<1x16xf32> to vector<16xf32>
      %swap3A_363 = vector.shape_cast %scan3A_322#7 : vector<16xf32> to vector<1x16xf32>
      tpu.vector_store %arg8[%swap3A_359, %swap3A_360], %swap3A_363 {strides = array<i32>} : memref<128x256xf32, #tpu.memory_space<vmem>>, vector<1x16xf32>,
      %swap3A_364 = arith.index_cast %add3A_214 : i32 to index
      %swap3A_365 = arith.constant 128 : index
      %swap3A_366 = tpu.vector_load %arg8[%swap3A_364, %swap3A_365] {strides = array<i32>} : memref<128x256xf32, #tpu.memory_space<vmem>>, vector<1x16xf32>,
      %swap3A_367 = vector.shape_cast %swap3A_366 : vector<1x16xf32> to vector<16xf32>
      %swap3A_368 = vector.shape_cast %scan3A_322#8 : vector<16xf32> to vector<1x16xf32>
      tpu.vector_store %arg8[%swap3A_364, %swap3A_365], %swap3A_368 {strides = array<i32>} : memref<128x256xf32, #tpu.memory_space<vmem>>, vector<1x16xf32>,
      %swap3A_369 = arith.index_cast %add3A_214 : i32 to index
      %swap3A_370 = arith.constant 144 : index
      %swap3A_371 = tpu.vector_load %arg8[%swap3A_369, %swap3A_370] {strides = array<i32>} : memref<128x256xf32, #tpu.memory_space<vmem>>, vector<1x16xf32>,
      %swap3A_372 = vector.shape_cast %swap3A_371 : vector<1x16xf32> to vector<16xf32>
      %swap3A_373 = vector.shape_cast %scan3A_322#9 : vector<16xf32> to vector<1x16xf32>
      tpu.vector_store %arg8[%swap3A_369, %swap3A_370], %swap3A_373 {strides = array<i32>} : memref<128x256xf32, #tpu.memory_space<vmem>>, vector<1x16xf32>,
      %swap3A_374 = arith.index_cast %add3A_214 : i32 to index
      %swap3A_375 = arith.constant 160 : index
      %swap3A_376 = tpu.vector_load %arg8[%swap3A_374, %swap3A_375] {strides = array<i32>} : memref<128x256xf32, #tpu.memory_space<vmem>>, vector<1x16xf32>,
      %swap3A_377 = vector.shape_cast %swap3A_376 : vector<1x16xf32> to vector<16xf32>
      %swap3A_378 = vector.shape_cast %scan3A_322#10 : vector<16xf32> to vector<1x16xf32>
      tpu.vector_store %arg8[%swap3A_374, %swap3A_375], %swap3A_378 {strides = array<i32>} : memref<128x256xf32, #tpu.memory_space<vmem>>, vector<1x16xf32>,
      %swap3A_379 = arith.index_cast %add3A_214 : i32 to index
      %swap3A_380 = arith.constant 176 : index
      %swap3A_381 = tpu.vector_load %arg8[%swap3A_379, %swap3A_380] {strides = array<i32>} : memref<128x256xf32, #tpu.memory_space<vmem>>, vector<1x16xf32>,
      %swap3A_382 = vector.shape_cast %swap3A_381 : vector<1x16xf32> to vector<16xf32>
      %swap3A_383 = vector.shape_cast %scan3A_322#11 : vector<16xf32> to vector<1x16xf32>
      tpu.vector_store %arg8[%swap3A_379, %swap3A_380], %swap3A_383 {strides = array<i32>} : memref<128x256xf32, #tpu.memory_space<vmem>>, vector<1x16xf32>,
      %swap3A_384 = arith.index_cast %add3A_214 : i32 to index
      %swap3A_385 = arith.constant 192 : index
      %swap3A_386 = tpu.vector_load %arg8[%swap3A_384, %swap3A_385] {strides = array<i32>} : memref<128x256xf32, #tpu.memory_space<vmem>>, vector<1x16xf32>,
      %swap3A_387 = vector.shape_cast %swap3A_386 : vector<1x16xf32> to vector<16xf32>
      %swap3A_388 = vector.shape_cast %scan3A_322#12 : vector<16xf32> to vector<1x16xf32>
      tpu.vector_store %arg8[%swap3A_384, %swap3A_385], %swap3A_388 {strides = array<i32>} : memref<128x256xf32, #tpu.memory_space<vmem>>, vector<1x16xf32>,
      %swap3A_389 = arith.index_cast %add3A_214 : i32 to index
      %swap3A_390 = arith.constant 208 : index
      %swap3A_391 = tpu.vector_load %arg8[%swap3A_389, %swap3A_390] {strides = array<i32>} : memref<128x256xf32, #tpu.memory_space<vmem>>, vector<1x16xf32>,
      %swap3A_392 = vector.shape_cast %swap3A_391 : vector<1x16xf32> to vector<16xf32>
      %swap3A_393 = vector.shape_cast %scan3A_322#13 : vector<16xf32> to vector<1x16xf32>
      tpu.vector_store %arg8[%swap3A_389, %swap3A_390], %swap3A_393 {strides = array<i32>} : memref<128x256xf32, #tpu.memory_space<vmem>>, vector<1x16xf32>,
      %swap3A_394 = arith.index_cast %add3A_214 : i32 to index
      %swap3A_395 = arith.constant 224 : index
      %swap3A_396 = tpu.vector_load %arg8[%swap3A_394, %swap3A_395] {strides = array<i32>} : memref<128x256xf32, #tpu.memory_space<vmem>>, vector<1x16xf32>,
      %swap3A_397 = vector.shape_cast %swap3A_396 : vector<1x16xf32> to vector<16xf32>
      %swap3A_398 = vector.shape_cast %scan3A_322#14 : vector<16xf32> to vector<1x16xf32>
      tpu.vector_store %arg8[%swap3A_394, %swap3A_395], %swap3A_398 {strides = array<i32>} : memref<128x256xf32, #tpu.memory_space<vmem>>, vector<1x16xf32>,
      %swap3A_399 = arith.index_cast %add3A_214 : i32 to index
      %swap3A_400 = arith.constant 240 : index
      %swap3A_401 = tpu.vector_load %arg8[%swap3A_399, %swap3A_400] {strides = array<i32>} : memref<128x256xf32, #tpu.memory_space<vmem>>, vector<1x16xf32>,
      %swap3A_402 = vector.shape_cast %swap3A_401 : vector<1x16xf32> to vector<16xf32>
      %swap3A_403 = vector.shape_cast %scan3A_322#15 : vector<16xf32> to vector<1x16xf32>
      tpu.vector_store %arg8[%swap3A_399, %swap3A_400], %swap3A_403 {strides = array<i32>} : memref<128x256xf32, #tpu.memory_space<vmem>>, vector<1x16xf32>,
      %add3A_404 = arith.constant 3 : i32
      %add3A_405 = arith.addi %mul3A_23, %add3A_404 : i32
      %lt3A_406 = arith.constant 128 : i32
      %lt3A_407 = arith.cmpi slt, %add3A_405, %lt3A_406 : i32
      %convert_element_type3A_408 = arith.extui %lt3A_407 : i1 to i32
      %cond3A_409 = arith.constant 0 : i32
      %cond3A_410 = arith.cmpi ne, %convert_element_type3A_408, %cond3A_409 : i32
      scf.if %cond3A_410 {
        %add3A_411 = arith.constant 3 : i32
        %add3A_412 = arith.addi %mul3A_23, %add3A_411 : i32
        %dma_start3A_413 = arith.constant 0 : i32
        %dma_start3A_414 = tpu.memref_slice %arg6[%add3A_412, %dma_start3A_413] : memref<128x24xi32, #tpu.memory_space<vmem>> -> memref<1x24xi32, #tpu.memory_space<vmem>>
        %dma_start3A_415 = tpu.memref_squeeze %dma_start3A_414 : memref<1x24xi32, #tpu.memory_space<vmem>> -> memref<24xi32, #tpu.memory_space<vmem>>
        %dma_start3A_416 = arith.constant 0 : i32
        %dma_start3A_417 = arith.constant 0 : i32
        %dma_start3A_418 = tpu.memref_slice %arg2[%dma_start3A_416, %dma_start3A_417] : memref<4096x256xf32, #tpu.memory_space<hbm>> -> memref<4096x256xf32, #tpu.memory_space<hbm>>
        tpu.enqueue_indirect_dma source(%dma_start3A_418 : memref<4096x256xf32, #tpu.memory_space<hbm>>) target(%arg10 : memref<24x256xf32, #tpu.memory_space<vmem>>) offsets(%dma_start3A_415 : memref<24xi32, #tpu.memory_space<vmem>>) semaphore(%arg12 : memref<!tpu.dma_semaphore, #tpu.memory_space<semaphore_mem>>)
      } else {
      }
    }
    %scan3A_20 = arith.constant 64 : i32
    "tpu.region"() ({
      %run_scoped3A = tpu.sem_alloc : memref<!tpu.dma_semaphore, #tpu.memory_space<semaphore_mem>>
      %dma_start3A_21 = arith.constant 0 : i32
      %dma_start3A_22 = tpu.memref_slice %arg5[%mul3A_2, %dma_start3A_21] : memref<4096x256xf32, #tpu.memory_space<hbm>> -> memref<128x256xf32, #tpu.memory_space<hbm>>
      %dma_start3A_23 = arith.constant 0 : i32
      %dma_start3A_24 = tpu.memref_slice %arg5[%mul3A_2, %dma_start3A_23] : memref<4096x256xf32, #tpu.memory_space<hbm>> -> memref<128x256xf32, #tpu.memory_space<hbm>>
      tpu.enqueue_dma source(%arg8 : memref<128x256xf32, #tpu.memory_space<vmem>>) target(%dma_start3A_24 : memref<128x256xf32, #tpu.memory_space<hbm>>) target_semaphore(%run_scoped3A : memref<!tpu.dma_semaphore, #tpu.memory_space<semaphore_mem>>)
      %dma_wait3A = arith.constant 0 : i32
      %dma_wait3A_25 = tpu.memref_slice %arg5[%mul3A_2, %dma_wait3A] : memref<4096x256xf32, #tpu.memory_space<hbm>> -> memref<128x256xf32, #tpu.memory_space<hbm>>
      %dma_wait3A_26 = arith.constant 0 : i32
      %dma_wait3A_27 = tpu.memref_slice %arg5[%mul3A_2, %dma_wait3A_26] : memref<4096x256xf32, #tpu.memory_space<hbm>> -> memref<128x256xf32, #tpu.memory_space<hbm>>
      tpu.wait_dma2 semaphore(%run_scoped3A : memref<!tpu.dma_semaphore, #tpu.memory_space<semaphore_mem>>) src(%arg8 : memref<128x256xf32, #tpu.memory_space<vmem>>) dst(%dma_wait3A_27 : memref<128x256xf32, #tpu.memory_space<hbm>>)
      tpu.yield
    }) : () -> ()
    return
  }
}

module attributes {stable_mosaic.version = 14 : i64} {
  func.func @_phase_a_body(%arg0: i32, %arg1: memref<1x128x1024xf32, #tpu.memory_space<vmem>>, %arg2: memref<256x256xf32, #tpu.memory_space<vmem>>, %arg3: memref<1x1024x24xi32, #tpu.memory_space<vmem>>, %arg4: memref<1x1024x256xf32, #tpu.memory_space<vmem>>, %arg5: memref<1x1024x256xf32, #tpu.memory_space<vmem>>, %arg6: memref<1024x1024xf32, #tpu.memory_space<vmem>>) attributes {dimension_semantics = [#tpu.dimension_semantics<arbitrary>], iteration_bounds = array<i64: 4>, scalar_prefetch = 0 : i64, scratch_operands = 1 : i64, tpu.core_type = #tpu.core_type<tc>, window_params = [{transform_indices = @transform_0, window_bounds = array<i64: 1, 128, 1024>}, {pipeline_mode = #tpu.pipeline_mode<synchronous>, transform_indices = @transform_1, window_bounds = array<i64: 256, 256>}, {transform_indices = @transform_2, window_bounds = array<i64: 1, 1024, 24>}, {transform_indices = @transform_3, window_bounds = array<i64: 1, 1024, 256>}, {transform_indices = @transform_4, window_bounds = array<i64: 1, 1024, 256>}]} {
    %get3A = arith.constant 0 : index
    %get3A_0 = arith.constant 0 : index
    %get3A_1 = arith.constant 0 : index
    %get3A_2 = vector.load %arg1[%get3A, %get3A_0, %get3A_1] : memref<1x128x1024xf32, #tpu.memory_space<vmem>>, vector<1x128x1024xf32>
    %get3A_3 = vector.shape_cast %get3A_2 : vector<1x128x1024xf32> to vector<128x1024xf32>
    %get3A_4 = arith.constant 0 : index
    %get3A_5 = arith.constant 0 : index
    %get3A_6 = vector.load %arg2[%get3A_4, %get3A_5] : memref<256x256xf32, #tpu.memory_space<vmem>>, vector<256x128xf32>
    %get3A_7 = arith.constant 0 : index
    %get3A_8 = arith.constant 128 : index
    %get3A_9 = vector.load %arg2[%get3A_7, %get3A_8] : memref<256x256xf32, #tpu.memory_space<vmem>>, vector<256x128xf32>
    %sub3A = arith.subf %get3A_9, %get3A_6 : vector<256x128xf32>
    %dot_general3A = arith.constant dense<0.000000e+00> : vector<1024x1024xf32>
    %dot_general3A_10 = tpu.matmul %get3A_3, %get3A_3, %dot_general3A {dimension_numbers = #tpu.dot_dimension_numbers<[0], [0], [1], [1], [0, 1, 1, 1], [], []>, transpose_lhs_hint = false} : vector<128x1024xf32>, vector<128x1024xf32>, vector<1024x1024xf32> -> vector<1024x1024xf32>
    %mul3A = arith.mulf %get3A_3, %get3A_3 : vector<128x1024xf32>
    %reduce_sum3A = arith.constant dense<0.000000e+00> : vector<1024xf32>
    %reduce_sum3A_11 = vector.multi_reduction <add>, %mul3A, %reduce_sum3A [0] : vector<128x1024xf32> to vector<1024xf32>
    %broadcast_in_dim3A = vector.shape_cast %reduce_sum3A_11 : vector<1024xf32> to vector<1x1024xf32>
    %mul3A_12 = arith.constant 2.000000e+00 : f32
    %mul3A_13 = vector.broadcast %mul3A_12 : f32 to vector<1024x1024xf32>
    %mul3A_14 = arith.mulf %mul3A_13, %dot_general3A_10 : vector<1024x1024xf32>
    %sub3A_15 = vector.broadcast %broadcast_in_dim3A : vector<1x1024xf32> to vector<1024x1024xf32>
    %sub3A_16 = arith.subf %mul3A_14, %sub3A_15 : vector<1024x1024xf32>
    %swap3A = arith.constant 0 : index
    %swap3A_17 = arith.constant 0 : index
    %swap3A_18 = vector.load %arg6[%swap3A, %swap3A_17] : memref<1024x1024xf32, #tpu.memory_space<vmem>>, vector<1024x1024xf32>
    tpu.vector_store %arg6[%swap3A, %swap3A_17], %sub3A_16 {strides = array<i32>} : memref<1024x1024xf32, #tpu.memory_space<vmem>>, vector<1024x1024xf32>,
    %dot_general3A_19 = arith.constant dense<0.000000e+00> : vector<1024x256xf32>
    %dot_general3A_20 = tpu.matmul %get3A_3, %get3A_6, %dot_general3A_19 {dimension_numbers = #tpu.dot_dimension_numbers<[0], [1], [1], [0], [0, 1, 1, 0], [], []>, transpose_lhs_hint = false} : vector<128x1024xf32>, vector<256x128xf32>, vector<1024x256xf32> -> vector<1024x256xf32>
    %swap3A_21 = arith.constant 0 : index
    %swap3A_22 = arith.constant 0 : index
    %swap3A_23 = arith.constant 0 : index
    %swap3A_24 = vector.load %arg4[%swap3A_21, %swap3A_22, %swap3A_23] : memref<1x1024x256xf32, #tpu.memory_space<vmem>>, vector<1x1024x256xf32>
    %swap3A_25 = vector.shape_cast %swap3A_24 : vector<1x1024x256xf32> to vector<1024x256xf32>
    %swap3A_26 = vector.shape_cast %dot_general3A_20 : vector<1024x256xf32> to vector<1x1024x256xf32>
    tpu.vector_store %arg4[%swap3A_21, %swap3A_22, %swap3A_23], %swap3A_26 {strides = array<i32>} : memref<1x1024x256xf32, #tpu.memory_space<vmem>>, vector<1x1024x256xf32>,
    %dot_general3A_27 = arith.constant dense<0.000000e+00> : vector<1024x256xf32>
    %dot_general3A_28 = tpu.matmul %get3A_3, %sub3A, %dot_general3A_27 {dimension_numbers = #tpu.dot_dimension_numbers<[0], [1], [1], [0], [0, 1, 1, 0], [], []>, transpose_lhs_hint = false} : vector<128x1024xf32>, vector<256x128xf32>, vector<1024x256xf32> -> vector<1024x256xf32>
    %swap3A_29 = arith.constant 0 : index
    %swap3A_30 = arith.constant 0 : index
    %swap3A_31 = arith.constant 0 : index
    %swap3A_32 = vector.load %arg5[%swap3A_29, %swap3A_30, %swap3A_31] : memref<1x1024x256xf32, #tpu.memory_space<vmem>>, vector<1x1024x256xf32>
    %swap3A_33 = vector.shape_cast %swap3A_32 : vector<1x1024x256xf32> to vector<1024x256xf32>
    %swap3A_34 = vector.shape_cast %dot_general3A_28 : vector<1024x256xf32> to vector<1x1024x256xf32>
    tpu.vector_store %arg5[%swap3A_29, %swap3A_30, %swap3A_31], %swap3A_34 {strides = array<i32>} : memref<1x1024x256xf32, #tpu.memory_space<vmem>>, vector<1x1024x256xf32>,
    %iota3A = tpu.iota {dimensions = array<i32: 1>} : vector<1024x1024xi32>
    %iota3A_35 = tpu.iota {dimensions = array<i32: 1>} : vector<1024x24xi32>
    %broadcast_in_dim3A_36 = arith.constant 0 : i32
    %broadcast_in_dim3A_37 = vector.broadcast %broadcast_in_dim3A_36 : i32 to vector<1024x24xi32>
    %scan3A = arith.constant -3.000000e+38 : f32
    %scan3A_38 = arith.constant 0 : i32
    %scan3A_39 = arith.constant 20 : i32
    %scan3A_40 = arith.addi %scan3A_38, %scan3A_39 : i32
    %scan3A_41 = arith.constant 1 : i32
    %scan3A_42 = scf.for %scan3A_53 = %scan3A_38 to %scan3A_40 step %scan3A_41 iter_args(%scan3A_54 = %broadcast_in_dim3A_37) -> (vector<1024x24xi32>)  : i32 {
      %get3A_55 = arith.constant 0 : index
      %get3A_56 = arith.constant 0 : index
      %get3A_57 = vector.load %arg6[%get3A_55, %get3A_56] : memref<1024x1024xf32, #tpu.memory_space<vmem>>, vector<1024x1024xf32>
      %reduce_max3A = arith.constant dense<0xFF800000> : vector<1024xf32>
      %reduce_max3A_58 = vector.multi_reduction <maximumf>, %get3A_57, %reduce_max3A [1] : vector<1024x1024xf32> to vector<1024xf32>
      %broadcast_in_dim3A_59 = vector.shape_cast %reduce_max3A_58 : vector<1024xf32> to vector<1024x1xf32>
      %eq3A = vector.broadcast %broadcast_in_dim3A_59 : vector<1024x1xf32> to vector<1024x1024xf32>
      %eq3A_60 = arith.cmpf oeq, %get3A_57, %eq3A : vector<1024x1024xf32>
      %jit3A = arith.constant 1024 : i32
      %broadcast_in_dim3A_61 = vector.broadcast %jit3A : i32 to vector<1024x1024xi32>
      %select_n3A = arith.select %eq3A_60, %iota3A, %broadcast_in_dim3A_61 : vector<1024x1024xi1>, vector<1024x1024xi32>
      %reduce_min3A = arith.constant dense<2147483647> : vector<1024xi32>
      %reduce_min3A_62 = vector.multi_reduction <minsi>, %select_n3A, %reduce_min3A [1] : vector<1024x1024xi32> to vector<1024xi32>
      %broadcast_in_dim3A_63 = vector.shape_cast %reduce_min3A_62 : vector<1024xi32> to vector<1024x1xi32>
      %eq3A_64 = vector.broadcast %broadcast_in_dim3A_63 : vector<1024x1xi32> to vector<1024x1024xi32>
      %eq3A_65 = arith.cmpi eq, %iota3A, %eq3A_64 : vector<1024x1024xi32>
      %broadcast_in_dim3A_66 = vector.broadcast %scan3A : f32 to vector<1024x1024xf32>
      %select_n3A_67 = arith.select %eq3A_65, %broadcast_in_dim3A_66, %get3A_57 : vector<1024x1024xi1>, vector<1024x1024xf32>
      %swap3A_68 = arith.constant 0 : index
      %swap3A_69 = arith.constant 0 : index
      %swap3A_70 = vector.load %arg6[%swap3A_68, %swap3A_69] : memref<1024x1024xf32, #tpu.memory_space<vmem>>, vector<1024x1024xf32>
      tpu.vector_store %arg6[%swap3A_68, %swap3A_69], %select_n3A_67 {strides = array<i32>} : memref<1024x1024xf32, #tpu.memory_space<vmem>>, vector<1024x1024xf32>,
      %eq3A_71 = vector.broadcast %scan3A_53 : i32 to vector<1024x24xi32>
      %eq3A_72 = arith.cmpi eq, %iota3A_35, %eq3A_71 : vector<1024x24xi32>
      %broadcast_in_dim3A_73 = vector.shape_cast %broadcast_in_dim3A_63 : vector<1024x1xi32> to vector<1024x1xi32>
      %broadcast_in_dim3A_74 = vector.broadcast %broadcast_in_dim3A_73 : vector<1024x1xi32> to vector<1024x24xi32>
      %select_n3A_75 = arith.select %eq3A_72, %broadcast_in_dim3A_74, %scan3A_54 : vector<1024x24xi1>, vector<1024x24xi32>
      scf.yield %select_n3A_75 : vector<1024x24xi32>
    }
    %scan3A_43 = arith.constant 20 : i32
    %mul3A_44 = arith.constant 1024 : i32
    %mul3A_45 = arith.muli %arg0, %mul3A_44 : i32
    %add3A = vector.broadcast %mul3A_45 : i32 to vector<1024x24xi32>
    %add3A_46 = arith.addi %scan3A_42, %add3A : vector<1024x24xi32>
    %swap3A_47 = arith.constant 0 : index
    %swap3A_48 = arith.constant 0 : index
    %swap3A_49 = arith.constant 0 : index
    %swap3A_50 = vector.load %arg3[%swap3A_47, %swap3A_48, %swap3A_49] : memref<1x1024x24xi32, #tpu.memory_space<vmem>>, vector<1x1024x24xi32>
    %swap3A_51 = vector.shape_cast %swap3A_50 : vector<1x1024x24xi32> to vector<1024x24xi32>
    %swap3A_52 = vector.shape_cast %add3A_46 : vector<1024x24xi32> to vector<1x1024x24xi32>
    tpu.vector_store %arg3[%swap3A_47, %swap3A_48, %swap3A_49], %swap3A_52 {strides = array<i32>} : memref<1x1024x24xi32, #tpu.memory_space<vmem>>, vector<1x1024x24xi32>,
    return
  }
  func.func @transform_0(%arg0: i32) -> (i32, i32, i32) {
    %c0_i32 = arith.constant 0 : i32
    %c0_i32_0 = arith.constant 0 : i32
    %c0_i32_1 = arith.constant 0 : i32
    return %arg0, %c0_i32, %c0_i32_0 : i32, i32, i32
  }
  func.func @transform_1(%arg0: i32) -> (i32, i32) {
    %c0_i32 = arith.constant 0 : i32
    %c0_i32_0 = arith.constant 0 : i32
    %c0_i32_1 = arith.constant 0 : i32
    return %c0_i32, %c0_i32_0 : i32, i32
  }
  func.func @transform_2(%arg0: i32) -> (i32, i32, i32) {
    %c0_i32 = arith.constant 0 : i32
    %c0_i32_0 = arith.constant 0 : i32
    %c0_i32_1 = arith.constant 0 : i32
    return %arg0, %c0_i32, %c0_i32_0 : i32, i32, i32
  }
  func.func @transform_3(%arg0: i32) -> (i32, i32, i32) {
    %c0_i32 = arith.constant 0 : i32
    %c0_i32_0 = arith.constant 0 : i32
    %c0_i32_1 = arith.constant 0 : i32
    return %arg0, %c0_i32, %c0_i32_0 : i32, i32, i32
  }
  func.func @transform_4(%arg0: i32) -> (i32, i32, i32) {
    %c0_i32 = arith.constant 0 : i32
    %c0_i32_0 = arith.constant 0 : i32
    %c0_i32_1 = arith.constant 0 : i32
    return %arg0, %c0_i32, %c0_i32_0 : i32, i32, i32
  }
}

</mosaic_0001>

<sc_bundles>
// kernel: kernel.4.cloned.1.call-start
scs
__scs_entry_jumppad:
0x0: {  	(pc) =	sbr.rel $0x88, $3  }
0x1: {  	(tag) =	ssettag $0x0;
	lr =	simm.s32 $0x1  }
0x2: {  	[smem:$0x3F9D] =	sst lr;
	_ =	strace $0xD0000000  }
0x3: {  	_ = 	snop  }
0x4: {  	_ = 	snop  }
0x5: {  	_ = 	snop  }
0x6: {  	_ = 	snop  }
0x7: {  	_ = 	snop  }
__scs_overlays_trampoline_lowered:
0x8: {  	[smem:$0x3FAC] =	sst s0  }
0x9: {  	[smem:$0x3FAD] =	sst s1  }
0xa: {  	[smem:$0x3FAE] =	sst s2  }
0xb: {  	[smem:$0x3FAF] =	sst s3  }
0xc: {  	[smem:$0x3FB0] =	sst s4  }
0xd: {  	[smem:$0x3FB1] =	sst s5  }
0xe: {  	[smem:$0x3FB2] =	sst s6  }
0xf: {  	[smem:$0x3FB3] =	sst s7  }
0x10: {  	[smem:$0x3FB4] =	sst s8  }
0x11: {  	[smem:$0x3FB5] =	sst s9;
	s0 =	simm.s32 @!p0 $0x0  }
0x12: {  	s1 =	sld [smem:$0x3F9B];
	s0 =	simm.s32 @p0 $0x1  }
0x13: {  	[smem:$0x3FB6] =	sst s0;
	s0 =	simm.s32 @!p1 $0x0  }
0x14: {  	s2 =	sld [smem:$0x3F9A];
	s0 =	simm.s32 @p1 $0x1  }
0x15: {  	[smem:$0x3FB7] =	sst s0;
	s0 =	simm.s32 @!p2 $0x0  }
0x16: {  	s3 =	sld [smem:$0x3FDB];
	s0 =	simm.s32 @p2 $0x1  }
0x17: {  	s4 =	simm.s32 $0x1BF5;
	[smem:$0x3FB9] =	sst s0  }
0x18: {  	s0 =	sld [smem:$0x3F9C];
	_ =	swait.ge [sflag:s4], $0x0  }
0x19: {  	s7 =	sld [smem:$0x3F9D]  }
0x1a: {  	s8 =	sadd.s32 $0xFFFFE003, lr  }
0x1b: {  	s9 =	sadd.s32 $0xFFFFFEF7, lr;
	s5 =	simm.s32 $0xFFFFFFFF;
	p2 =	slt.u32 s8, $0xFFFFF086  }
0x1c: {  	p1 =	slt.u32 s9, $0xF7A;
	s5 =	simm.s32 @!p2 $0x0  }
0x1d: {  	s5 =	simm.s32 @p1 $0x1;
	p0 =	seq.s32 s7, s2  }
0x1e: {  	s7 =	smul.u32 @!p0 $0xF7A, s2;
	p2 =	seq.s32 @!p0 s5, $0x0  }
0x1f: {  	s9 =	smul.u32 $0xF7A, s1;
	s8 =	simm.s32 @!p0 $0x1BF5;
	p2 =	por !p2, p0  }
0x20: {  	[sflag:s8] =	ssyncset.s32 @!p0 $0xFFFFF086;
	s6 =	sadd.s32 @!p0 s3, s7;
	s7 =	simm.s32 @!p0 $0x108  }
0x21: {  	s3 =	sadd.s32 s3, s9;
	s6 =	sadd.s32 @!p0 $0x88, s6;
	s7 =	simm.s32 @p2 $0x1082  }
0x22: {  	[simem:s7], [sflag:s8] =	dma.local @!p0 [hbm:s6], $0xF7A  }
0x23: {  	s9 =	sor.u32 $0xD0000000, s2;
	s6 =	simm.s32 $0x108;
	_ =	swait.ge @!p0 [sflag:s8], $0x0  }
0x24: {  	s3 =	sadd.s32 $0x88, s3;
	s6 =	simm.s32 @!p1 $0x1082;
	[sflag:s4] =	ssyncset.s32 $0xFFFFF086  }
0x25: {  	[simem:s6], [sflag:s4] =	dma.local [hbm:s3], $0xF7A  }
0x26: {  	[smem:$0x3F9D] =	sst s1;
	(tag) =	ssettag s2;
	_ =	strace s9  }
0x27: {  	s1 =	sld [smem:$0x3FAD]  }
0x28: {  	s2 =	sld [smem:$0x3FAE]  }
0x29: {  	s4 =	sld [smem:$0x3FB0]  }
0x2a: {  	p0 =	seq.s32 s5, $0x0;
	s5 =	sld [smem:$0x3FB1]  }
0x2b: {  	s6 =	sld [smem:$0x3FB2]  }
0x2c: {  	s7 =	sld [smem:$0x3FB3]  }
0x2d: {  	s3 =	simm.s32 $0x108;
	s8 =	sld [smem:$0x3FB4]  }
0x2e: {  	s3 =	simm.s32 @!p0 $0x1082;
	s9 =	sld [smem:$0x3FB5]  }
0x2f: {  	lr =	sadd.s32 s0, s3;
	s0 =	sld [smem:$0x3FAC]  }
0x30: {  	s3 =	sld [smem:$0x3FAF]  }
0x31: {  	[smem:$0x3FB8] =	sst s10  }
0x32: {  	s10 =	sld [smem:$0x3FB6];
	_ =	sdelay $0x3  }
0x33: {  	p0 =	seq.s32 s10, $0x1;
	s10 =	sld [smem:$0x3FB8];
	_ =	sdelay $0x3  }
0x34: {  	[smem:$0x3FB8] =	sst s10  }
0x35: {  	s10 =	sld [smem:$0x3FB7];
	_ =	sdelay $0x3  }
0x36: {  	p1 =	seq.s32 s10, $0x1;
	s10 =	sld [smem:$0x3FB8];
	_ =	sdelay $0x3  }
0x37: {  	[smem:$0x3FB8] =	sst s10  }
0x38: {  	s10 =	sld [smem:$0x3FB9]  }
0x39: {  	_ = 	snop;
	(pc) =	sbr.ind lr, $3  }
0x3a: {  	_ = 	snop  }
0x3b: {  	_ = 	snop  }
0x3c: {  	p2 =	seq.s32 s10, $0x1;
	s10 =	sld [smem:$0x3FB8]  }
0x3d: {  	_ =	shalt  }
0x3e: {  	_ =	shalt  }
0x3f: {  	_ =	shalt  }
0x40: {  	_ =	shalt  }
0x41: {  	_ =	shalt  }
0x42: {  	_ =	shalt  }
0x43: {  	_ =	shalt  }
0x44: {  	_ =	shalt  }
0x45: {  	_ =	shalt  }
0x46: {  	_ =	shalt  }
0x47: {  	_ =	shalt  }
0x48: {  	_ =	shalt  }
0x49: {  	_ =	shalt  }
0x4a: {  	_ =	shalt  }
0x4b: {  	_ =	shalt  }
0x4c: {  	_ =	shalt  }
0x4d: {  	_ =	shalt  }
0x4e: {  	_ =	shalt  }
0x4f: {  	_ =	shalt  }
0x50: {  	_ =	shalt  }
0x51: {  	_ =	shalt  }
0x52: {  	_ =	shalt  }
0x53: {  	_ =	shalt  }
0x54: {  	_ =	shalt  }
0x55: {  	_ =	shalt  }
0x56: {  	_ =	shalt  }
0x57: {  	_ =	shalt  }
0x58: {  	_ =	shalt  }
0x59: {  	_ =	shalt  }
0x5a: {  	_ =	shalt  }
0x5b: {  	_ =	shalt  }
0x5c: {  	_ =	shalt  }
0x5d: {  	_ =	shalt  }
0x5e: {  	_ =	shalt  }
0x5f: {  	_ =	shalt  }
0x60: {  	_ =	shalt  }
0x61: {  	_ =	shalt  }
0x62: {  	_ =	shalt  }
0x63: {  	_ =	shalt  }
0x64: {  	_ =	shalt  }
0x65: {  	_ =	shalt  }
0x66: {  	_ =	shalt  }
0x67: {  	_ =	shalt  }
0x68: {  	_ =	shalt  }
0x69: {  	_ =	shalt  }
0x6a: {  	_ =	shalt  }
0x6b: {  	_ =	shalt  }
0x6c: {  	_ =	shalt  }
0x6d: {  	_ =	shalt  }
0x6e: {  	_ =	shalt  }
0x6f: {  	_ =	shalt  }
0x70: {  	_ =	shalt  }
0x71: {  	_ =	shalt  }
0x72: {  	_ =	shalt  }
0x73: {  	_ =	shalt  }
0x74: {  	_ =	shalt  }
0x75: {  	_ =	shalt  }
0x76: {  	_ =	shalt  }
0x77: {  	_ =	shalt  }
0x78: {  	_ =	shalt  }
0x79: {  	_ =	shalt  }
0x7a: {  	_ =	shalt  }
0x7b: {  	_ =	shalt  }
0x7c: {  	_ =	shalt  }
0x7d: {  	_ =	shalt  }
0x7e: {  	_ =	shalt  }
0x7f: {  	_ =	shalt  }
0x80: {  	_ =	shalt  }
0x81: {  	_ =	shalt  }
0x82: {  	_ =	shalt  }
0x83: {  	_ =	shalt  }
0x84: {  	_ =	shalt  }
0x85: {  	_ =	shalt  }
0x86: {  	_ =	shalt  }
0x87: {  	_ =	shalt  }
.Lfunc_end0:
.L_simem_size_0:
called_computation_lowered:
.L_overlay_start_0:
0x88: {  	s2 =	sld [smem:$0x3FD9]  }
0x89: {  	s3 =	sld [smem:$0x3FFE];
	_ =	sdelay $0x1  }
0x8a: {  	s1 =	srdreg.scid  }
0x8b: {  	s0 =	sand.u32 $0x1, s1  }
0x8c: {  	s17 =	sshll.u32 s0, $0xA;
	s2 =	sadd.s32 s3, s2  }
0x8d: {  	s2 =	sadd.s32 s2, s17  }
0x8e: {  	[smem:$0x3FC4] =	sst s2  }
0x8f: {  	_ = 	snop  }
0x90: {  	s2 =	sld [smem:$0x3FD0];
	(tm) =	ssettm $0x1  }
0x91: {  	s18 =	sld [smem:$0x3FFB];
	_ =	sdelay $0x3  }
0x92: {  	_ =	strace s18  }
0x93: {  	s3 =	sld [smem:$0x3FFC];
	_ =	sdelay $0x3  }
0x94: {  	_ =	strace s3  }
0x95: {  	s3 =	sld [smem:$0x3FFD];
	_ =	sdelay $0x3  }
0x96: {  	_ =	strace s3  }
0x97: {  	_ =	strace $0x8FFFFFFF  }
0x98: {  	s19 =	sld [smem:$0x3FDB];
	_ =	sdelay $0x1  }
0x99: {  	s4 =	simm.s32 $_scs_section_size  }
0x9a: {  	s5 =	simm.s32 $_size__tile_overlayer_lowered;
	s6 =	simm.s32 $_tile_overlayer_lowered  }
0x9b: {  	s22 =	simm.s32 $0x1BFF;
	s21 =	sshll.u32 s6, $0x1;
	s3 =	sadd.s32 s4, s19  }
0x9c: {  	s7 =	simm.s32 $0x0;
	s20 =	sshll.u32 s5, $0x1;
	s5 =	sadd.s32 s21, s3  }
0x9d: {  	[timem:s7], [sflag:s22] =	dma.local [hbm:s5], s20  }
0x9e: {  	_ =	swait.ge [sflag:s22], s20  }
0x9f: {  	s4 =	ssub.s32 $0x0, s20;
	[sflag:s22] =	ssyncset.done $0x0  }
0xa0: {  	[sflag:s22] =	ssyncadd.s32 s4;
	_ =	sdelay $0x1  }
0xa1: {  	s23 =	simm.s32 $0x1B8B  }
0xa2: {  	_ =	swait.ge [sflag:s23], $0x1  }
0xa3: {  	[sflag:s23] =	ssyncset.done $0x0  }
0xa4: {  	s25 =	simm.s32 $0x1B8E;
	s24 =	sld [smem:$0x3FFE];
	[sflag:s23] =	ssyncadd.s32 $0xFFFFFFFF  }
0xa5: {  	s26 =	simm.s32 $execute0_lowered;
	[smem:$0x3FD2] =	sst s25  }
0xa6: {  	s5 =	sshll.u32 s26, $0x1;
	_ =	strace $0x80000046;
	[dreg:$0x1] =	wrdreg $0xFFFFFFFF  }
0xa7: {  	s28 =	simm.s32 $_size_execute0_lowered;
	s3 =	sadd.s32 s3, s5;
	[dreg:$0x0] =	wrdreg $0x0  }
0xa8: {  	s5 =	sshll.u32 s28, $0x1;
	[dreg:$0x2] =	wrdreg s3  }
0xa9: {  	[dreg:$0x3] =	wrdreg s5  }
0xaa: {  	[dreg:$0x4] =	wrdreg $0xC0  }
0xab: {  	_ =	task [dreg:s7], $0x5FFFF  }
0xac: {  	[dreg:$0x1] =	wrdreg $0xFFFFFFFF  }
0xad: {  	[dreg:$0x0] =	wrdreg $0x60  }
0xae: {  	[dreg:$0x2] =	wrdreg s2  }
0xaf: {  	[dreg:$0x3] =	wrdreg s24  }
0xb0: {  	[dreg:$0x4] =	wrdreg $0x9  }
0xb1: {  	_ =	task.clear_ibuf [dreg:s7], $0x5FFFF;
	_ =	strace $0x90000046  }
0xb2: {  	s29 =	simm.s32 $0x9;
	_ =	strace $0x80000048  }
0xb3: {  	_ =	swait.ge [sflag:s29], $0x1  }
0xb4: {  	[sflag:s29] =	ssyncadd.s32 $0xFFFFFFFF  }
0xb5: {  	_ =	strace $0x90000048  }
0xb6: {  	_ =	sfence  }
0xb7: {  	s30 =	sld [smem:$0x0];
	_ =	sdelay $0x2  }
0xb8: {  	s31 =	sshll.u32 s1, $0xD;
	s1 =	sshrl.u32 s1, $0x2  }
0xb9: {  	s3 =	sand.u32 $0x4000, s31;
	s1 =	sadd.s32 s1, s30  }
0xba: {  	s0 =	sor.u32 s3, s0;
	s1 =	sshll.u32 s1, $0x11  }
0xbb: {  	s0 =	sor.u32 s1, s0  }
0xbc: {  	s0 =	sadd.s32 $0x8F2B, s0  }
0xbd: {  	[sflag:s0] =	ssyncadd.remote.s32 $0x1  }
0xbe: {  	_ =	sfence.sel $0xFFFF  }
0xbf: {  	[dreg:$0x0] =	wrdreg $0xFFFFFFFF;
	(pc) =	sbr.abs _section_cstart, $3  }
0xc0: {  	[dreg:$0x1] =	wrdreg $0xFFFFFFFF  }
0xc1: {  	_ =	task.clear_ibuf [dreg:s7], $0x2FFFF;
	_ =	strace $0x9FFFFFFF  }
0xc2: {  	(tm) =	ssettm $0x7FFFFFFF  }
0xc3: {  	_ =	shalt  }
tec
execute0_lowered:
.L_overlay_start_1:
0x0: {  	(tag) =	ssettag $0x1  }
0x1: {  	v0 =	vimm.s32 $0xBA98FEDC;
	v1 =	vimm.s32 $0x32107654;
	v2 =	vlaneseq.u32  }
0x2: {  	v3 =	vimm.s32 $0x76543210;
	v4 =	vimm.s32 $0xDCFE98BA;
	v60 =	vimm.s32 $0x54761032  }
0x3: {  	v5 =	vimm.s32 $0xEFCDAB89;
	v6 =	vimm.s32 $0x67452301;
	v7 =	vimm.s32 $0xFEDCBA98  }
0x4: {  	s1 =	rddreg [dreg:$0x0];
	v0 =	vunpack.c.l.s4.s8 v0;
	v1 =	vunpack.c.l.s4.s8 v1;
	v59 =	vunpack.c.l.s4.s8 v4  }
0x5: {  	s0 =	rddreg [dreg:$0x1];
	v4 =	vunpack.c.l.s4.s8 v60;
	v5 =	vunpack.c.l.s4.s8 v5;
	v6 =	vunpack.c.l.s4.s8 v6  }
0x6: {  	s2 =	srdreg.scid;
	s4 =	stileid.u32;
	v7 =	vunpack.c.l.s4.s8 v7;
	v3 =	vunpack.c.l.s4.s8 v3;
	v61 =	vand.u32 $0x7, v2  }
0x7: {  	s3 =	simm.s32 $0x0;
	s8 =	simm.s32 $0x3;
	s13 =	simm.s32 $0x15800;
	v63 =	vshrl.u32 v2, $0x3;
	v0 =	vunpack.c.0.s8.s32 v0;
	v1 =	vunpack.c.0.s8.s32 v1  }
0x8: {  	s14 =	simm.s32 $0x16000;
	s2 =	sand.u32 $0x1, s2;
	s4 =	sshll.u32 s4, $0x8;
	v2 =	vor.u32 $0x8, v2;
	v5 =	vunpack.c.0.s8.s32 v5;
	v6 =	vunpack.c.0.s8.s32 v6  }
0x9: {  	[smem:$0x7FF] =	sst s3;
	s5 =	sshll.u32 s2, $0x7;
	s2 =	ssub.s32 $0x2, s2;
	v4 =	vunpack.c.0.s8.s32 v4;
	v62 =	vunpack.c.0.s8.s32 v7;
	v0 =	vcombine.low v1, v0  }
0xa: {  	_ =	strace $0x80000047;
	[tilespmem:$0x1FF90] =	vst v61;
	s4 =	sor.u32 s5, s4;
	s6 =	sshrl.u32 s2, $0x1;
	v1 =	vunpack.c.0.s8.s32 v59;
	v5 =	vcombine.low v6, v5;
	v6 =	vmul.u32 $0x8, v63  }
0xb: {  	[tilespmem:$0x1FFB0] =	vst v2;
	v3 =	vunpack.c.0.s8.s32 v3;
	s5 =	sshll.u32 s4, $0x4;
	s4 =	sshll.u32 s4, $0x5;
	s2 =	ssub.s32 s2, s6  }
.Ltmp0:
0xc: {  	s5 =	sadd.s32 s5, s0;
	s31 =	smax.u32 s2, $0x1;
	v1 =	vcombine.low v4, v1;
	[tilespmem:$0x1FFA0] =	vst v6;
	v4 =	vand.u32 $0xF, v62;
	v40 =	vand.u32 $0xF, v0;
	(pc) =	sbr.rel .LBB2_1-.Ltmp0, $4  }
0xd: {  	s0 =	sadd.s32 s4, s0;
	s29 =	sadd.s32 $0x21400, s5;
	[dreg:$0x6] =	wrdreg s31;
	v15 =	vand.u32 $0xF, v5;
	v39 =	vcombine.low v4, v3;
	[tilespmem:$0x1FFD0] =	vst v40  }
0xe: {  	s15 =	simm.s32 $0x16800;
	s30 =	sadd.s32 $0x1400, s0;
	[dreg:$0x3] =	wrdreg s29;
	[tilespmem:$0x1FFF0] =	vst v15  }
0xf: {  	s16 =	simm.s32 $0x1;
	s0 =	sadd.s32 $0x31400, s0;
	[dreg:$0x4] =	wrdreg s30;
	v41 =	vand.u32 $0xF, v1;
	[tilespmem:$0x1FFC0] =	vst v39  }
0x10: {  	vm0 =	vmmov $0xffff;
	v38 =	vimm.f32 $1.000000000e+00;
	s17 =	simm.s32 $0x2;
	s19 =	simm.s32 $0x0;
	[dreg:$0x5] =	wrdreg s0;
	[tilespmem:$0x1FFE0] =	vst v41  }
.LBB2_8:
0x11: {  	s0 =	rddreg [dreg:$0x5];
	s2 =	simm.s32 $0xC000  }
0x12: {  	[hbm4b:s0+s3] =	stream.linear.scatter [tilespmem:s2], [sflag:$0x3], $0x8000, $0x38;
	[tilespmem:$0x17000] =	vst v63  }
0x13: {  	_ =	swait.ge [sflag:s8], $0x8000  }
0x14: {  	s19 =	sadd.s32 $0x1, s19;
	s31 =	rddreg [dreg:$0x6]  }
0x15: {  	p0 =	sne.s32 s19, s31  }
.Ltmp1:
0x16: {  	_ = 	snop;
	(pc) =	sbr.rel @!p0 .LBB2_9-.Ltmp1, $4  }
0x17: {  	v39 =	vld [tilespmem:$0x1FFC0]  }
0x18: {  	v40 =	vld [tilespmem:$0x1FFD0]  }
0x19: {  	[sflag:s8] =	ssyncset.done $0x0;
	v41 =	vld [tilespmem:$0x1FFE0]  }
0x1a: {  	v15 =	vld [tilespmem:$0x1FFF0];
	[sflag:s8] =	ssyncadd.s32 $0xFFFF8000  }
.LBB2_1:
0x1b: {  	s0 =	rddreg [dreg:$0x3]  }
0x1c: {  	[tilespmem:s3], [sflag:$0x3] =	stream.linear.gather [hbm4b:s0+s3], $0x4000, $0x38;
	[tilespmem:$0x17000] =	vst v63  }
0x1d: {  	_ =	swait.ge [sflag:s8], $0x4000  }
0x1e: {  	[sflag:s8] =	ssyncset.done $0x0  }
0x1f: {  	s2 =	simm.s32 $0x4000;
	s28 =	rddreg [dreg:$0x4];
	[sflag:s8] =	ssyncadd.s32 $0xFFFFC000  }
0x20: {  	[tilespmem:s2], [sflag:$0x3] =	stream.linear.gather [hbm4b:s28+s3], $0x8000, $0x38;
	[tilespmem:$0x17000] =	vst v63  }
0x21: {  	_ =	swait.ge [sflag:s8], $0x8000  }
0x22: {  	[sflag:s8] =	ssyncset.done $0x0  }
0x23: {  	[sflag:s8] =	ssyncadd.s32 $0xFFFF8000  }
0x24: {  	v0 =	vld [tilespmem:$0x0];
	_ =	sdelay $0x2  }
0x25: {  	v2 =	vld [tilespmem:$0x1FF90]  }
0x26: {  	v3 =	vld [tilespmem:$0x1FFA0]  }
0x27: {  	v4 =	vld [tilespmem:$0x1FFB0];
	v1 =	vshll.u32 v0, $0x1  }
0x28: {  	v0 =	vand.u32 $0x7, v0;
	v1 =	vand.u32 $0xFFFFFFF0, v1  }
0x29: {  	v0 =	vor.u32 v0, v1  }
0x2a: {  	v1 =	vperm.xlane v0, v2;
	_ =	sdelay $0x1  }
0x2b: {  	v0 =	vperm.xlane v0, v4;
	v1 =	vadd.s32 v3, v1;
	_ =	sdelay $0x1  }
0x2c: {  	v0 =	vadd.s32 v3, v0;
	_ =	sdelay $0x1  }
0x2d: {  	s29 =	simm.s32 $0x14000  }
0x2e: {  	[tilespmem:s29], [sflag:$0x1] =	stream.indirect_vreg.gather [hbm4b:s1+s3], $0x80, v1, vm0, $0xb8;
	[tilespmem:$0x17000] =	vst v63  }
0x2f: {  	s30 =	simm.s32 $0x14800  }
0x30: {  	[tilespmem:s30], [sflag:$0x1] =	stream.indirect_vreg.gather [hbm4b:s1+s3], $0x80, v0, vm0, $0xb8;
	[tilespmem:$0x17000] =	vst v63  }
0x31: {  	v0 =	vld.msk [tilespmem:$0x10], $0xff;
	_ =	sdelay $0x4  }
0x32: {  	v61 =	vshll.u32 v0, $0x1  }
0x33: {  	v0 =	vand.u32 $0x7, v0;
	v1 =	vand.u32 $0xFFFFFFF0, v61  }
0x34: {  	v0 =	vor.u32 v0, v1  }
0x35: {  	v0 =	vperm.xlane v0, v2;
	_ =	sdelay $0x1  }
0x36: {  	v0 =	vadd.s32 v3, v0;
	_ =	sdelay $0x3  }
0x37: {  	s31 =	simm.s32 $0x15000  }
0x38: {  	[tilespmem:s31], [sflag:$0x1] =	stream.indirect_vreg.gather [hbm4b:s1+s3], $0x80, v0, vm0, $0xb8;
	[tilespmem:$0x17000] =	vst v63  }
0x39: {  	v0 =	vld [tilespmem:$0x80];
	_ =	sdelay $0x4  }
0x3a: {  	v62 =	vshll.u32 v0, $0x1  }
0x3b: {  	v0 =	vand.u32 $0x7, v0;
	v1 =	vand.u32 $0xFFFFFFF0, v62  }
0x3c: {  	v0 =	vor.u32 v0, v1  }
0x3d: {  	v1 =	vperm.xlane v0, v2;
	_ =	sdelay $0x1  }
0x3e: {  	v0 =	vperm.xlane v0, v4;
	v1 =	vadd.s32 v3, v1;
	_ =	sdelay $0x1  }
0x3f: {  	v0 =	vadd.s32 v3, v0;
	_ =	sdelay $0x2  }
0x40: {  	[tilespmem:s13], [sflag:$0x2] =	stream.indirect_vreg.gather [hbm4b:s1+s3], $0x80, v1, vm0, $0xb8;
	[tilespmem:$0x17000] =	vst v63  }
0x41: {  	_ = 	snop  }
0x42: {  	[tilespmem:s14], [sflag:$0x2] =	stream.indirect_vreg.gather [hbm4b:s1+s3], $0x80, v0, vm0, $0xb8;
	[tilespmem:$0x17000] =	vst v63  }
0x43: {  	v0 =	vld.msk [tilespmem:$0x90], $0xff;
	_ =	sdelay $0x4  }
0x44: {  	v63 =	vshll.u32 v0, $0x1  }
0x45: {  	v0 =	vand.u32 $0x7, v0;
	v1 =	vand.u32 $0xFFFFFFF0, v63  }
0x46: {  	v0 =	vor.u32 v0, v1  }
0x47: {  	v0 =	vperm.xlane v0, v2;
	_ =	sdelay $0x1  }
0x48: {  	v0 =	vadd.s32 v3, v0;
	_ =	sdelay $0x3  }
0x49: {  	s20 =	simm.s32 $0x0  }
0x4a: {  	[tilespmem:s15], [sflag:$0x2] =	stream.indirect_vreg.gather [hbm4b:s1+s3], $0x80, v0, vm0, $0xb8;
	[tilespmem:$0x17000] =	vst v63  }
.LBB2_2:
0x4b: {  	_ =	swait.ge [sflag:s16], $0x1800;
	s0 =	sshll.u32 s20, $0x9;
	s2 =	sshll.u32 s20, $0x8  }
0x4c: {  	[sflag:s16] =	ssyncset.done $0x0;
	s0 =	sand.u32 $0x7800, s0;
	s2 =	sand.u32 $0x300, s2  }
0x4d: {  	[sflag:s16] =	ssyncadd.s32 $0xFFFFE800;
	s21 =	sor.u32 s2, s0  }
0x4e: {  	s23 =	simm.s32 $0x0;
	v18 =	vld [tilespmem:s21+$0x4000]  }
0x4f: {  	s24 =	sand.u32 $0x1800, s23;
	s0 =	sand.u32 $0x380, s23;
	v19 =	vld [tilespmem:s21+$0x4010]  }
0x50: {  	s0 =	sor.u32 s0, s24;
	v20 =	vld [tilespmem:s21+$0x4020]  }
0x51: {  	v0 =	vld [tilespmem:s0+$0x14000]  }
0x52: {  	v2 =	vld [tilespmem:s0+$0x14010]  }
0x53: {  	v22 =	vld [tilespmem:s21+$0x4030]  }
0x54: {  	v3 =	vld [tilespmem:s0+$0x14020]  }
0x55: {  	v23 =	vld [tilespmem:s21+$0x4040]  }
0x56: {  	v4 =	vld [tilespmem:s0+$0x14030];
	v1 =	vadd.f32 v0, v18  }
0x57: {  	v25 =	vld [tilespmem:s21+$0x4050];
	v0 =	vadd.f32 v2, v19  }
0x58: {  	v5 =	vld [tilespmem:s0+$0x14040];
	v6 =	vadd.f32 $0.0e+00, v1  }
0x59: {  	v34 =	vld [tilespmem:s21+$0x4060];
	v2 =	vadd.f32 v3, v20;
	v3 =	vmul.f32 v1, v1;
	v8 =	vmul.f32 v0, v0  }
0x5a: {  	v9 =	vld [tilespmem:s0+$0x14050];
	v6 =	vadd.f32 v0, v6  }
0x5b: {  	v36 =	vld [tilespmem:s21+$0x4070];
	v7 =	vadd.f32 v4, v22;
	v4 =	vmul.f32 v2, v2;
	v3 =	vadd.f32 v8, v3  }
0x5c: {  	v10 =	vld [tilespmem:s0+$0x14060];
	v6 =	vadd.f32 v2, v6  }
0x5d: {  	v42 =	vld [tilespmem:s21+$0x4400];
	v8 =	vadd.f32 v5, v23;
	v3 =	vadd.f32 v4, v3;
	v4 =	vmul.f32 v7, v7  }
0x5e: {  	v5 =	vadd.f32 v7, v6;
	v6 =	vld [tilespmem:s0+$0x14070]  }
0x5f: {  	v43 =	vld [tilespmem:s21+$0x4410];
	v9 =	vadd.f32 v9, v25;
	v3 =	vadd.f32 v4, v3;
	v4 =	vmul.f32 v8, v8  }
0x60: {  	v12 =	vld [tilespmem:s0+$0x14400];
	v5 =	vadd.f32 v8, v5  }
0x61: {  	v44 =	vld [tilespmem:s21+$0x4420];
	v10 =	vadd.f32 v10, v34;
	v3 =	vadd.f32 v4, v3;
	v4 =	vmul.f32 v9, v9  }
0x62: {  	v13 =	vld [tilespmem:s0+$0x14410];
	v5 =	vadd.f32 v9, v5  }
0x63: {  	v45 =	vld [tilespmem:s21+$0x4430];
	v3 =	vadd.f32 v4, v3;
	v4 =	vmul.f32 v10, v10;
	v11 =	vadd.f32 v6, v36  }
0x64: {  	v6 =	vld [tilespmem:s0+$0x14420];
	v5 =	vadd.f32 v10, v5  }
0x65: {  	v46 =	vld [tilespmem:s21+$0x4440];
	v12 =	vadd.f32 v12, v42;
	v3 =	vadd.f32 v4, v3;
	v4 =	vmul.f32 v11, v11  }
0x66: {  	v37 =	vld [tilespmem:s21+$0x4450];
	v5 =	vadd.f32 v11, v5  }
0x67: {  	v14 =	vld [tilespmem:s0+$0x14430];
	v28 =	vadd.f32 v13, v43;
	v3 =	vadd.f32 v4, v3;
	v4 =	vmul.f32 v12, v12  }
0x68: {  	v13 =	vld [tilespmem:s0+$0x14440];
	v5 =	vadd.f32 v12, v5  }
0x69: {  	v27 =	vadd.f32 v6, v44;
	v6 =	vld [tilespmem:s0+$0x14450];
	v3 =	vadd.f32 v4, v3;
	v4 =	vmul.f32 v28, v28  }
0x6a: {  	v5 =	vadd.f32 v28, v5  }
0x6b: {  	v33 =	vld [tilespmem:s21+$0x4460];
	v3 =	vadd.f32 v4, v3;
	v4 =	vmul.f32 v27, v27  }
0x6c: {  	v29 =	vadd.f32 v14, v45;
	v14 =	vld [tilespmem:s0+$0x14460];
	v5 =	vadd.f32 v27, v5  }
0x6d: {  	v47 =	vld [tilespmem:s21+$0x4470];
	v31 =	vadd.f32 v13, v46;
	v3 =	vadd.f32 v4, v3  }
0x6e: {  	v4 =	vmul.f32 v29, v29;
	v30 =	vadd.f32 v6, v37;
	v6 =	vld [tilespmem:s0+$0x14470];
	v5 =	vadd.f32 v29, v5;
	_ =	sdelay $0x1  }
0x6f: {  	v3 =	vadd.f32 v4, v3;
	v4 =	vmul.f32 v31, v31;
	v5 =	vadd.f32 v31, v5  }
0x70: {  	v32 =	vadd.f32 v14, v33  }
0x71: {  	v3 =	vadd.f32 v4, v3;
	v4 =	vmul.f32 v30, v30;
	v5 =	vadd.f32 v30, v5  }
0x72: {  	v13 =	vadd.f32 v6, v47  }
0x73: {  	v3 =	vadd.f32 v4, v3;
	v4 =	vmul.f32 v32, v32;
	v5 =	vadd.f32 v32, v5;
	_ =	sdelay $0x1  }
0x74: {  	v3 =	vadd.f32 v4, v3;
	v4 =	vmul.f32 v13, v13;
	v5 =	vadd.f32 v13, v5;
	_ =	sdelay $0x1  }
0x75: {  	v3 =	vadd.f32 v4, v3;
	v4 =	vperm.xlane v5, v39;
	_ =	sdelay $0x1  }
0x76: {  	v6 =	vperm.xlane v3, v39;
	v4 =	vadd.f32 v5, v4;
	_ =	sdelay $0x1  }
0x77: {  	v3 =	vadd.f32 v6, v3;
	v5 =	vperm.xlane v4, v40;
	_ =	sdelay $0x1  }
0x78: {  	v6 =	vperm.xlane v3, v40;
	v4 =	vadd.f32 v4, v5;
	_ =	sdelay $0x1  }
0x79: {  	v3 =	vadd.f32 v6, v3;
	v5 =	vperm.xlane v4, v41;
	_ =	sdelay $0x1  }
0x7a: {  	v6 =	vperm.xlane v3, v41;
	v4 =	vadd.f32 v4, v5;
	_ =	sdelay $0x1  }
0x7b: {  	v3 =	vadd.f32 v6, v3;
	v5 =	vperm.xlane v4, v15;
	_ =	sdelay $0x1  }
0x7c: {  	v4 =	vadd.f32 v4, v5;
	v5 =	vperm.xlane v3, v15;
	_ =	sdelay $0x1  }
0x7d: {  	v14 =	vmul.f32 $3.906250000e-03, v4;
	v3 =	vadd.f32 v5, v3;
	_ =	sdelay $0x1  }
0x7e: {  	v3 =	vmul.f32 $3.906250000e-03, v3;
	v4 =	vmul.f32 v14, v14;
	_ =	sdelay $0x1  }
0x7f: {  	v3 =	vsub.f32 v3, v4;
	_ =	sdelay $0x1  }
0x80: {  	v3 =	vadd.f32 $9.999999740e-06, v3;
	_ =	sdelay $0x1  }
0x81: {  	v4 =	vmul.f32 $1.525878910e-05, v3  }
0x82: {  	vm10 =	vge.f32 v3, $6.553600000e+04  }
0x83: {  	v3 =	vsel vm10, v4, v3  }
0x84: {  	v4 =	vmul.f32 $3.906250000e-03, v3  }
0x85: {  	vm9 =	vge.f32 v3, $2.560000000e+02  }
0x86: {  	v3 =	vsel vm9, v4, v3  }
0x87: {  	v4 =	vmul.f32 $6.250000000e-02, v3  }
0x88: {  	vm8 =	vge.f32 v3, $1.600000000e+01  }
0x89: {  	v3 =	vsel vm8, v4, v3  }
0x8a: {  	v4 =	vmul.f32 $2.500000000e-01, v3  }
0x8b: {  	vm7 =	vge.f32 v3, $4.000000000e+00  }
0x8c: {  	s25 =	simm.s32 $0x100;
	s26 =	simm.s32 $0x80;
	v3 =	vsel vm7, v4, v3  }
0x8d: {  	s2 =	sand.u32 $0x380, s26;
	s0 =	sand.u32 $0x1800, s25;
	v4 =	vmul.f32 $5.000000000e-01, v3  }
0x8e: {  	s0 =	sor.u32 s2, s0;
	vm6 =	vge.f32 v3, $2.000000000e+00  }
0x8f: {  	v56 =	vld [tilespmem:s0+$0x14410];
	v3 =	vsel vm6, v4, v3  }
0x90: {  	v4 =	vld [tilespmem:s0+$0x14000];
	v5 =	vmul.f32 $6.553600000e+04, v3  }
0x91: {  	v6 =	vld [tilespmem:s0+$0x14010];
	vm5 =	vlt.f32 v3, $1.525878910e-05  }
0x92: {  	v15 =	vld [tilespmem:s0+$0x14020];
	v5 =	vsel vm5, v5, v3  }
0x93: {  	v16 =	vmul.f32 $2.560000000e+02, v5  }
0x94: {  	[tilespmem:$0x1FEA0] =	vst v43;
	v17 =	vld [tilespmem:s0+$0x14030];
	v43 =	vadd.f32 v56, v43;
	v1 =	vsub.f32 v1, v14;
	vm2 =	vlt.f32 v5, $3.906250000e-03  }
0x95: {  	v0 =	vsub.f32 v0, v14;
	v3 =	vadd.f32 v4, v18;
	v5 =	vsel vm2, v16, v5  }
0x96: {  	[tilespmem:$0x1FDE0] =	vst v18;
	v2 =	vsub.f32 v2, v14;
	v4 =	vadd.f32 v6, v19;
	v16 =	vld [tilespmem:s0+$0x14040];
	v6 =	vmul.f32 $1.600000000e+01, v5  }
0x97: {  	[tilespmem:$0x1FDF0] =	vst v19;
	v15 =	vadd.f32 v15, v20;
	v18 =	vadd.f32 $0.0e+00, v3;
	vm1 =	vlt.f32 v5, $6.250000000e-02  }
0x98: {  	[tilespmem:$0x1FE00] =	vst v20;
	v21 =	vld [tilespmem:s0+$0x14050];
	v19 =	vmul.f32 v3, v3;
	v20 =	vmul.f32 v4, v4;
	v5 =	vsel vm1, v6, v5  }
0x99: {  	v18 =	vadd.f32 v4, v18;
	v6 =	vadd.f32 v17, v22;
	v17 =	vmul.f32 $4.000000000e+00, v5  }
0x9a: {  	[tilespmem:$0x1FE10] =	vst v22;
	v19 =	vadd.f32 v20, v19;
	v20 =	vmul.f32 v15, v15;
	v22 =	vld [tilespmem:s0+$0x14460];
	vm3 =	vlt.f32 v5, $2.500000000e-01  }
0x9b: {  	[tilespmem:$0x1FE20] =	vst v23;
	v18 =	vadd.f32 v15, v18;
	v16 =	vadd.f32 v16, v23;
	v23 =	vld [tilespmem:s0+$0x14060];
	v5 =	vsel vm3, v17, v5  }
0x9c: {  	v19 =	vadd.f32 v20, v19;
	v20 =	vmul.f32 v6, v6;
	v24 =	vadd.f32 v5, v5  }
0x9d: {  	v17 =	vadd.f32 v21, v25;
	v21 =	vld [tilespmem:s0+$0x14070];
	v18 =	vadd.f32 v6, v18;
	vm4 =	vlt.f32 v5, $5.000000000e-01  }
0x9e: {  	[tilespmem:$0x1FE30] =	vst v25;
	v25 =	vld [tilespmem:s0+$0x14450];
	v19 =	vadd.f32 v20, v19;
	v20 =	vmul.f32 v16, v16;
	v24 =	vsel vm4, v24, v5  }
0x9f: {  	v26 =	vld [tilespmem:s0+$0x14400];
	v18 =	vadd.f32 v16, v18;
	v5 =	vadd.f32 v22, v33;
	v22 =	vmul.f32 $-4.713999930e-01, v24  }
0xa0: {  	v55 =	vmul.f32 v17, v17;
	v20 =	vadd.f32 v20, v19;
	v19 =	vadd.f32 v23, v34;
	v23 =	vld [tilespmem:s0+$0x14420]  }
0xa1: {  	v24 =	vmul.f32 $5.000000000e-01, v24;
	v18 =	vadd.f32 v17, v18;
	v35 =	vadd.f32 $1.649999980e+00, v22  }
0xa2: {  	v22 =	vadd.f32 v55, v20;
	v57 =	vmul.f32 v19, v19;
	v20 =	vadd.f32 v21, v36  }
0xa3: {  	v58 =	vadd.f32 v19, v18;
	v18 =	vadd.f32 v25, v37;
	v25 =	vmul.f32 v35, v24  }
0xa4: {  	[tilespmem:$0x1FE40] =	vst v33;
	v21 =	vadd.f32 v26, v42;
	v33 =	vadd.f32 v57, v22;
	v59 =	vmul.f32 v20, v20  }
0xa5: {  	[tilespmem:$0x1FE60] =	vst v36;
	v26 =	vld [tilespmem:s0+$0x14430];
	v36 =	vadd.f32 v20, v58;
	v22 =	vadd.f32 v23, v44;
	v23 =	vmul.f32 v25, v35  }
0xa6: {  	v63 =	vsel vm10, $0x3B800000, v38;
	v60 =	vmul.f32 v21, v21;
	v25 =	vadd.f32 v59, v33  }
0xa7: {  	v62 =	vld [tilespmem:s0+$0x14440];
	v38 =	vmul.f32 $6.250000000e-02, v63;
	v61 =	vadd.f32 v21, v36;
	v23 =	vsub.f32 $1.500000000e+00, v23  }
0xa8: {  	v48 =	vmul.f32 v43, v43;
	v7 =	vsub.f32 v7, v14;
	v25 =	vadd.f32 v60, v25  }
0xa9: {  	[tilespmem:$0x1FE50] =	vst v34;
	v49 =	vsel vm9, v38, v63;
	v34 =	vadd.f32 v43, v61;
	v23 =	vmul.f32 v23, v35  }
0xaa: {  	[tilespmem:$0x1FE90] =	vst v44;
	v44 =	vadd.f32 v26, v45;
	v26 =	vmul.f32 v22, v22;
	v25 =	vadd.f32 v48, v25  }
0xab: {  	v50 =	vmul.f32 $2.500000000e-01, v49;
	v34 =	vadd.f32 v22, v34;
	v51 =	vmul.f32 v23, v24  }
0xac: {  	[tilespmem:$0x1FEB0] =	vst v45;
	v45 =	vadd.f32 v62, v46;
	v25 =	vadd.f32 v26, v25;
	v26 =	vmul.f32 v44, v44  }
0xad: {  	v53 =	vld [tilespmem:s0+$0x14470];
	v33 =	vsel vm8, v50, v49;
	v34 =	vadd.f32 v44, v34;
	v52 =	vmul.f32 v51, v23  }
0xae: {  	v54 =	vmul.f32 $5.000000000e-01, v33;
	v25 =	vadd.f32 v26, v25;
	v26 =	vmul.f32 v45, v45  }
0xaf: {  	v34 =	vadd.f32 v45, v34;
	v35 =	vsub.f32 $1.500000000e+00, v52  }
0xb0: {  	v33 =	vsel vm7, v54, v33;
	v25 =	vadd.f32 v26, v25;
	v26 =	vmul.f32 v18, v18  }
0xb1: {  	[tilespmem:$0x1FE70] =	vst v37;
	v37 =	vmul.f32 $7.071067690e-01, v33;
	v34 =	vadd.f32 v18, v34;
	v23 =	vmul.f32 v35, v23  }
0xb2: {  	v55 =	vadd.f32 v53, v47;
	v25 =	vadd.f32 v26, v25;
	v26 =	vmul.f32 v5, v5  }
0xb3: {  	v33 =	vsel vm6, v37, v33;
	v34 =	vadd.f32 v5, v34;
	v35 =	vmul.f32 v23, v24  }
0xb4: {  	v36 =	vmul.f32 v55, v55;
	v37 =	vmul.f32 $2.560000000e+02, v33;
	v25 =	vadd.f32 v26, v25  }
0xb5: {  	v9 =	vsub.f32 v9, v14;
	v34 =	vadd.f32 v55, v34;
	v35 =	vmul.f32 v35, v23  }
0xb6: {  	v10 =	vsub.f32 v10, v14;
	v33 =	vsel vm5, v37, v33;
	v25 =	vadd.f32 v36, v25  }
0xb7: {  	v37 =	vmul.f32 $1.600000000e+01, v33;
	v56 =	vperm.xlane v34, v39;
	v35 =	vsub.f32 $1.500000000e+00, v35  }
0xb8: {  	v11 =	vsub.f32 v11, v14;
	v12 =	vsub.f32 v12, v14;
	v57 =	vperm.xlane v25, v39  }
0xb9: {  	v33 =	vsel vm2, v37, v33;
	v34 =	vadd.f32 v34, v56;
	v23 =	vmul.f32 v35, v23  }
0xba: {  	v28 =	vsub.f32 v28, v14;
	v58 =	vmul.f32 $4.000000000e+00, v33;
	v25 =	vadd.f32 v57, v25  }
0xbb: {  	v59 =	vsub.f32 v8, v14;
	v36 =	vperm.xlane v34, v40;
	v8 =	vmul.f32 v23, v24  }
0xbc: {  	v27 =	vsub.f32 v27, v14;
	v33 =	vsel vm1, v58, v33;
	v24 =	vperm.xlane v25, v40  }
0xbd: {  	v35 =	vadd.f32 v33, v33;
	v34 =	vadd.f32 v34, v36;
	v8 =	vmul.f32 v8, v23  }
0xbe: {  	[tilespmem:$0x1FED0] =	vst v47;
	v47 =	vimm.f32 $-3.000000010e+38;
	v49 =	vimm.f32 $-3.000000010e+38;
	v52 =	vld [tilespmem:$0x1FFF0];
	v24 =	vadd.f32 v24, v25  }
0xbf: {  	v33 =	vsel vm3, v35, v33;
	v25 =	vperm.xlane v34, v41;
	v8 =	vsub.f32 $1.500000000e+00, v8  }
0xc0: {  	[tilespmem:$0x1FEC0] =	vst v46;
	v46 =	vimm.f32 $-3.000000010e+38;
	v51 =	vmul.f32 $1.414213540e+00, v33;
	v50 =	vperm.xlane v24, v41  }
0xc1: {  	v54 =	vsub.f32 v31, v14;
	v25 =	vadd.f32 v34, v25;
	v8 =	vmul.f32 v8, v23  }
0xc2: {  	v26 =	vimm.f32 $-3.000000010e+38;
	v23 =	vadd.f32 v50, v24;
	v24 =	vsel vm4, v51, v33  }
0xc3: {  	v53 =	vperm.xlane v25, v52;
	v24 =	vmul.f32 v8, v24;
	v8 =	vsub.f32 v13, v14  }
0xc4: {  	v56 =	vimm.f32 $-3.000000010e+38;
	v51 =	vimm.f32 $-3.000000010e+38;
	v13 =	vsub.f32 v29, v14  }
0xc5: {  	v29 =	vperm.xlane v23, v52;
	v25 =	vadd.f32 v25, v53;
	v8 =	vmul.f32 v24, v8  }
0xc6: {  	[tilespmem:$0x1FEE0] =	vst v55;
	v50 =	vimm.f32 $-3.000000010e+38;
	v55 =	vmul.f32 v24, v1;
	v48 =	vmul.f32 v24, v0  }
0xc7: {  	v1 =	vadd.f32 v29, v23;
	v0 =	vmul.f32 v24, v2;
	v40 =	vmul.f32 $3.906250000e-03, v25  }
0xc8: {  	v23 =	vsub.f32 v30, v14;
	v62 =	vmul.f32 v24, v7;
	v63 =	vmul.f32 v24, v11  }
0xc9: {  	v14 =	vsub.f32 v32, v14;
	v1 =	vmul.f32 $3.906250000e-03, v1;
	v2 =	vmul.f32 v40, v40  }
0xca: {  	v33 =	vsub.f32 v3, v40;
	v32 =	vsub.f32 v4, v40;
	v3 =	vimm.f32 $-3.000000010e+38  }
0xcb: {  	v11 =	vmul.f32 v24, v12;
	v4 =	vsub.f32 v19, v40;
	[tilespmem:$0x1FEF0] =	vst v3;
	v3 =	vsub.f32 v1, v2  }
0xcc: {  	v52 =	vimm.f32 $-3.000000010e+38;
	v12 =	vmul.f32 v24, v28;
	v61 =	vmul.f32 v24, v54  }
0xcd: {  	v25 =	vmul.f32 $2.000000030e-01, v8;
	[tilespmem:$0x1FF00] =	vst v4;
	v4 =	vsub.f32 v20, v40;
	v3 =	vadd.f32 $9.999999740e-06, v3  }
0xce: {  	v53 =	vimm.f32 $-3.000000010e+38;
	v57 =	vmul.f32 v24, v23;
	v58 =	vmul.f32 v24, v14  }
0xcf: {  	v54 =	vimm.f32 $-3.000000010e+38;
	v14 =	vmul.f32 $2.000000030e-01, v63;
	[tilespmem:$0x1FF10] =	vst v4;
	v4 =	vmul.f32 $1.525878910e-05, v3  }
0xd0: {  	v29 =	vsub.f32 v15, v40;
	v30 =	vsub.f32 v6, v40;
	vm2 =	vge.f32 v3, $6.553600000e+04  }
0xd1: {  	v31 =	vsub.f32 v16, v40;
	v3 =	vsel vm2, v4, v3;
	v4 =	vsub.f32 v45, v40  }
0xd2: {  	v36 =	vsub.f32 v17, v40;
	v6 =	vsub.f32 v21, v40;
	v21 =	vmul.f32 $2.000000030e-01, v0  }
0xd3: {  	v19 =	vmul.f32 $2.000000030e-01, v62;
	v16 =	vmul.f32 $2.000000030e-01, v11;
	[tilespmem:$0x1FF60] =	vst v4;
	v4 =	vsub.f32 v18, v40  }
0xd4: {  	v7 =	vmax.f32 v8, v25;
	v1 =	vmul.f32 v24, v59;
	[tilespmem:$0x1FF20] =	vst v6;
	v6 =	vsub.f32 v43, v40  }
0xd5: {  	v8 =	vmax.f32 v26, v7;
	v2 =	vmul.f32 v24, v9;
	[tilespmem:$0x1FF70] =	vst v4;
	v4 =	vmul.f32 $3.906250000e-03, v3  }
0xd6: {  	s5 =	simm.s32 $0x200;
	v7 =	vmul.f32 v24, v10;
	[tilespmem:$0x1FF30] =	vst v6;
	v6 =	vsub.f32 v22, v40;
	vm1 =	vge.f32 v3, $2.560000000e+02  }
0xd7: {  	s6 =	sand.u32 $0x1800, s5;
	v10 =	vmul.f32 v24, v27;
	v3 =	vsel vm1, v4, v3;
	v4 =	vsub.f32 v5, v40  }
0xd8: {  	s4 =	simm.s32 $0x100;
	v9 =	vmul.f32 v24, v13;
	v20 =	vmul.f32 $2.000000030e-01, v12;
	v43 =	vimm.f32 $-3.000000010e+38;
	[tilespmem:$0x1FF40] =	vst v6  }
0xd9: {  	s18 =	sand.u32 $0x380, s4;
	s5 =	simm.s32 $0x300;
	v15 =	vmul.f32 $2.000000030e-01, v2;
	v6 =	vsub.f32 v44, v40;
	[tilespmem:$0x1FF80] =	vst v4;
	v4 =	vmul.f32 $6.250000000e-02, v3  }
0xda: {  	s29 =	sor.u32 $0x400, s21;
	s30 =	sor.u32 $0x410, s21;
	v13 =	vmul.f32 $2.000000030e-01, v7;
	v17 =	vmul.f32 $2.000000030e-01, v10;
	vm3 =	vge.f32 v3, $1.600000000e+01  }
0xdb: {  	s28 =	sor.u32 $0x420, s21;
	v44 =	vimm.f32 $-3.000000010e+38;
	[tilespmem:$0x1FF50] =	vst v6;
	v6 =	vmul.f32 $2.000000030e-01, v48;
	v3 =	vsel vm3, v4, v3  }
0xdc: {  	s12 =	sor.u32 $0x10, s21;
	s10 =	sor.u32 $0x20, s21;
	s11 =	sor.u32 $0x30, s21;
	v45 =	vimm.f32 $-3.000000010e+38;
	v5 =	vmul.f32 $2.000000030e-01, v55;
	v4 =	vmul.f32 $2.500000000e-01, v3  }
0xdd: {  	s9 =	sor.u32 $0x40, s21;
	s26 =	sor.u32 $0x440, s21;
	s22 =	sor.u32 $0x450, s21;
	v18 =	vmul.f32 $2.000000030e-01, v1;
	v28 =	vmax.f32 v48, v6;
	vm4 =	vge.f32 v3, $4.000000000e+00  }
0xde: {  	s23 =	sor.u32 $0x460, s21;
	s24 =	sor.u32 $0x470, s21;
	s25 =	sor.u32 $0x430, s21;
	v48 =	vimm.f32 $-3.000000010e+38;
	v26 =	vmax.f32 v55, v5;
	v3 =	vsel vm4, v4, v3  }
0xdf: {  	s31 =	sor.u32 $0x60, s21;
	[tilespmem:$0x1FE80] =	vst v42;
	s2 =	sor.u32 $0x50, s21;
	s0 =	sor.u32 $0x70, s21;
	v55 =	vimm.f32 $-3.000000010e+38;
	v4 =	vmul.f32 $5.000000000e-01, v3;
	vm5 =	vge.f32 v3, $2.000000000e+00  }
.LBB2_3:
0xe0: {  	_ = 	snop  }
0xe1: {  	s18 =	sor.u32 s18, s6;
	v3 =	vsel vm5, v4, v3  }
0xe2: {  	v24 =	vld [tilespmem:s18+$0x14000];
	v23 =	vmul.f32 $6.553600000e+04, v3  }
0xe3: {  	v25 =	vld [tilespmem:s18+$0x14010];
	vm6 =	vlt.f32 v3, $1.525878910e-05  }
0xe4: {  	v22 =	vmax.f32 v0, v21;
	v62 =	vmax.f32 v62, v19;
	v27 =	vld [tilespmem:s18+$0x14020];
	v0 =	vsel vm6, v23, v3  }
0xe5: {  	v19 =	vmax.f32 v2, v15;
	v21 =	vmax.f32 v7, v13;
	v7 =	vld [tilespmem:$0x1FE00];
	v2 =	vmul.f32 $2.560000000e+02, v0  }
0xe6: {  	v4 =	vmul.f32 $2.000000030e-01, v9;
	v23 =	vmax.f32 v1, v18;
	v1 =	vld [tilespmem:$0x1FDE0];
	vm7 =	vlt.f32 v0, $3.906250000e-03  }
0xe7: {  	v16 =	vmax.f32 v11, v16;
	v11 =	vsel vm7, v2, v0;
	v2 =	vld [tilespmem:$0x1FDF0]  }
0xe8: {  	v15 =	vmax.f32 v63, v14;
	v14 =	vmax.f32 v9, v4;
	v9 =	vld [tilespmem:$0x1FE10]  }
0xe9: {  	v3 =	vld [tilespmem:s18+$0x14030];
	_ =	sdelay $0x1  }
0xea: {  	v13 =	vmax.f32 v12, v20;
	v12 =	vmul.f32 $1.600000000e+01, v11;
	v1 =	vadd.f32 v24, v1  }
0xeb: {  	v0 =	vmax.f32 v10, v17;
	v10 =	vld [tilespmem:s18+$0x14040];
	vm8 =	vlt.f32 v11, $6.250000000e-02;
	v2 =	vadd.f32 v25, v2  }
0xec: {  	v7 =	vadd.f32 v27, v7;
	v12 =	vsel vm8, v12, v11;
	v11 =	vld [tilespmem:$0x1FE20];
	v17 =	vmul.f32 v1, v1  }
0xed: {  	v9 =	vadd.f32 v3, v9;
	v3 =	vmul.f32 $4.000000000e+00, v12;
	v18 =	vmul.f32 v2, v2  }
0xee: {  	v20 =	vld [tilespmem:s18+$0x14050];
	vm9 =	vlt.f32 v12, $2.500000000e-01  }
0xef: {  	v3 =	vsel vm9, v3, v12;
	v12 =	vld [tilespmem:$0x1FE30];
	v17 =	vadd.f32 v18, v17;
	v18 =	vmul.f32 v7, v7;
	_ =	sdelay $0x1  }
0xf0: {  	v11 =	vadd.f32 v10, v11;
	v10 =	vadd.f32 v18, v17;
	v17 =	vmul.f32 v9, v9  }
0xf1: {  	v24 =	vld [tilespmem:s18+$0x14460]  }
0xf2: {  	v17 =	vadd.f32 v17, v10;
	v10 =	vld [tilespmem:$0x1FE40]  }
0xf3: {  	v27 =	vmul.f32 v11, v11;
	v18 =	vadd.f32 v3, v3;
	v12 =	vadd.f32 v20, v12  }
0xf4: {  	vm10 =	vlt.f32 v3, $5.000000000e-01  }
0xf5: {  	v25 =	vld [tilespmem:s18+$0x14060];
	v3 =	vsel vm10, v18, v3;
	v17 =	vadd.f32 v27, v17;
	v27 =	vmul.f32 v12, v12  }
0xf6: {  	v42 =	vmov v32;
	v20 =	vld [tilespmem:s18+$0x14070];
	v32 =	vmul.f32 $5.000000000e-01, v3  }
0xf7: {  	v10 =	vadd.f32 v24, v10;
	v24 =	vmul.f32 $-4.713999930e-01, v3;
	v3 =	vadd.f32 v27, v17;
	v17 =	vld [tilespmem:$0x1FE60]  }
0xf8: {  	v18 =	vld [tilespmem:$0x1FE50];
	_ =	sdelay $0x1  }
0xf9: {  	v4 =	vadd.f32 $0.0e+00, v1  }
0xfa: {  	v63 =	vld [tilespmem:s18+$0x14450]  }
0xfb: {  	v4 =	vadd.f32 v2, v4;
	v20 =	vadd.f32 v20, v17;
	v17 =	vld [tilespmem:$0x1FE70]  }
0xfc: {  	v18 =	vadd.f32 v25, v18  }
0xfd: {  	v4 =	vadd.f32 v7, v4  }
0xfe: {  	v38 =	vmov v31;
	v31 =	vadd.f32 $1.649999980e+00, v24;
	v24 =	vmul.f32 v18, v18  }
0xff: {  	v39 =	vmov v29;
	v29 =	vld [tilespmem:s18+$0x14400];
	v4 =	vadd.f32 v9, v4  }
0x100: {  	v17 =	vadd.f32 v63, v17;
	v63 =	vadd.f32 v24, v3;
	v3 =	vld [tilespmem:$0x1FE80];
	_ =	sdelay $0x1  }
0x101: {  	v4 =	vadd.f32 v11, v4;
	_ =	sdelay $0x1  }
0x102: {  	v4 =	vadd.f32 v12, v4;
	v25 =	vld [tilespmem:s18+$0x14420]  }
0x103: {  	v24 =	vadd.f32 v29, v3;
	v3 =	vld [tilespmem:$0x1FE90]  }
0x104: {  	v4 =	vadd.f32 v18, v4  }
0x105: {  	v41 =	vmov v30;
	v30 =	vld [tilespmem:s18+$0x14410]  }
0x106: {  	v34 =	vadd.f32 v20, v4;
	v4 =	vld [tilespmem:$0x1FEA0]  }
0x107: {  	v27 =	vmul.f32 v31, v32;
	v37 =	vmul.f32 v20, v20  }
0x108: {  	v3 =	vadd.f32 v25, v3  }
0x109: {  	v25 =	vmul.f32 v27, v31;
	v27 =	vadd.f32 v37, v63;
	v37 =	vmul.f32 v24, v24  }
0x10a: {  	v35 =	vimm.f32 $1.000000000e+00;
	v29 =	vld [tilespmem:s18+$0x14430]  }
0x10b: {  	v4 =	vadd.f32 v30, v4;
	v63 =	vsel vm2, $0x3B800000, v35;
	v35 =	vsub.f32 $1.500000000e+00, v25;
	v25 =	vld [tilespmem:$0x1FEB0]  }
0x10c: {  	v60 =	vmov v8  }
0x10d: {  	v8 =	vmovc v33;
	v33 =	vmul.f32 v4, v4;
	v27 =	vadd.f32 v37, v27;
	v37 =	vmovc v36;
	v36 =	vmul.f32 $6.250000000e-02, v63;
	_ =	sdelay $0x1  }
0x10e: {  	v27 =	vadd.f32 v33, v27;
	v33 =	vsel vm1, v36, v63  }
0x10f: {  	v25 =	vadd.f32 v29, v25;
	v29 =	vmul.f32 v35, v31;
	v31 =	vmul.f32 v3, v3  }
0x110: {  	v35 =	vmul.f32 $2.500000000e-01, v33  }
0x111: {  	v30 =	vadd.f32 v24, v34;
	v34 =	vld [tilespmem:s18+$0x14440];
	v31 =	vadd.f32 v31, v27;
	v63 =	vmul.f32 v25, v25  }
0x112: {  	v27 =	vld [tilespmem:$0x1FEC0];
	v33 =	vsel vm3, v35, v33  }
0x113: {  	v59 =	vmovc v28;
	v28 =	vmul.f32 $2.000000030e-01, v61;
	v31 =	vadd.f32 v63, v31;
	v63 =	vmul.f32 $5.000000000e-01, v33  }
0x114: {  	v30 =	vadd.f32 v4, v30  }
0x115: {  	v28 =	vmax.f32 v61, v28;
	v33 =	vsel vm4, v63, v33  }
0x116: {  	v30 =	vadd.f32 v3, v30;
	v36 =	vmul.f32 v29, v32;
	v61 =	vmul.f32 $7.071067690e-01, v33  }
0x117: {  	v63 =	vld [tilespmem:$0x1FED0];
	v27 =	vadd.f32 v34, v27  }
0x118: {  	v30 =	vadd.f32 v25, v30;
	v35 =	vmul.f32 v36, v29;
	v34 =	vld [tilespmem:s18+$0x14470];
	v33 =	vsel vm5, v61, v33  }
0x119: {  	v36 =	vmul.f32 v27, v27;
	v61 =	vmul.f32 $2.560000000e+02, v33  }
0x11a: {  	v35 =	vsub.f32 $1.500000000e+00, v35;
	v30 =	vadd.f32 v27, v30  }
0x11b: {  	v31 =	vadd.f32 v36, v31;
	v36 =	vmul.f32 v17, v17;
	v33 =	vsel vm6, v61, v33;
	v61 =	vld [tilespmem:$0x1FEF0]  }
0x11c: {  	v29 =	vmul.f32 v35, v29;
	v30 =	vadd.f32 v17, v30  }
0x11d: {  	v35 =	vmul.f32 v10, v10;
	v34 =	vadd.f32 v34, v63;
	v63 =	vld [tilespmem:$0x1FFC0];
	v31 =	vadd.f32 v36, v31  }
0x11e: {  	v30 =	vadd.f32 v10, v30;
	v36 =	vmul.f32 v29, v32  }
0x11f: {  	v5 =	vmul.f32 $2.000000030e-01, v57;
	v31 =	vadd.f32 v35, v31;
	v35 =	vmul.f32 v34, v34  }
0x120: {  	v30 =	vadd.f32 v34, v30;
	v36 =	vmul.f32 v36, v29;
	v61 =	vmax.f32 v61, v26  }
0x121: {  	v5 =	vmax.f32 v57, v5;
	v57 =	vmul.f32 $1.600000000e+01, v33;
	[tilespmem:$0x1FEF0] =	vst v61;
	v61 =	vld [tilespmem:$0x1FFD0]  }
0x122: {  	v31 =	vadd.f32 v35, v31;
	v35 =	vperm.xlane v30, v63;
	v36 =	vsub.f32 $1.500000000e+00, v36  }
0x123: {  	v6 =	vmul.f32 $2.000000030e-01, v58;
	v56 =	vmax.f32 v56, v59  }
0x124: {  	v33 =	vsel vm7, v57, v33;
	v30 =	vadd.f32 v30, v35;
	v29 =	vmul.f32 v36, v29  }
0x125: {  	v6 =	vmax.f32 v58, v6;
	v53 =	vmax.f32 v53, v62;
	v62 =	vld [tilespmem:$0x1FFE0];
	v59 =	vmul.f32 $4.000000000e+00, v33  }
0x126: {  	v55 =	vmax.f32 v55, v22;
	v32 =	vmul.f32 v29, v32;
	v22 =	vperm.xlane v30, v61  }
0x127: {  	v54 =	vmax.f32 v54, v23;
	v33 =	vsel vm8, v59, v33;
	v58 =	vperm.xlane v31, v63  }
0x128: {  	v23 =	vadd.f32 v33, v33;
	v22 =	vadd.f32 v30, v22;
	v30 =	vmul.f32 v32, v29  }
0x129: {  	v51 =	vmax.f32 v51, v19;
	v52 =	vmax.f32 v52, v21;
	v31 =	vadd.f32 v58, v31  }
0x12a: {  	v21 =	vsel vm9, v23, v33;
	v19 =	vperm.xlane v22, v62;
	v23 =	vsub.f32 $1.500000000e+00, v30  }
0x12b: {  	v50 =	vmax.f32 v50, v15;
	v63 =	vmul.f32 $1.414213540e+00, v21  }
0x12c: {  	v36 =	vperm.xlane v31, v61;
	v15 =	vadd.f32 v22, v19;
	v19 =	vmul.f32 v23, v29  }
0x12d: {  	v35 =	vld [tilespmem:$0x1FFF0];
	v21 =	vsel vm10, v63, v21  }
0x12e: {  	v31 =	vadd.f32 v36, v31;
	v19 =	vmul.f32 v19, v21;
	v21 =	vld [tilespmem:$0x1FEE0];
	_ =	sdelay $0x1  }
0x12f: {  	v30 =	vperm.xlane v31, v62  }
0x130: {  	v45 =	vmax.f32 v45, v16  }
0x131: {  	v49 =	vmax.f32 v49, v13;
	v16 =	vadd.f32 v30, v31;
	v13 =	vperm.xlane v15, v35  }
0x132: {  	v21 =	vsub.f32 v21, v40  }
0x133: {  	v47 =	vmax.f32 v47, v0;
	v0 =	vadd.f32 v15, v13;
	v13 =	vperm.xlane v16, v35  }
0x134: {  	v48 =	vmax.f32 v48, v14;
	v14 =	vmul.f32 v19, v21  }
0x135: {  	v44 =	vmax.f32 v44, v5;
	v5 =	vadd.f32 v13, v16;
	v40 =	vmul.f32 $3.906250000e-03, v0  }
0x136: {  	v13 =	vmul.f32 $2.000000030e-01, v14  }
0x137: {  	v43 =	vmax.f32 v43, v6;
	v5 =	vmul.f32 $3.906250000e-03, v5;
	v6 =	vmul.f32 v40, v40  }
0x138: {  	v13 =	vmax.f32 v14, v13;
	v14 =	vsub.f32 v17, v40;
	v17 =	vsub.f32 v10, v40;
	v10 =	vld [tilespmem:$0x1FF20]  }
0x139: {  	v5 =	vsub.f32 v5, v6;
	v6 =	vld [tilespmem:$0x1FF00];
	_ =	sdelay $0x1  }
0x13a: {  	v30 =	vsub.f32 v9, v40;
	v9 =	vsub.f32 v24, v40;
	_ =	sdelay $0x1  }
0x13b: {  	v31 =	vsub.f32 v11, v40;
	v11 =	vmul.f32 v19, v10;
	v10 =	vmov v9;
	v9 =	vld [tilespmem:$0x1FF30]  }
0x13c: {  	v29 =	vsub.f32 v7, v40;
	v7 =	vmul.f32 v19, v6;
	v6 =	vsub.f32 v18, v40;
	_ =	sdelay $0x1  }
0x13d: {  	[tilespmem:$0x1FF00] =	vst v6;
	v6 =	vld [tilespmem:$0x1FF10];
	_ =	sdelay $0x1  }
0x13e: {  	v36 =	vsub.f32 v12, v40;
	v12 =	vmul.f32 v19, v9;
	v9 =	vld [tilespmem:$0x1FF40]  }
0x13f: {  	v4 =	vsub.f32 v4, v40  }
0x140: {  	v3 =	vsub.f32 v3, v40  }
0x141: {  	v5 =	vadd.f32 $9.999999740e-06, v5;
	v63 =	vmul.f32 v19, v6;
	v6 =	vsub.f32 v20, v40  }
0x142: {  	[tilespmem:$0x1FF20] =	vst v10  }
0x143: {  	[tilespmem:$0x1FF10] =	vst v6;
	v6 =	vmul.f32 $1.525878910e-05, v5;
	v10 =	vmul.f32 v19, v9;
	v9 =	vmovc v4;
	v4 =	vmov v3  }
0x144: {  	vm2 =	vge.f32 v5, $6.553600000e+04;
	[tilespmem:$0x1FF40] =	vst v4;
	v4 =	vld [tilespmem:$0x1FF50]  }
0x145: {  	v5 =	vsel vm2, v6, v5  }
0x146: {  	v16 =	vmul.f32 $3.906250000e-03, v5  }
0x147: {  	v22 =	vmov v34;
	vm1 =	vge.f32 v5, $2.560000000e+02  }
0x148: {  	[tilespmem:$0x1FEE0] =	vst v22;
	v15 =	vmul.f32 v19, v8;
	v6 =	vsub.f32 v27, v40;
	v3 =	vsel vm1, v16, v5;
	v5 =	vld [tilespmem:$0x1FF70]  }
0x149: {  	v22 =	vmul.f32 v19, v42;
	[tilespmem:$0x1FF30] =	vst v9;
	v9 =	vmul.f32 v19, v4;
	v4 =	vld [tilespmem:$0x1FF60]  }
0x14a: {  	v62 =	vmul.f32 v19, v41;
	v0 =	vmul.f32 v19, v39;
	v33 =	vsub.f32 v1, v40  }
0x14b: {  	v32 =	vsub.f32 v2, v40;
	v1 =	vmul.f32 v19, v38;
	v2 =	vmul.f32 v19, v37  }
0x14c: {  	v21 =	vmul.f32 $2.000000030e-01, v0;
	v8 =	vmax.f32 v60, v13;
	v13 =	vsub.f32 v25, v40;
	v6 =	vmovc v6  }
0x14d: {  	v18 =	vmul.f32 $2.000000030e-01, v1;
	[tilespmem:$0x1FF60] =	vst v6;
	v6 =	vld [tilespmem:$0x1FF80];
	v57 =	vmul.f32 v19, v5;
	v5 =	vmov v14  }
0x14e: {  	v20 =	vmul.f32 $2.000000030e-01, v12;
	[tilespmem:$0x1FF70] =	vst v5;
	v61 =	vmul.f32 v19, v4;
	v4 =	vmov v13  }
0x14f: {  	v5 =	vmul.f32 $2.000000030e-01, v15;
	[tilespmem:$0x1FF50] =	vst v4;
	v4 =	vmul.f32 $6.250000000e-02, v3  }
0x150: {  	p0 =	sne.s32 s5, $0x1300;
	v16 =	vmul.f32 $2.000000030e-01, v11;
	vm3 =	vge.f32 v3, $1.600000000e+01;
	v14 =	vmul.f32 $2.000000030e-01, v63  }
.Ltmp2:
0x151: {  	v26 =	vmax.f32 v15, v5;
	v15 =	vmul.f32 $2.000000030e-01, v2;
	v3 =	vsel vm3, v4, v3;
	(pc) =	sbr.rel @p0 .LBB2_3-.Ltmp2, $4  }
0x152: {  	v46 =	vmax.f32 v46, v28;
	v58 =	vmul.f32 v19, v6;
	v6 =	vmovc v17;
	v4 =	vmul.f32 $2.500000000e-01, v3  }
0x153: {  	v19 =	vmul.f32 $2.000000030e-01, v62;
	[tilespmem:$0x1FF80] =	vst v6;
	v6 =	vmul.f32 $2.000000030e-01, v22;
	vm4 =	vge.f32 v3, $4.000000000e+00  }
0x154: {  	s4 =	sadd.s32 $0x80, s4;
	v13 =	vmul.f32 $2.000000030e-01, v7;
	v17 =	vmul.f32 $2.000000030e-01, v10;
	v3 =	vsel vm4, v4, v3  }
0x155: {  	s6 =	sand.u32 $0x1800, s5;
	s5 =	sadd.s32 $0x100, s5;
	s18 =	sand.u32 $0x380, s4;
	v28 =	vmax.f32 v22, v6;
	v4 =	vmul.f32 $5.000000000e-01, v3;
	vm5 =	vge.f32 v3, $2.000000000e+00  }
0x156: {  	s4 =	sor.u32 s18, s6;
	v23 =	vld [tilespmem:$0x1FDE0]  }
0x157: {  	v5 =	vld [tilespmem:s4+$0x14000];
	_ =	sdelay $0x1  }
0x158: {  	v24 =	vld [tilespmem:$0x1FE00]  }
0x159: {  	v27 =	vld [tilespmem:$0x1FE10]  }
0x15a: {  	v6 =	vld [tilespmem:s4+$0x14010]  }
0x15b: {  	v25 =	vadd.f32 v5, v23;
	v23 =	vld [tilespmem:$0x1FDF0]  }
0x15c: {  	v5 =	vld [tilespmem:s4+$0x14030]  }
0x15d: {  	v22 =	vld [tilespmem:s4+$0x14020];
	_ =	sdelay $0x2  }
0x15e: {  	v38 =	vadd.f32 v6, v23;
	v6 =	vld [tilespmem:s4+$0x14040]  }
0x15f: {  	v41 =	vadd.f32 v5, v27;
	v27 =	vld [tilespmem:$0x1FE20]  }
0x160: {  	v39 =	vadd.f32 v22, v24;
	v22 =	vmul.f32 v25, v25;
	v24 =	vmul.f32 v38, v38;
	_ =	sdelay $0x1  }
0x161: {  	v5 =	vadd.f32 v24, v22;
	v22 =	vmul.f32 v39, v39;
	_ =	sdelay $0x1  }
0x162: {  	v42 =	vadd.f32 v6, v27;
	v6 =	vmul.f32 v41, v41;
	v5 =	vadd.f32 v22, v5  }
0x163: {  	[tilespmem:$0x1FBC0] =	vst v25;
	v23 =	vadd.f32 $0.0e+00, v25;
	v25 =	vld [tilespmem:s4+$0x14050]  }
0x164: {  	v27 =	vld [tilespmem:$0x1FE30];
	v5 =	vadd.f32 v6, v5;
	v6 =	vmul.f32 v42, v42  }
0x165: {  	v24 =	vld [tilespmem:s4+$0x14060]  }
0x166: {  	v5 =	vadd.f32 v6, v5;
	v6 =	vld [tilespmem:$0x1FE50];
	_ =	sdelay $0x1  }
0x167: {  	v23 =	vadd.f32 v38, v23  }
0x168: {  	v59 =	vadd.f32 v25, v27  }
0x169: {  	v23 =	vadd.f32 v39, v23  }
0x16a: {  	v60 =	vadd.f32 v24, v6;
	v6 =	vmul.f32 v59, v59  }
0x16b: {  	v22 =	vadd.f32 v41, v23;
	v23 =	vld [tilespmem:s4+$0x14070]  }
0x16c: {  	v5 =	vadd.f32 v6, v5;
	v6 =	vld [tilespmem:$0x1FE60];
	_ =	sdelay $0x4  }
0x16d: {  	v23 =	vadd.f32 v23, v6;
	v6 =	vmul.f32 v60, v60  }
0x16e: {  	v25 =	vld [tilespmem:s4+$0x14400]  }
0x16f: {  	v5 =	vadd.f32 v6, v5;
	v6 =	vld [tilespmem:$0x1FE80];
	_ =	sdelay $0x4  }
0x170: {  	v34 =	vadd.f32 v25, v6;
	v6 =	vmul.f32 v23, v23  }
0x171: {  	v22 =	vadd.f32 v42, v22;
	v24 =	vld [tilespmem:s4+$0x14410]  }
0x172: {  	v5 =	vadd.f32 v6, v5;
	v6 =	vld [tilespmem:$0x1FEA0]  }
0x173: {  	v37 =	vld [tilespmem:s4+$0x14420];
	v22 =	vadd.f32 v59, v22  }
0x174: {  	v27 =	vld [tilespmem:$0x1FE90]  }
0x175: {  	v22 =	vadd.f32 v60, v22;
	_ =	sdelay $0x1  }
0x176: {  	[tilespmem:$0x1FBD0] =	vst v23;
	v22 =	vadd.f32 v23, v22;
	v23 =	vadd.f32 v24, v6;
	v6 =	vmul.f32 v34, v34;
	_ =	sdelay $0x1  }
0x177: {  	v37 =	vadd.f32 v37, v27;
	v5 =	vadd.f32 v6, v5;
	v6 =	vmul.f32 v23, v23  }
0x178: {  	v27 =	vld [tilespmem:$0x1FEB0]  }
0x179: {  	v25 =	vld [tilespmem:s4+$0x14430];
	v5 =	vadd.f32 v6, v5;
	v6 =	vmul.f32 v37, v37  }
0x17a: {  	v22 =	vadd.f32 v34, v22;
	v24 =	vld [tilespmem:s4+$0x14440]  }
0x17b: {  	v5 =	vadd.f32 v6, v5;
	v6 =	vld [tilespmem:$0x1FEC0]  }
0x17c: {  	v22 =	vadd.f32 v23, v22;
	_ =	sdelay $0x1  }
0x17d: {  	[tilespmem:$0x1FC00] =	vst v37;
	v25 =	vadd.f32 v25, v27;
	v22 =	vadd.f32 v37, v22  }
0x17e: {  	[tilespmem:$0x1FBF0] =	vst v23;
	v23 =	vld [tilespmem:s4+$0x14450]  }
0x17f: {  	[tilespmem:$0x1FC10] =	vst v25;
	v22 =	vadd.f32 v25, v22;
	v37 =	vadd.f32 v24, v6;
	v24 =	vmul.f32 v25, v25;
	v25 =	vld [tilespmem:$0x1FE70];
	_ =	sdelay $0x4  }
0x180: {  	v5 =	vadd.f32 v24, v5;
	v24 =	vmul.f32 v37, v37;
	v27 =	vadd.f32 v23, v25  }
0x181: {  	v6 =	vld [tilespmem:s4+$0x14460]  }
0x182: {  	v5 =	vadd.f32 v24, v5;
	v25 =	vadd.f32 v37, v22;
	v22 =	vld [tilespmem:$0x1FE40];
	v24 =	vmul.f32 v27, v27  }
0x183: {  	v23 =	vld [tilespmem:s4+$0x14470]  }
0x184: {  	v5 =	vadd.f32 v24, v5;
	v24 =	vld [tilespmem:$0x1FED0];
	_ =	sdelay $0x2  }
0x185: {  	v22 =	vadd.f32 v6, v22;
	v6 =	vadd.f32 v27, v25  }
0x186: {  	v25 =	vld [tilespmem:$0x1FFC0]  }
0x187: {  	v6 =	vadd.f32 v22, v6;
	v23 =	vadd.f32 v23, v24;
	v24 =	vmul.f32 v22, v22;
	_ =	sdelay $0x1  }
0x188: {  	v5 =	vadd.f32 v24, v5;
	v6 =	vadd.f32 v23, v6;
	v24 =	vmul.f32 v23, v23;
	_ =	sdelay $0x1  }
0x189: {  	v5 =	vadd.f32 v24, v5;
	v24 =	vperm.xlane v6, v25;
	_ =	sdelay $0x1  }
0x18a: {  	v3 =	vsel vm5, v4, v3;
	v4 =	vadd.f32 v6, v24;
	v24 =	vperm.xlane v5, v25;
	v25 =	vld [tilespmem:$0x1FFD0];
	_ =	sdelay $0x2  }
0x18b: {  	v6 =	vmul.f32 $6.553600000e+04, v3  }
0x18c: {  	vm12 =	vlt.f32 v3, $1.525878910e-05  }
0x18d: {  	v3 =	vsel vm12, v6, v3;
	v5 =	vadd.f32 v24, v5;
	v6 =	vperm.xlane v4, v25;
	_ =	sdelay $0x1  }
0x18e: {  	v4 =	vadd.f32 v4, v6;
	v6 =	vperm.xlane v5, v25;
	v25 =	vld [tilespmem:$0x1FFE0];
	_ =	sdelay $0x1  }
0x18f: {  	v24 =	vmul.f32 $2.560000000e+02, v3  }
0x190: {  	vm10 =	vlt.f32 v3, $3.906250000e-03  }
0x191: {  	v3 =	vsel vm10, v24, v3  }
0x192: {  	v5 =	vadd.f32 v6, v5;
	v6 =	vmul.f32 $1.600000000e+01, v3;
	v24 =	vperm.xlane v4, v25  }
0x193: {  	vm11 =	vlt.f32 v3, $6.250000000e-02  }
0x194: {  	v3 =	vsel vm11, v6, v3;
	v6 =	vperm.xlane v5, v25;
	v4 =	vadd.f32 v4, v24  }
0x195: {  	v24 =	vmul.f32 $4.000000000e+00, v3  }
0x196: {  	vm9 =	vlt.f32 v3, $2.500000000e-01;
	v5 =	vadd.f32 v6, v5;
	v6 =	vperm.xlane v4, v35  }
0x197: {  	v3 =	vsel vm9, v24, v3  }
0x198: {  	v24 =	vperm.xlane v5, v35;
	v4 =	vadd.f32 v4, v6;
	v6 =	vadd.f32 v3, v3  }
0x199: {  	vm6 =	vlt.f32 v3, $5.000000000e-01  }
0x19a: {  	v5 =	vadd.f32 v24, v5;
	v3 =	vsel vm6, v6, v3;
	v24 =	vmul.f32 $3.906250000e-03, v4  }
0x19b: {  	v4 =	vmul.f32 $-4.713999930e-01, v3  }
0x19c: {  	v5 =	vmul.f32 $3.906250000e-03, v5;
	v6 =	vmul.f32 v24, v24  }
0x19d: {  	v25 =	vmul.f32 $5.000000000e-01, v3;
	v4 =	vadd.f32 $1.649999980e+00, v4  }
0x19e: {  	v3 =	vsub.f32 v5, v6  }
0x19f: {  	v5 =	vmul.f32 v4, v25  }
0x1a0: {  	v3 =	vadd.f32 $9.999999740e-06, v3  }
0x1a1: {  	v0 =	vmax.f32 v0, v21;
	v6 =	vimm.f32 $1.000000000e+00;
	v5 =	vmul.f32 v5, v4  }
0x1a2: {  	v19 =	vmax.f32 v62, v19;
	v6 =	vsel vm2, $0x3B800000, v6;
	v21 =	vmul.f32 $1.525878910e-05, v3  }
0x1a3: {  	[tilespmem:$0x1FC30] =	vst v27;
	v27 =	vmul.f32 $6.250000000e-02, v6;
	vm7 =	vge.f32 v3, $6.553600000e+04;
	v5 =	vsub.f32 $1.500000000e+00, v5  }
0x1a4: {  	v1 =	vmax.f32 v1, v18;
	v15 =	vmax.f32 v2, v15;
	v3 =	vsel vm7, v21, v3  }
0x1a5: {  	v4 =	vmul.f32 v5, v4;
	v5 =	vsel vm1, v27, v6;
	v6 =	vmul.f32 $3.906250000e-03, v3  }
0x1a6: {  	v7 =	vmax.f32 v7, v13;
	vm2 =	vge.f32 v3, $2.560000000e+02;
	v2 =	vmul.f32 $2.500000000e-01, v5  }
0x1a7: {  	v13 =	vmax.f32 v63, v14;
	v3 =	vsel vm2, v6, v3;
	v6 =	vmul.f32 v4, v25  }
0x1a8: {  	v11 =	vmax.f32 v11, v16;
	v2 =	vsel vm3, v2, v5;
	v5 =	vmul.f32 $6.250000000e-02, v3  }
0x1a9: {  	vm8 =	vge.f32 v3, $1.600000000e+01;
	v6 =	vmul.f32 v6, v4;
	v14 =	vmul.f32 $5.000000000e-01, v2  }
0x1aa: {  	v12 =	vmax.f32 v12, v20;
	v10 =	vmax.f32 v10, v17;
	v3 =	vsel vm8, v5, v3  }
0x1ab: {  	v2 =	vsel vm4, v14, v2;
	v5 =	vsub.f32 $1.500000000e+00, v6;
	v6 =	vmul.f32 $2.500000000e-01, v3  }
0x1ac: {  	v15 =	vmax.f32 v51, v15;
	vm3 =	vge.f32 v3, $4.000000000e+00;
	v14 =	vmul.f32 $7.071067690e-01, v2  }
0x1ad: {  	v7 =	vmax.f32 v52, v7;
	v4 =	vmul.f32 v5, v4;
	v3 =	vsel vm3, v6, v3  }
0x1ae: {  	v5 =	vmul.f32 $2.000000030e-01, v9;
	v2 =	vsel vm5, v14, v2;
	v14 =	vmul.f32 $5.000000000e-01, v3  }
0x1af: {  	v6 =	vmul.f32 $2.000000030e-01, v61;
	vm4 =	vge.f32 v3, $2.000000000e+00;
	v16 =	vmul.f32 v4, v25  }
0x1b0: {  	v17 =	vmul.f32 $2.560000000e+02, v2;
	v9 =	vmax.f32 v9, v5;
	v3 =	vsel vm4, v14, v3  }
0x1b1: {  	v18 =	vmax.f32 v61, v6;
	v5 =	vmul.f32 v16, v4;
	v6 =	vmul.f32 $6.553600000e+04, v3  }
0x1b2: {  	v13 =	vmax.f32 v50, v13;
	v2 =	vsel vm12, v17, v2;
	vm1 =	vlt.f32 v3, $1.525878910e-05  }
0x1b3: {  	v3 =	vsel vm1, v6, v3;
	v5 =	vsub.f32 $1.500000000e+00, v5;
	v6 =	vmul.f32 $1.600000000e+01, v2  }
0x1b4: {  	v11 =	vmax.f32 v45, v11;
	v12 =	vmax.f32 v49, v12;
	v17 =	vmul.f32 $2.560000000e+02, v3  }
0x1b5: {  	vm15 =	vlt.f32 v3, $3.906250000e-03;
	v6 =	vsel vm10, v6, v2;
	v20 =	vmul.f32 v5, v4  }
0x1b6: {  	[tilespmem:$0x1FC20] =	vst v37;
	v37 =	vimm.f32 $1.000000000e+00;
	v5 =	vsel vm15, v17, v3;
	v17 =	vmul.f32 $4.000000000e+00, v6  }
0x1b7: {  	[tilespmem:$0x1FBE0] =	vst v34;
	v34 =	vsel vm7, $0x3B800000, v37;
	v21 =	vmul.f32 v20, v25;
	v25 =	vmul.f32 $1.600000000e+01, v5  }
0x1b8: {  	v4 =	vmax.f32 v55, v0;
	vm5 =	vlt.f32 v5, $6.250000000e-02;
	v0 =	vsel vm11, v17, v6  }
0x1b9: {  	v17 =	vsel vm5, v25, v5;
	v21 =	vmul.f32 v21, v20;
	v25 =	vadd.f32 v0, v0  }
0x1ba: {  	v6 =	vmax.f32 v54, v1;
	v5 =	vmax.f32 v53, v19;
	v1 =	vmul.f32 $4.000000000e+00, v17  }
0x1bb: {  	vm12 =	vlt.f32 v17, $2.500000000e-01;
	v0 =	vsel vm9, v25, v0;
	v19 =	vsub.f32 $1.500000000e+00, v21  }
0x1bc: {  	v50 =	vmul.f32 $6.250000000e-02, v34;
	v1 =	vsel vm12, v1, v17;
	v17 =	vmul.f32 $1.414213540e+00, v0  }
0x1bd: {  	v10 =	vmax.f32 v47, v10;
	v19 =	vmul.f32 v19, v20;
	v20 =	vadd.f32 v1, v1  }
0x1be: {  	v34 =	vsel vm2, v50, v34;
	v0 =	vsel vm6, v17, v0;
	vm6 =	vlt.f32 v1, $5.000000000e-01  }
0x1bf: {  	v14 =	vmul.f32 $2.000000030e-01, v57;
	v2 =	vld [tilespmem:$0x1FEF0];
	v54 =	vmul.f32 $2.500000000e-01, v34;
	v1 =	vsel vm6, v20, v1  }
0x1c0: {  	v22 =	vsub.f32 v22, v24;
	v53 =	vld [tilespmem:$0x1FBE0];
	v17 =	vmul.f32 v19, v0;
	v19 =	vmul.f32 $-4.713999930e-01, v1  }
0x1c1: {  	v9 =	vmax.f32 v48, v9;
	v16 =	vmul.f32 $2.000000030e-01, v58;
	v3 =	vmax.f32 v56, v28  }
0x1c2: {  	v56 =	vld [tilespmem:$0x1FBF0];
	v34 =	vsel vm8, v54, v34;
	v21 =	vmul.f32 $5.000000000e-01, v1;
	v19 =	vadd.f32 $1.649999980e+00, v19  }
0x1c3: {  	v62 =	vld [tilespmem:$0x1FF50];
	v18 =	vmax.f32 v46, v18;
	v14 =	vmax.f32 v57, v14;
	v63 =	vmul.f32 $5.000000000e-01, v34  }
0x1c4: {  	v52 =	vld [tilespmem:$0x1FF10];
	v16 =	vmax.f32 v58, v16;
	v14 =	vmax.f32 v44, v14;
	v28 =	vmul.f32 v19, v21  }
0x1c5: {  	v57 =	vld [tilespmem:$0x1FF20];
	v2 =	vmax.f32 v2, v26;
	v34 =	vsel vm3, v63, v34;
	v37 =	vsub.f32 v53, v24  }
0x1c6: {  	v58 =	vld [tilespmem:$0x1FF30];
	v1 =	vmax.f32 v43, v16;
	v20 =	vmul.f32 v17, v33;
	v28 =	vmul.f32 v28, v19  }
0x1c7: {  	v61 =	vld [tilespmem:$0x1FC00];
	v43 =	vsub.f32 v56, v24;
	v25 =	vmul.f32 v17, v32;
	v27 =	vmul.f32 v17, v29  }
0x1c8: {  	v0 =	vld [tilespmem:$0x1FEE0];
	v29 =	vmul.f32 v17, v30;
	v30 =	vsub.f32 v39, v24;
	v28 =	vsub.f32 $1.500000000e+00, v28  }
0x1c9: {  	v16 =	vld [tilespmem:$0x1FBC0];
	v31 =	vmul.f32 v17, v31;
	v32 =	vsub.f32 v41, v24;
	v33 =	vsub.f32 v42, v24  }
0x1ca: {  	v56 =	vld [tilespmem:$0x1FF70];
	v35 =	vmul.f32 v17, v36;
	v36 =	vsub.f32 v59, v24;
	v19 =	vmul.f32 v28, v19  }
0x1cb: {  	v39 =	vsub.f32 v60, v24;
	v44 =	vmul.f32 v17, v57;
	v45 =	vmul.f32 v17, v58;
	v59 =	vld [tilespmem:$0x1FF40]  }
0x1cc: {  	v42 =	vsub.f32 v61, v24;
	v47 =	vmul.f32 v17, v62;
	v58 =	vld [tilespmem:$0x1FC10];
	v55 =	vmul.f32 v19, v21  }
0x1cd: {  	v62 =	vld [tilespmem:$0x1FC30];
	v53 =	vmul.f32 $2.000000030e-01, v25;
	v54 =	vmul.f32 $2.000000030e-01, v27;
	v0 =	vsub.f32 v0, v40  }
0x1ce: {  	v40 =	vmul.f32 v17, v52;
	v16 =	vsub.f32 v16, v24;
	v60 =	vmul.f32 v55, v19  }
0x1cf: {  	v50 =	vmul.f32 v17, v56;
	v25 =	vmax.f32 v25, v53;
	v27 =	vmax.f32 v27, v54  }
0x1d0: {  	v51 =	vld [tilespmem:$0x1FF00];
	v0 =	vmul.f32 v17, v0;
	v46 =	vmul.f32 v17, v59;
	v41 =	vsub.f32 $1.500000000e+00, v60  }
0x1d1: {  	v48 =	vsub.f32 v58, v24;
	v59 =	vmul.f32 $7.071067690e-01, v34;
	v54 =	vmul.f32 $2.000000030e-01, v50  }
0x1d2: {  	v56 =	vsub.f32 v62, v24;
	v26 =	vmul.f32 $2.000000030e-01, v0;
	v19 =	vmul.f32 v41, v19  }
0x1d3: {  	v34 =	vsel vm4, v59, v34;
	v59 =	vmul.f32 $2.000000030e-01, v35;
	v63 =	vmul.f32 $2.000000030e-01, v46  }
0x1d4: {  	v3 =	vmax.f32 v3, v25;
	v58 =	vmul.f32 $2.560000000e+02, v34;
	v61 =	vmul.f32 v19, v21  }
0x1d5: {  	v0 =	vmax.f32 v0, v26;
	v26 =	vsub.f32 v38, v24;
	v38 =	vmul.f32 v17, v51  }
0x1d6: {  	v4 =	vmax.f32 v4, v27;
	v51 =	vmul.f32 $2.000000030e-01, v20;
	v52 =	vmul.f32 v61, v19  }
0x1d7: {  	v35 =	vmax.f32 v35, v59;
	v46 =	vmax.f32 v46, v63;
	v34 =	vsel vm1, v58, v34  }
0x1d8: {  	v58 =	vmul.f32 $2.000000030e-01, v44;
	v62 =	vmul.f32 $1.600000000e+01, v34;
	v52 =	vsub.f32 $1.500000000e+00, v52  }
0x1d9: {  	v28 =	vld [tilespmem:$0x1FBD0];
	v15 =	vmax.f32 v15, v35;
	v10 =	vmax.f32 v10, v46;
	v20 =	vmax.f32 v20, v51  }
0x1da: {  	v51 =	vmul.f32 $2.000000030e-01, v45;
	v55 =	vld [tilespmem:$0x1FF60];
	v34 =	vsel vm15, v62, v34;
	v19 =	vmul.f32 v52, v19  }
0x1db: {  	v57 =	vld [tilespmem:$0x1FF80];
	v44 =	vmax.f32 v44, v58;
	v2 =	vmax.f32 v2, v20;
	v53 =	vmul.f32 $4.000000000e+00, v34  }
0x1dc: {  	v20 =	vsub.f32 v23, v24;
	v62 =	vmul.f32 $2.000000030e-01, v47;
	v21 =	vmul.f32 v19, v21  }
0x1dd: {  	v45 =	vmax.f32 v45, v51;
	v11 =	vmax.f32 v11, v44;
	v60 =	vld [tilespmem:$0x1FC20];
	v34 =	vsel vm5, v53, v34  }
0x1de: {  	v28 =	vsub.f32 v28, v24;
	v53 =	vadd.f32 v34, v34;
	v21 =	vmul.f32 v21, v19  }
0x1df: {  	v12 =	vmax.f32 v12, v45;
	v47 =	vmax.f32 v47, v62;
	v49 =	vmul.f32 v17, v55  }
0x1e0: {  	v17 =	vmul.f32 v17, v57;
	v34 =	vsel vm12, v53, v34;
	v21 =	vsub.f32 $1.500000000e+00, v21  }
0x1e1: {  	v9 =	vmax.f32 v9, v47;
	v55 =	vmul.f32 $2.000000030e-01, v29;
	v63 =	vmul.f32 $1.414213540e+00, v34  }
0x1e2: {  	v57 =	vmul.f32 $2.000000030e-01, v31;
	v41 =	vsub.f32 v60, v24;
	v19 =	vmul.f32 v21, v19  }
0x1e3: {  	v60 =	vmul.f32 $2.000000030e-01, v38;
	v29 =	vmax.f32 v29, v55;
	v34 =	vsel vm6, v63, v34  }
0x1e4: {  	v55 =	vmul.f32 $2.000000030e-01, v17;
	v31 =	vmax.f32 v31, v57;
	v19 =	vmul.f32 v19, v34  }
0x1e5: {  	v61 =	vmul.f32 $2.000000030e-01, v40;
	v5 =	vmax.f32 v5, v29;
	v6 =	vmax.f32 v6, v31  }
0x1e6: {  	v38 =	vmax.f32 v38, v60;
	v52 =	vmul.f32 $2.000000030e-01, v49;
	v20 =	vmul.f32 v19, v20  }
0x1e7: {  	v17 =	vmax.f32 v17, v55;
	v16 =	vmul.f32 v19, v16;
	v23 =	vmul.f32 v19, v26  }
0x1e8: {  	v40 =	vmax.f32 v40, v61;
	v24 =	vmul.f32 v19, v30;
	v25 =	vmul.f32 v19, v32  }
0x1e9: {  	v7 =	vmax.f32 v7, v38;
	v26 =	vmul.f32 v19, v33;
	v27 =	vmul.f32 v19, v36  }
0x1ea: {  	v13 =	vmax.f32 v13, v40;
	v29 =	vmul.f32 v19, v39;
	v28 =	vmul.f32 v19, v28  }
0x1eb: {  	v49 =	vmax.f32 v49, v52;
	v30 =	vmul.f32 v19, v37;
	v31 =	vmul.f32 v19, v43  }
0x1ec: {  	v18 =	vmax.f32 v18, v49;
	v43 =	vmul.f32 v19, v42;
	v44 =	vmul.f32 v19, v48  }
0x1ed: {  	v21 =	vmax.f32 v50, v54;
	v34 =	vmul.f32 v19, v41;
	v45 =	vmul.f32 $2.000000030e-01, v16  }
0x1ee: {  	v14 =	vmax.f32 v14, v21;
	v21 =	vmul.f32 v19, v56;
	v46 =	vmul.f32 $2.000000030e-01, v23  }
0x1ef: {  	v19 =	vmul.f32 v19, v22;
	v22 =	vmul.f32 $2.000000030e-01, v24;
	v16 =	vmax.f32 v16, v45  }
0x1f0: {  	v47 =	vmul.f32 $2.000000030e-01, v25;
	v23 =	vmax.f32 v23, v46;
	v2 =	vmax.f32 v2, v16  }
0x1f1: {  	v22 =	vmax.f32 v24, v22;
	v16 =	vmul.f32 $2.000000030e-01, v26;
	v3 =	vmax.f32 v3, v23;
	[tilespmem:s21+$0xC000] =	vst v2  }
0x1f2: {  	v23 =	vmax.f32 v25, v47;
	v4 =	vmax.f32 v4, v22;
	v2 =	vmul.f32 $2.000000030e-01, v27;
	[tilespmem:s12+$0xC000] =	vst v3  }
0x1f3: {  	v5 =	vmax.f32 v5, v23;
	v3 =	vmul.f32 $2.000000030e-01, v29;
	v16 =	vmax.f32 v26, v16;
	[tilespmem:s10+$0xC000] =	vst v4  }
0x1f4: {  	v4 =	vmul.f32 $2.000000030e-01, v28;
	v2 =	vmax.f32 v27, v2;
	v6 =	vmax.f32 v6, v16;
	[tilespmem:s11+$0xC000] =	vst v5  }
0x1f5: {  	v5 =	vmul.f32 $2.000000030e-01, v30;
	v3 =	vmax.f32 v29, v3;
	v2 =	vmax.f32 v15, v2;
	[tilespmem:s9+$0xC000] =	vst v6  }
0x1f6: {  	v6 =	vmul.f32 $2.000000030e-01, v31;
	v4 =	vmax.f32 v28, v4;
	v3 =	vmax.f32 v7, v3;
	[tilespmem:s2+$0xC000] =	vst v2  }
0x1f7: {  	v2 =	vmul.f32 $2.000000030e-01, v43;
	v5 =	vmax.f32 v30, v5;
	v4 =	vmax.f32 v13, v4;
	[tilespmem:s31+$0xC000] =	vst v3  }
0x1f8: {  	v3 =	vmul.f32 $2.000000030e-01, v44;
	v6 =	vmax.f32 v31, v6;
	v5 =	vmax.f32 v11, v5;
	[tilespmem:s0+$0xC000] =	vst v4  }
0x1f9: {  	v4 =	vmul.f32 $2.000000030e-01, v34;
	v2 =	vmax.f32 v43, v2;
	v6 =	vmax.f32 v12, v6;
	[tilespmem:s29+$0xC000] =	vst v5  }
0x1fa: {  	v5 =	vmul.f32 $2.000000030e-01, v21;
	v3 =	vmax.f32 v44, v3;
	v2 =	vmax.f32 v10, v2;
	[tilespmem:s30+$0xC000] =	vst v6  }
0x1fb: {  	v6 =	vmul.f32 $2.000000030e-01, v19;
	v4 =	vmax.f32 v34, v4;
	v3 =	vmax.f32 v9, v3;
	[tilespmem:s28+$0xC000] =	vst v2  }
0x1fc: {  	v2 =	vmul.f32 $2.000000030e-01, v20;
	v5 =	vmax.f32 v21, v5;
	v4 =	vmax.f32 v18, v4;
	[tilespmem:s25+$0xC000] =	vst v3  }
0x1fd: {  	v1 =	vmax.f32 v1, v17;
	v3 =	vmax.f32 v19, v6;
	v5 =	vmax.f32 v14, v5;
	[tilespmem:s26+$0xC000] =	vst v4  }
0x1fe: {  	v0 =	vmax.f32 v8, v0;
	v2 =	vmax.f32 v20, v2;
	v1 =	vmax.f32 v1, v3;
	[tilespmem:s22+$0xC000] =	vst v5  }
0x1ff: {  	p0 =	seq.s32 s20, $0x3F;
	v0 =	vmax.f32 v0, v2;
	s22 =	sshll.u32 s20, $0xA;
	[tilespmem:s23+$0xC000] =	vst v1  }
0x200: {  	s0 =	sshrl.u32 @!p0 s22, $0x2;
	[tilespmem:s24+$0xC000] =	vst v0  }
0x201: {  	v0 =	vld @!p0 [tilespmem:s0+$0x100];
	_ =	sdelay $0x4  }
0x202: {  	v1 =	vshll.u32 @!p0 v0, $0x1  }
0x203: {  	v2 =	vlaneseq.u32 @!p0;
	v0 =	vand.u32 @!p0 $0x7, v0;
	v1 =	vand.u32 @!p0 $0xFFFFFFF0, v1  }
0x204: {  	v3 =	vshrl.u32 @!p0 v2, $0x3;
	v0 =	vor.u32 @!p0 v0, v1;
	v1 =	vand.u32 @!p0 $0x7, v2  }
0x205: {  	v3 =	vmul.u32 @!p0 $0x8, v3;
	v4 =	vperm.xlane @!p0 v0, v1  }
0x206: {  	v2 =	vor.u32 @!p0 $0x8, v2  }
0x207: {  	v0 =	vperm.xlane @!p0 v0, v2;
	v4 =	vadd.s32 @!p0 v3, v4;
	_ =	sdelay $0x1  }
0x208: {  	v0 =	vadd.s32 @!p0 v3, v0;
	_ =	sdelay $0x1  }
0x209: {  	s4 =	simm.s32 @!p0 $0x14000;
	vm1 =	vmmov @!p0 $0xffff;
	s2 =	simm.s32 @!p0 $0x0  }
0x20a: {  	[tilespmem:s4], [sflag:$0x1] =	stream.indirect_vreg.gather @!p0 [hbm4b:s1+s2], $0x80, v4, vm1, $0xb8;
	[tilespmem:$0x17000] =	vst v63  }
0x20b: {  	s4 =	simm.s32 @!p0 $0x14800  }
0x20c: {  	[tilespmem:s4], [sflag:$0x1] =	stream.indirect_vreg.gather @!p0 [hbm4b:s1+s2], $0x80, v0, vm1, $0xb8;
	[tilespmem:$0x17000] =	vst v63  }
0x20d: {  	v0 =	vld.msk @!p0 [tilespmem:s0+$0x110], $0xff;
	_ =	sdelay $0x4  }
0x20e: {  	v2 =	vshll.u32 @!p0 v0, $0x1  }
0x20f: {  	v0 =	vand.u32 @!p0 $0x7, v0;
	v2 =	vand.u32 @!p0 $0xFFFFFFF0, v2  }
0x210: {  	v0 =	vor.u32 @!p0 v0, v2  }
0x211: {  	v0 =	vperm.xlane @!p0 v0, v1;
	_ =	sdelay $0x1  }
0x212: {  	v0 =	vadd.s32 @!p0 v3, v0;
	_ =	sdelay $0x3  }
0x213: {  	s0 =	simm.s32 @!p0 $0x15000  }
0x214: {  	[tilespmem:s0], [sflag:$0x1] =	stream.indirect_vreg.gather @!p0 [hbm4b:s1+s2], $0x80, v0, vm1, $0xb8;
	[tilespmem:$0x17000] =	vst v63  }
0x215: {  	_ =	swait.ge [sflag:s17], $0x1800  }
0x216: {  	[sflag:s17] =	ssyncset.done $0x0  }
0x217: {  	s23 =	simm.s32 $0x0;
	[sflag:s17] =	ssyncadd.s32 $0xFFFFE800  }
0x218: {  	s24 =	sand.u32 $0x1800, s23;
	s0 =	sand.u32 $0x380, s23;
	v24 =	vld [tilespmem:s21+$0x4080]  }
0x219: {  	s2 =	sor.u32 s0, s24;
	v25 =	vld [tilespmem:s21+$0x4090]  }
0x21a: {  	s0 =	sadd.s32 $0x15800, s2;
	v0 =	vld [tilespmem:s2+$0x15800]  }
0x21b: {  	v2 =	vld [tilespmem:s0+$0x10]  }
0x21c: {  	v26 =	vld [tilespmem:s21+$0x40A0]  }
0x21d: {  	v3 =	vld [tilespmem:s0+$0x20]  }
0x21e: {  	v28 =	vld [tilespmem:s21+$0x40B0]  }
0x21f: {  	v4 =	vld [tilespmem:s0+$0x30]  }
0x220: {  	v29 =	vld [tilespmem:s21+$0x40C0];
	v1 =	vadd.f32 v0, v24  }
0x221: {  	v5 =	vld [tilespmem:s0+$0x40];
	v0 =	vadd.f32 v2, v25  }
0x222: {  	v31 =	vld [tilespmem:s21+$0x40D0];
	v6 =	vadd.f32 $0.0e+00, v1  }
0x223: {  	v9 =	vld [tilespmem:s0+$0x50];
	v2 =	vadd.f32 v3, v26;
	v3 =	vmul.f32 v1, v1;
	v8 =	vmul.f32 v0, v0  }
0x224: {  	v48 =	vld [tilespmem:s21+$0x40E0];
	v6 =	vadd.f32 v0, v6  }
0x225: {  	v10 =	vld [tilespmem:s0+$0x60];
	v7 =	vadd.f32 v4, v28;
	v4 =	vmul.f32 v2, v2;
	v3 =	vadd.f32 v8, v3  }
0x226: {  	v49 =	vld [tilespmem:s21+$0x40F0];
	v6 =	vadd.f32 v2, v6  }
0x227: {  	v50 =	vld [tilespmem:s21+$0x4480];
	v8 =	vadd.f32 v5, v29;
	v3 =	vadd.f32 v4, v3;
	v4 =	vmul.f32 v7, v7  }
0x228: {  	v5 =	vadd.f32 v7, v6;
	v6 =	vld [tilespmem:s0+$0x70]  }
0x229: {  	v12 =	vld [tilespmem:s0+$0x400];
	v9 =	vadd.f32 v9, v31;
	v3 =	vadd.f32 v4, v3;
	v4 =	vmul.f32 v8, v8  }
0x22a: {  	v51 =	vld [tilespmem:s21+$0x4490];
	v5 =	vadd.f32 v8, v5  }
0x22b: {  	v13 =	vld [tilespmem:s0+$0x410];
	v10 =	vadd.f32 v10, v48;
	v3 =	vadd.f32 v4, v3;
	v4 =	vmul.f32 v9, v9  }
0x22c: {  	v52 =	vld [tilespmem:s21+$0x44A0];
	v5 =	vadd.f32 v9, v5  }
0x22d: {  	v53 =	vld [tilespmem:s21+$0x44B0];
	v3 =	vadd.f32 v4, v3;
	v4 =	vmul.f32 v10, v10;
	v11 =	vadd.f32 v6, v49  }
0x22e: {  	v6 =	vld [tilespmem:s0+$0x420];
	v5 =	vadd.f32 v10, v5  }
0x22f: {  	v15 =	vld [tilespmem:s0+$0x430];
	v12 =	vadd.f32 v12, v50;
	v3 =	vadd.f32 v4, v3;
	v4 =	vmul.f32 v11, v11  }
0x230: {  	v42 =	vld [tilespmem:s21+$0x44C0];
	v5 =	vadd.f32 v11, v5  }
0x231: {  	v16 =	vld [tilespmem:s0+$0x440];
	v14 =	vadd.f32 v13, v51;
	v3 =	vadd.f32 v4, v3;
	v4 =	vmul.f32 v12, v12  }
0x232: {  	v54 =	vld [tilespmem:s21+$0x44D0];
	v5 =	vadd.f32 v12, v5  }
0x233: {  	v13 =	vadd.f32 v6, v52;
	v6 =	vld [tilespmem:s0+$0x450];
	v3 =	vadd.f32 v4, v3;
	v4 =	vmul.f32 v14, v14  }
0x234: {  	v5 =	vadd.f32 v14, v5  }
0x235: {  	v55 =	vld [tilespmem:s21+$0x44E0];
	v3 =	vadd.f32 v4, v3;
	v4 =	vmul.f32 v13, v13  }
0x236: {  	v18 =	vld [tilespmem:s0+$0x460];
	v15 =	vadd.f32 v15, v53;
	v5 =	vadd.f32 v13, v5  }
0x237: {  	v44 =	vld [tilespmem:s21+$0x44F0];
	v17 =	vadd.f32 v16, v42;
	v3 =	vadd.f32 v4, v3  }
0x238: {  	v4 =	vmul.f32 v15, v15;
	v16 =	vadd.f32 v6, v54;
	v6 =	vld [tilespmem:s0+$0x470];
	v5 =	vadd.f32 v15, v5;
	_ =	sdelay $0x1  }
0x239: {  	v3 =	vadd.f32 v4, v3;
	v4 =	vmul.f32 v17, v17;
	v5 =	vadd.f32 v17, v5  }
0x23a: {  	v18 =	vadd.f32 v18, v55  }
0x23b: {  	v3 =	vadd.f32 v4, v3;
	v4 =	vmul.f32 v16, v16;
	v5 =	vadd.f32 v16, v5  }
0x23c: {  	v47 =	vld [tilespmem:$0x1FFC0];
	v19 =	vadd.f32 v6, v44  }
0x23d: {  	v3 =	vadd.f32 v4, v3;
	v4 =	vmul.f32 v18, v18;
	v5 =	vadd.f32 v18, v5;
	_ =	sdelay $0x1  }
0x23e: {  	v3 =	vadd.f32 v4, v3;
	v4 =	vmul.f32 v19, v19;
	v5 =	vadd.f32 v19, v5  }
0x23f: {  	v46 =	vld [tilespmem:$0x1FFD0]  }
0x240: {  	v3 =	vadd.f32 v4, v3;
	v4 =	vperm.xlane v5, v47;
	_ =	sdelay $0x1  }
0x241: {  	v4 =	vadd.f32 v5, v4  }
0x242: {  	v45 =	vld [tilespmem:$0x1FFE0]  }
0x243: {  	v5 =	vperm.xlane v4, v46;
	_ =	sdelay $0x1  }
0x244: {  	v4 =	vadd.f32 v4, v5;
	_ =	sdelay $0x1  }
0x245: {  	v5 =	vperm.xlane v4, v45;
	_ =	sdelay $0x1  }
0x246: {  	v6 =	vperm.xlane v3, v47;
	v4 =	vadd.f32 v4, v5;
	v5 =	vld [tilespmem:$0x1FFF0];
	_ =	sdelay $0x1  }
0x247: {  	v3 =	vadd.f32 v6, v3;
	_ =	sdelay $0x1  }
0x248: {  	v6 =	vperm.xlane v3, v46  }
0x249: {  	v5 =	vperm.xlane v4, v5  }
0x24a: {  	v3 =	vadd.f32 v6, v3  }
0x24b: {  	v4 =	vadd.f32 v4, v5;
	v5 =	vld [tilespmem:$0x1FFF0]  }
0x24c: {  	v6 =	vperm.xlane v3, v45;
	_ =	sdelay $0x1  }
0x24d: {  	v3 =	vadd.f32 v6, v3;
	_ =	sdelay $0x1  }
0x24e: {  	v5 =	vperm.xlane v3, v5;
	_ =	sdelay $0x1  }
0x24f: {  	v20 =	vmul.f32 $3.906250000e-03, v4;
	v3 =	vadd.f32 v5, v3;
	_ =	sdelay $0x1  }
0x250: {  	v4 =	vmul.f32 v20, v20;
	v3 =	vmul.f32 $3.906250000e-03, v3;
	_ =	sdelay $0x1  }
0x251: {  	v3 =	vsub.f32 v3, v4;
	_ =	sdelay $0x1  }
0x252: {  	v3 =	vadd.f32 $9.999999740e-06, v3;
	_ =	sdelay $0x1  }
0x253: {  	v4 =	vmul.f32 $1.525878910e-05, v3  }
0x254: {  	vm13 =	vge.f32 v3, $6.553600000e+04  }
0x255: {  	v3 =	vsel vm13, v4, v3  }
0x256: {  	v4 =	vmul.f32 $3.906250000e-03, v3  }
0x257: {  	vm14 =	vge.f32 v3, $2.560000000e+02  }
0x258: {  	v3 =	vsel vm14, v4, v3  }
0x259: {  	v4 =	vmul.f32 $6.250000000e-02, v3  }
0x25a: {  	s25 =	simm.s32 $0x100;
	s26 =	simm.s32 $0x80;
	vm15 =	vge.f32 v3, $1.600000000e+01  }
0x25b: {  	s2 =	sand.u32 $0x380, s26;
	s0 =	sand.u32 $0x1800, s25;
	v3 =	vsel vm15, v4, v3  }
0x25c: {  	s2 =	sor.u32 s2, s0;
	v4 =	vmul.f32 $2.500000000e-01, v3  }
0x25d: {  	s0 =	sadd.s32 $0x15800, s2;
	vm7 =	vge.f32 v3, $4.000000000e+00  }
0x25e: {  	v21 =	vld [tilespmem:s0+$0x20];
	v3 =	vsel vm7, v4, v3  }
0x25f: {  	v59 =	vld [tilespmem:s0+$0x410];
	v4 =	vmul.f32 $5.000000000e-01, v3  }
0x260: {  	v63 =	vld [tilespmem:s0+$0x430];
	vm6 =	vge.f32 v3, $2.000000000e+00  }
0x261: {  	v3 =	vsel vm6, v4, v3;
	v4 =	vld [tilespmem:s2+$0x15800]  }
0x262: {  	v6 =	vld [tilespmem:s0+$0x10];
	v5 =	vmul.f32 $6.553600000e+04, v3  }
0x263: {  	vm5 =	vlt.f32 v3, $1.525878910e-05  }
0x264: {  	v5 =	vsel vm5, v5, v3  }
0x265: {  	v21 =	vadd.f32 v21, v26;
	v22 =	vmul.f32 $2.560000000e+02, v5  }
0x266: {  	v35 =	vadd.f32 v59, v51;
	vm2 =	vlt.f32 v5, $3.906250000e-03;
	v3 =	vadd.f32 v4, v24  }
0x267: {  	[tilespmem:$0x1FC40] =	vst v24;
	v23 =	vld [tilespmem:s0+$0x30];
	v32 =	vadd.f32 v63, v53;
	v4 =	vadd.f32 v6, v25;
	v5 =	vsel vm2, v22, v5  }
0x268: {  	[tilespmem:$0x1FC50] =	vst v25;
	v1 =	vsub.f32 v1, v20;
	v22 =	vld [tilespmem:s0+$0x40];
	v6 =	vmul.f32 $1.600000000e+01, v5;
	v24 =	vadd.f32 $0.0e+00, v3  }
0x269: {  	[tilespmem:$0x1FC60] =	vst v26;
	v27 =	vld [tilespmem:s0+$0x50];
	v0 =	vsub.f32 v0, v20;
	v25 =	vmul.f32 v3, v3;
	v26 =	vmul.f32 v4, v4  }
0x26a: {  	v2 =	vsub.f32 v2, v20;
	vm1 =	vlt.f32 v5, $6.250000000e-02;
	v24 =	vadd.f32 v4, v24  }
0x26b: {  	v5 =	vsel vm1, v6, v5;
	v25 =	vadd.f32 v26, v25;
	v26 =	vmul.f32 v21, v21  }
0x26c: {  	[tilespmem:$0x1FC70] =	vst v28;
	v6 =	vadd.f32 v23, v28;
	v28 =	vld [tilespmem:s0+$0x460];
	v23 =	vmul.f32 $4.000000000e+00, v5;
	v24 =	vadd.f32 v21, v24  }
0x26d: {  	[tilespmem:$0x1FC80] =	vst v29;
	vm3 =	vlt.f32 v5, $2.500000000e-01;
	v22 =	vadd.f32 v22, v29;
	v29 =	vld [tilespmem:s0+$0x60];
	v25 =	vadd.f32 v26, v25  }
0x26e: {  	v26 =	vmul.f32 v6, v6;
	v5 =	vsel vm3, v23, v5;
	v23 =	vadd.f32 v27, v31  }
0x26f: {  	v30 =	vadd.f32 v5, v5;
	v24 =	vadd.f32 v6, v24;
	vm4 =	vlt.f32 v5, $5.000000000e-01  }
0x270: {  	v27 =	vld [tilespmem:s0+$0x70];
	v25 =	vadd.f32 v26, v25;
	v26 =	vmul.f32 v22, v22;
	v57 =	vmul.f32 v23, v23  }
0x271: {  	v30 =	vsel vm4, v30, v5;
	v24 =	vadd.f32 v22, v24;
	v5 =	vadd.f32 v28, v55  }
0x272: {  	v56 =	vld [tilespmem:s0+$0x400];
	v26 =	vadd.f32 v26, v25;
	v28 =	vmul.f32 $-4.713999930e-01, v30;
	v25 =	vadd.f32 v29, v48  }
0x273: {  	[tilespmem:$0x1FC90] =	vst v31;
	v7 =	vsub.f32 v7, v20;
	v31 =	vld [tilespmem:s0+$0x450];
	v30 =	vmul.f32 $5.000000000e-01, v30;
	v24 =	vadd.f32 v23, v24  }
0x274: {  	v26 =	vadd.f32 v57, v26;
	v28 =	vadd.f32 $1.649999980e+00, v28;
	v29 =	vmul.f32 v25, v25  }
0x275: {  	v58 =	vld [tilespmem:s0+$0x420];
	v27 =	vadd.f32 v27, v49;
	v60 =	vadd.f32 v25, v24  }
0x276: {  	[tilespmem:$0x1FCC0] =	vst v49;
	v49 =	vimm.f32 $1.000000000e+00;
	v61 =	vmul.f32 v28, v30;
	v26 =	vadd.f32 v29, v26  }
0x277: {  	v62 =	vmul.f32 v27, v27;
	v29 =	vadd.f32 v56, v50;
	v33 =	vadd.f32 v27, v60  }
0x278: {  	[tilespmem:$0x1FCB0] =	vst v48;
	v38 =	vsel vm13, $0x3B800000, v49;
	v24 =	vadd.f32 v31, v54;
	v40 =	vmul.f32 v61, v28  }
0x279: {  	[tilespmem:$0x1FCE0] =	vst v50;
	v48 =	vld [tilespmem:s0+$0x440];
	v26 =	vadd.f32 v62, v26;
	v43 =	vmul.f32 v29, v29;
	v33 =	vadd.f32 v29, v33  }
0x27a: {  	[tilespmem:$0x1FD00] =	vst v51;
	v31 =	vadd.f32 v58, v52;
	v51 =	vmul.f32 $6.250000000e-02, v38;
	v34 =	vsub.f32 $1.500000000e+00, v40  }
0x27b: {  	[tilespmem:$0x1FCF0] =	vst v52;
	v50 =	vmul.f32 v35, v35;
	v26 =	vadd.f32 v43, v26;
	v33 =	vadd.f32 v35, v33  }
0x27c: {  	[tilespmem:$0x1FD10] =	vst v53;
	v52 =	vmul.f32 v31, v31;
	v53 =	vsel vm14, v51, v38;
	v28 =	vmul.f32 v34, v28  }
0x27d: {  	[tilespmem:$0x1FCA0] =	vst v55;
	v38 =	vmul.f32 $2.500000000e-01, v53;
	v26 =	vadd.f32 v50, v26;
	v33 =	vadd.f32 v31, v33  }
0x27e: {  	[tilespmem:$0x1FCD0] =	vst v54;
	v55 =	vmul.f32 v32, v32;
	v43 =	vadd.f32 v48, v42;
	v54 =	vmul.f32 v28, v30  }
0x27f: {  	v57 =	vld [tilespmem:s0+$0x470];
	v36 =	vsel vm15, v38, v53;
	v26 =	vadd.f32 v52, v26;
	v33 =	vadd.f32 v32, v33  }
0x280: {  	v9 =	vsub.f32 v9, v20;
	v59 =	vmul.f32 $5.000000000e-01, v36;
	v56 =	vmul.f32 v54, v28  }
0x281: {  	v58 =	vmul.f32 v43, v43;
	v26 =	vadd.f32 v55, v26;
	v33 =	vadd.f32 v43, v33  }
0x282: {  	v10 =	vsub.f32 v10, v20;
	v60 =	vmul.f32 v24, v24;
	v37 =	vsub.f32 $1.500000000e+00, v56  }
0x283: {  	v36 =	vsel vm7, v59, v36;
	v26 =	vadd.f32 v58, v26;
	v33 =	vadd.f32 v24, v33  }
0x284: {  	v62 =	vadd.f32 v57, v44;
	v39 =	vmul.f32 $7.071067690e-01, v36;
	v28 =	vmul.f32 v37, v28  }
0x285: {  	v61 =	vmul.f32 v5, v5;
	v26 =	vadd.f32 v60, v26;
	v33 =	vadd.f32 v5, v33  }
0x286: {  	v38 =	vmul.f32 v62, v62;
	v36 =	vsel vm6, v39, v36;
	v37 =	vmul.f32 v28, v30  }
0x287: {  	v39 =	vmul.f32 $2.560000000e+02, v36;
	v34 =	vadd.f32 v61, v26;
	v33 =	vadd.f32 v62, v33  }
0x288: {  	v11 =	vsub.f32 v11, v20;
	v12 =	vsub.f32 v12, v20;
	v37 =	vmul.f32 v37, v28  }
0x289: {  	v36 =	vsel vm5, v39, v36;
	v34 =	vadd.f32 v38, v34;
	v63 =	vperm.xlane v33, v47  }
0x28a: {  	v14 =	vsub.f32 v14, v20;
	v39 =	vmul.f32 $1.600000000e+01, v36;
	v37 =	vsub.f32 $1.500000000e+00, v37  }
0x28b: {  	[tilespmem:$0x1FD30] =	vst v44;
	v13 =	vsub.f32 v13, v20;
	v44 =	vperm.xlane v34, v47;
	v33 =	vadd.f32 v33, v63  }
0x28c: {  	v15 =	vsub.f32 v15, v20;
	v36 =	vsel vm2, v39, v36;
	v28 =	vmul.f32 v37, v28  }
0x28d: {  	v47 =	vmul.f32 $4.000000000e+00, v36;
	v34 =	vadd.f32 v44, v34;
	v38 =	vperm.xlane v33, v46  }
0x28e: {  	v17 =	vsub.f32 v17, v20;
	v48 =	vsub.f32 v8, v20;
	v8 =	vmul.f32 v28, v30  }
0x28f: {  	v36 =	vsel vm1, v47, v36;
	v30 =	vperm.xlane v34, v46;
	v33 =	vadd.f32 v33, v38  }
0x290: {  	v16 =	vsub.f32 v16, v20;
	v52 =	vld [tilespmem:$0x1FFF0];
	v37 =	vadd.f32 v36, v36;
	v8 =	vmul.f32 v8, v28  }
0x291: {  	v18 =	vsub.f32 v18, v20;
	v30 =	vadd.f32 v30, v34;
	v49 =	vperm.xlane v33, v45  }
0x292: {  	v56 =	vimm.f32 $-3.000000010e+38;
	v36 =	vsel vm3, v37, v36;
	v8 =	vsub.f32 $1.500000000e+00, v8  }
0x293: {  	v51 =	vmul.f32 $1.414213540e+00, v36;
	v50 =	vperm.xlane v30, v45;
	v33 =	vadd.f32 v33, v49  }
0x294: {  	v60 =	vimm.f32 $-3.000000010e+38;
	v26 =	vimm.f32 $-3.000000010e+38;
	v8 =	vmul.f32 v8, v28  }
0x295: {  	v28 =	vadd.f32 v50, v30;
	v30 =	vsel vm4, v51, v36;
	v34 =	vperm.xlane v33, v52  }
0x296: {  	v47 =	vimm.f32 $-3.000000010e+38;
	v53 =	vmul.f32 v8, v30;
	v8 =	vsub.f32 v19, v20  }
0x297: {  	v44 =	vimm.f32 $-3.000000010e+38;
	v46 =	vimm.f32 $-3.000000010e+38;
	v19 =	vadd.f32 v33, v34  }
0x298: {  	v45 =	vimm.f32 $-3.000000010e+38;
	v30 =	vperm.xlane v28, v52;
	v8 =	vmul.f32 v53, v8  }
0x299: {  	v49 =	vimm.f32 $-3.000000010e+38;
	v54 =	vmul.f32 v53, v1;
	v40 =	vmul.f32 $3.906250000e-03, v19  }
0x29a: {  	v55 =	vmul.f32 v53, v0;
	v0 =	vadd.f32 v30, v28;
	v1 =	vmul.f32 $2.000000030e-01, v8  }
0x29b: {  	[tilespmem:$0x1FD40] =	vst v62;
	v63 =	vmul.f32 v53, v2;
	v62 =	vmul.f32 v53, v7;
	v3 =	vsub.f32 v3, v40  }
0x29c: {  	v0 =	vmul.f32 $3.906250000e-03, v0;
	v2 =	vmul.f32 v40, v40;
	v1 =	vmax.f32 v8, v1  }
0x29d: {  	v7 =	vmul.f32 v53, v11;
	v11 =	vmul.f32 v53, v12;
	[tilespmem:$0x1FD50] =	vst v3;
	v1 =	vmax.f32 v26, v1  }
0x29e: {  	v12 =	vmul.f32 v53, v14;
	v3 =	vsub.f32 v4, v40;
	[tilespmem:$0x1FD70] =	vst v1;
	v1 =	vsub.f32 v0, v2  }
0x29f: {  	v50 =	vimm.f32 $-3.000000010e+38;
	v61 =	vmul.f32 v53, v17;
	v58 =	vmul.f32 v53, v16  }
0x2a0: {  	v57 =	vmul.f32 v53, v18;
	v4 =	vsub.f32 v25, v40;
	[tilespmem:$0x1FD60] =	vst v3;
	v3 =	vadd.f32 $9.999999740e-06, v1  }
0x2a1: {  	v51 =	vimm.f32 $-3.000000010e+38;
	v19 =	vmul.f32 $2.000000030e-01, v62;
	v14 =	vmul.f32 $2.000000030e-01, v7  }
0x2a2: {  	v52 =	vimm.f32 $-3.000000010e+38;
	v17 =	vmul.f32 $2.000000030e-01, v11;
	[tilespmem:$0x1FDB0] =	vst v4;
	v4 =	vmul.f32 $1.525878910e-05, v3  }
0x2a3: {  	v30 =	vsub.f32 v22, v40;
	v33 =	vsub.f32 v27, v40;
	vm1 =	vge.f32 v3, $6.553600000e+04  }
0x2a4: {  	v37 =	vsub.f32 v29, v40;
	v3 =	vsel vm1, v4, v3;
	v4 =	vsub.f32 v24, v40  }
0x2a5: {  	[tilespmem:$0x1FD20] =	vst v42;
	v20 =	vmul.f32 $2.000000030e-01, v12;
	v35 =	vsub.f32 v35, v40;
	v42 =	vsub.f32 v31, v40  }
0x2a6: {  	v38 =	vsub.f32 v32, v40;
	v41 =	vsub.f32 v43, v40;
	[tilespmem:$0x1FDC0] =	vst v4;
	v4 =	vmul.f32 $3.906250000e-03, v3  }
0x2a7: {  	s5 =	simm.s32 $0x200;
	v43 =	vimm.f32 $-3.000000010e+38;
	v0 =	vsub.f32 v21, v40;
	vm2 =	vge.f32 v3, $2.560000000e+02  }
0x2a8: {  	s6 =	sand.u32 $0x1800, s5;
	s5 =	simm.s32 $0x300;
	v2 =	vmul.f32 v53, v48;
	v3 =	vsel vm2, v4, v3;
	v4 =	vsub.f32 v5, v40  }
0x2a9: {  	v21 =	vmul.f32 $2.000000030e-01, v63;
	v48 =	vimm.f32 $-3.000000010e+38;
	[tilespmem:$0x1FD80] =	vst v0;
	v0 =	vsub.f32 v6, v40  }
0x2aa: {  	s12 =	sor.u32 $0x90, s21;
	s10 =	sor.u32 $0xC0, s21;
	v1 =	vsub.f32 v23, v40;
	v6 =	vmul.f32 $2.000000030e-01, v55;
	[tilespmem:$0x1FDD0] =	vst v4;
	v4 =	vmul.f32 $6.250000000e-02, v3  }
0x2ab: {  	s11 =	sor.u32 $0xA0, s21;
	s9 =	sor.u32 $0xB0, s21;
	v18 =	vmul.f32 $2.000000030e-01, v2;
	[tilespmem:$0x1FD90] =	vst v0;
	v0 =	vmul.f32 v53, v9;
	vm4 =	vge.f32 v3, $1.600000000e+01  }
0x2ac: {  	s31 =	sor.u32 $0xE0, s21;
	s29 =	sor.u32 $0x480, s21;
	s4 =	simm.s32 $0x100;
	[tilespmem:$0x1FDA0] =	vst v1;
	v1 =	vmul.f32 v53, v10;
	v10 =	vmul.f32 v53, v13;
	v3 =	vsel vm4, v4, v3  }
0x2ad: {  	s30 =	sor.u32 $0x490, s21;
	s28 =	sor.u32 $0x4A0, s21;
	s7 =	sand.u32 $0x380, s4;
	v9 =	vmul.f32 v53, v15;
	v26 =	vmax.f32 v55, v6;
	v4 =	vmul.f32 $2.500000000e-01, v3  }
0x2ae: {  	v55 =	vimm.f32 $-3.000000010e+38;
	v13 =	vmul.f32 $2.000000030e-01, v0;
	vm3 =	vge.f32 v3, $4.000000000e+00  }
0x2af: {  	s23 =	sor.u32 $0x4E0, s21;
	s24 =	sor.u32 $0x4D0, s21;
	s26 =	sor.u32 $0x4B0, s21;
	v15 =	vmul.f32 $2.000000030e-01, v1;
	v5 =	vmul.f32 $2.000000030e-01, v54;
	v3 =	vsel vm3, v4, v3  }
0x2b0: {  	s25 =	sor.u32 $0x4C0, s21;
	s2 =	sor.u32 $0xD0, s21;
	v53 =	vimm.f32 $-3.000000010e+38;
	v16 =	vmul.f32 $2.000000030e-01, v10;
	v4 =	vmul.f32 $5.000000000e-01, v3  }
0x2b1: {  	s18 =	sor.u32 $0x80, s21;
	s0 =	sor.u32 $0xF0, s21;
	s21 =	sor.u32 $0x4F0, s21;
	v8 =	vmax.f32 v54, v5;
	v54 =	vimm.f32 $-3.000000010e+38;
	vm5 =	vge.f32 v3, $2.000000000e+00  }
.LBB2_5:
0x2b2: {  	v3 =	vsel vm5, v4, v3  }
0x2b3: {  	s7 =	sor.u32 s7, s6;
	v22 =	vmul.f32 $6.553600000e+04, v3  }
0x2b4: {  	v23 =	vld [tilespmem:s7+$0x15800];
	v63 =	vmax.f32 v63, v21;
	vm6 =	vlt.f32 v3, $1.525878910e-05  }
0x2b5: {  	v62 =	vmax.f32 v62, v19;
	v19 =	vmax.f32 v0, v13;
	v0 =	vld [tilespmem:$0x1FC40];
	v3 =	vsel vm6, v22, v3  }
0x2b6: {  	s6 =	sadd.s32 $0x15800, s7;
	v21 =	vmax.f32 v1, v15;
	v1 =	vld [tilespmem:$0x1FC50];
	v22 =	vmax.f32 v2, v18;
	v2 =	vmul.f32 $2.560000000e+02, v3  }
0x2b7: {  	v24 =	vld [tilespmem:s6+$0x10];
	vm7 =	vlt.f32 v3, $3.906250000e-03  }
0x2b8: {  	v25 =	vld [tilespmem:s6+$0x20];
	v3 =	vsel vm7, v2, v3  }
0x2b9: {  	v15 =	vmax.f32 v7, v14;
	v17 =	vmax.f32 v11, v17;
	v7 =	vld [tilespmem:s6+$0x30];
	v11 =	vmul.f32 $1.600000000e+01, v3  }
0x2ba: {  	v2 =	vld [tilespmem:$0x1FC60];
	vm8 =	vlt.f32 v3, $6.250000000e-02  }
0x2bb: {  	v3 =	vsel vm8, v11, v3;
	v11 =	vld [tilespmem:$0x1FC70];
	_ =	sdelay $0x1  }
0x2bc: {  	v4 =	vmul.f32 $2.000000030e-01, v9;
	v0 =	vadd.f32 v23, v0;
	v1 =	vadd.f32 v24, v1  }
0x2bd: {  	v13 =	vmax.f32 v12, v20;
	v12 =	vmax.f32 v10, v16  }
0x2be: {  	v10 =	vld [tilespmem:s6+$0x40];
	v14 =	vmax.f32 v9, v4;
	v9 =	vmul.f32 v0, v0;
	v16 =	vmul.f32 v1, v1  }
0x2bf: {  	v23 =	vld [tilespmem:$0x1FC80];
	v2 =	vadd.f32 v25, v2;
	v7 =	vadd.f32 v7, v11;
	v11 =	vmul.f32 $4.000000000e+00, v3  }
0x2c0: {  	v18 =	vld [tilespmem:s6+$0x50];
	vm9 =	vlt.f32 v3, $2.500000000e-01  }
0x2c1: {  	v9 =	vadd.f32 v16, v9;
	v16 =	vmul.f32 v2, v2;
	v3 =	vsel vm9, v11, v3;
	v11 =	vld [tilespmem:$0x1FC90];
	_ =	sdelay $0x1  }
0x2c2: {  	v4 =	vadd.f32 $0.0e+00, v0;
	v9 =	vadd.f32 v16, v9;
	v16 =	vmul.f32 v7, v7  }
0x2c3: {  	v20 =	vld [tilespmem:s6+$0x460];
	v10 =	vadd.f32 v10, v23  }
0x2c4: {  	v4 =	vadd.f32 v1, v4;
	v16 =	vadd.f32 v16, v9;
	v9 =	vld [tilespmem:$0x1FCA0]  }
0x2c5: {  	v24 =	vadd.f32 v3, v3;
	v11 =	vadd.f32 v18, v11;
	v18 =	vmul.f32 v10, v10  }
0x2c6: {  	v23 =	vld [tilespmem:s6+$0x60];
	v4 =	vadd.f32 v2, v4;
	vm10 =	vlt.f32 v3, $5.000000000e-01  }
0x2c7: {  	v3 =	vsel vm10, v24, v3;
	v16 =	vadd.f32 v18, v16;
	v29 =	vmul.f32 v11, v11;
	v18 =	vld [tilespmem:$0x1FCB0]  }
0x2c8: {  	v25 =	vld [tilespmem:s6+$0x70];
	v4 =	vadd.f32 v7, v4;
	v32 =	vmul.f32 $5.000000000e-01, v3  }
0x2c9: {  	v9 =	vadd.f32 v20, v9;
	v20 =	vmul.f32 $-4.713999930e-01, v3;
	v3 =	vadd.f32 v29, v16;
	v16 =	vld [tilespmem:$0x1FCC0]  }
0x2ca: {  	v4 =	vadd.f32 v10, v4;
	_ =	sdelay $0x1  }
0x2cb: {  	v4 =	vadd.f32 v11, v4;
	v18 =	vadd.f32 v23, v18  }
0x2cc: {  	v28 =	vld [tilespmem:s6+$0x450];
	v31 =	vadd.f32 $1.649999980e+00, v20  }
0x2cd: {  	v20 =	vadd.f32 v25, v16;
	v4 =	vadd.f32 v18, v4;
	v16 =	vld [tilespmem:$0x1FCD0]  }
0x2ce: {  	v23 =	vld [tilespmem:s6+$0x420]  }
0x2cf: {  	v39 =	vadd.f32 v20, v4;
	v4 =	vld [tilespmem:$0x1FCF0]  }
0x2d0: {  	v29 =	vmul.f32 v18, v18  }
0x2d1: {  	v24 =	vld [tilespmem:s6+$0x400]  }
0x2d2: {  	v16 =	vadd.f32 v28, v16;
	v28 =	vadd.f32 v29, v3;
	v3 =	vld [tilespmem:$0x1FCE0]  }
0x2d3: {  	v59 =	vmov v30;
	v30 =	vld [tilespmem:s6+$0x410]  }
0x2d4: {  	v23 =	vadd.f32 v23, v4;
	v4 =	vld [tilespmem:$0x1FD00];
	_ =	sdelay $0x1  }
0x2d5: {  	v25 =	vmul.f32 v31, v32  }
0x2d6: {  	v29 =	vmul.f32 v20, v20;
	v3 =	vadd.f32 v24, v3  }
0x2d7: {  	v25 =	vmul.f32 v25, v31  }
0x2d8: {  	v28 =	vadd.f32 v29, v28;
	v29 =	vmul.f32 v3, v3;
	v4 =	vadd.f32 v30, v4;
	_ =	sdelay $0x1  }
0x2d9: {  	v25 =	vsub.f32 $1.500000000e+00, v25;
	v28 =	vadd.f32 v29, v28;
	v29 =	vmul.f32 v4, v4  }
0x2da: {  	v36 =	vld [tilespmem:$0x1FD10]  }
0x2db: {  	v31 =	vmul.f32 v25, v31;
	v24 =	vld [tilespmem:s6+$0x430];
	v25 =	vadd.f32 v29, v28;
	v28 =	vmul.f32 v23, v23  }
0x2dc: {  	[tilespmem:$0x1FBB0] =	vst v41;
	v41 =	vmovc v38;
	v38 =	vmov v37;
	v34 =	vimm.f32 $1.000000000e+00;
	v37 =	vmov v33;
	v33 =	vld [tilespmem:s6+$0x440]  }
0x2dd: {  	v34 =	vsel vm1, $0x3B800000, v34;
	v28 =	vadd.f32 v28, v25;
	v25 =	vld [tilespmem:$0x1FD20]  }
0x2de: {  	v30 =	vadd.f32 v3, v39;
	v39 =	vmov v35;
	v35 =	vmul.f32 $6.250000000e-02, v34;
	_ =	sdelay $0x1  }
0x2df: {  	v24 =	vadd.f32 v24, v36;
	v29 =	vsel vm2, v35, v34  }
0x2e0: {  	v34 =	vmul.f32 $2.500000000e-01, v29  }
0x2e1: {  	v35 =	vmul.f32 v31, v32;
	v36 =	vmul.f32 v24, v24;
	v25 =	vadd.f32 v33, v25  }
0x2e2: {  	v27 =	vmul.f32 $2.000000030e-01, v61;
	v29 =	vsel vm4, v34, v29  }
0x2e3: {  	v34 =	vmul.f32 v35, v31;
	v28 =	vadd.f32 v36, v28;
	v35 =	vmul.f32 v25, v25;
	_ =	sdelay $0x1  }
0x2e4: {  	v27 =	vmax.f32 v61, v27;
	v61 =	vmul.f32 v16, v16;
	v28 =	vadd.f32 v35, v28  }
0x2e5: {  	v33 =	vld [tilespmem:s6+$0x470]  }
0x2e6: {  	v30 =	vadd.f32 v4, v30;
	v28 =	vadd.f32 v61, v28;
	v61 =	vld [tilespmem:$0x1FD30];
	_ =	sdelay $0x1  }
0x2e7: {  	v30 =	vadd.f32 v23, v30  }
0x2e8: {  	v34 =	vsub.f32 $1.500000000e+00, v34  }
0x2e9: {  	v30 =	vadd.f32 v24, v30;
	v36 =	vmul.f32 $5.000000000e-01, v29  }
0x2ea: {  	v31 =	vmul.f32 v34, v31;
	v34 =	vmul.f32 v9, v9;
	v33 =	vadd.f32 v33, v61  }
0x2eb: {  	v30 =	vadd.f32 v25, v30  }
0x2ec: {  	v29 =	vsel vm3, v36, v29;
	v28 =	vadd.f32 v34, v28;
	v61 =	vmul.f32 v33, v33  }
0x2ed: {  	v36 =	vmul.f32 $7.071067690e-01, v29;
	v30 =	vadd.f32 v16, v30  }
0x2ee: {  	v28 =	vadd.f32 v61, v28;
	v61 =	vld [tilespmem:$0x1FFC0]  }
0x2ef: {  	v29 =	vsel vm5, v36, v29;
	v35 =	vmul.f32 v31, v32;
	v30 =	vadd.f32 v9, v30  }
0x2f0: {  	v5 =	vmul.f32 $2.000000030e-01, v58;
	v36 =	vmul.f32 $2.560000000e+02, v29  }
0x2f1: {  	v35 =	vmul.f32 v35, v31;
	v30 =	vadd.f32 v33, v30  }
0x2f2: {  	v6 =	vmul.f32 $2.000000030e-01, v57;
	v5 =	vmax.f32 v58, v5;
	v58 =	vld [tilespmem:$0x1FFD0];
	v29 =	vsel vm6, v36, v29  }
0x2f3: {  	v36 =	vmul.f32 $1.600000000e+01, v29;
	v35 =	vsub.f32 $1.500000000e+00, v35;
	v34 =	vperm.xlane v30, v61  }
0x2f4: {  	v6 =	vmax.f32 v57, v6;
	v57 =	vperm.xlane v28, v61  }
0x2f5: {  	v29 =	vsel vm7, v36, v29;
	v31 =	vmul.f32 v35, v31;
	v30 =	vadd.f32 v30, v34  }
0x2f6: {  	v55 =	vmax.f32 v55, v62;
	v62 =	vld [tilespmem:$0x1FFE0];
	v28 =	vadd.f32 v57, v28;
	v57 =	vmul.f32 $4.000000000e+00, v29  }
0x2f7: {  	v32 =	vmul.f32 v31, v32;
	v61 =	vperm.xlane v30, v58  }
0x2f8: {  	v50 =	vmax.f32 v50, v22;
	v29 =	vsel vm8, v57, v29  }
0x2f9: {  	v32 =	vmul.f32 v32, v31;
	v22 =	vadd.f32 v30, v61;
	v30 =	vadd.f32 v29, v29  }
0x2fa: {  	v51 =	vmax.f32 v51, v19;
	v53 =	vmax.f32 v53, v21  }
0x2fb: {  	v34 =	vld [tilespmem:$0x1FFF0];
	v19 =	vperm.xlane v22, v62;
	v21 =	vsel vm9, v30, v29;
	v29 =	vsub.f32 $1.500000000e+00, v32  }
0x2fc: {  	v54 =	vmax.f32 v54, v63;
	v63 =	vmul.f32 $1.414213540e+00, v21  }
0x2fd: {  	v52 =	vmax.f32 v52, v15;
	v15 =	vadd.f32 v22, v19;
	v19 =	vmul.f32 v29, v31  }
0x2fe: {  	v21 =	vsel vm10, v63, v21  }
0x2ff: {  	v19 =	vmul.f32 v19, v21;
	v21 =	vld [tilespmem:$0x1FD40]  }
0x300: {  	v48 =	vmax.f32 v48, v13;
	v13 =	vperm.xlane v15, v34;
	_ =	sdelay $0x1  }
0x301: {  	v47 =	vmax.f32 v47, v12;
	v12 =	vadd.f32 v15, v13  }
0x302: {  	v36 =	vperm.xlane v28, v58  }
0x303: {  	v21 =	vsub.f32 v21, v40;
	v40 =	vmul.f32 $3.906250000e-03, v12  }
0x304: {  	v28 =	vadd.f32 v36, v28  }
0x305: {  	v0 =	vsub.f32 v0, v40  }
0x306: {  	v30 =	vperm.xlane v28, v62  }
0x307: {  	v49 =	vmax.f32 v49, v17;
	v15 =	vld [tilespmem:$0x1FD50];
	[tilespmem:$0x1FD50] =	vst v0;
	v0 =	vsub.f32 v1, v40  }
0x308: {  	v45 =	vmax.f32 v45, v14;
	v17 =	vadd.f32 v30, v28;
	v14 =	vmul.f32 v19, v21;
	v21 =	vld [tilespmem:$0x1FD60]  }
0x309: {  	[tilespmem:$0x1FD60] =	vst v0;
	v0 =	vld [tilespmem:$0x1FD70]  }
0x30a: {  	v13 =	vperm.xlane v17, v34  }
0x30b: {  	v12 =	vmul.f32 $2.000000030e-01, v14  }
0x30c: {  	v44 =	vmax.f32 v44, v5;
	v5 =	vadd.f32 v13, v17  }
0x30d: {  	v43 =	vmax.f32 v43, v6;
	v13 =	vld [tilespmem:$0x1FD80];
	v12 =	vmax.f32 v14, v12  }
0x30e: {  	v5 =	vmul.f32 $3.906250000e-03, v5;
	v6 =	vmul.f32 v40, v40;
	v0 =	vmax.f32 v0, v12  }
0x30f: {  	[tilespmem:$0x1FD70] =	vst v0;
	v0 =	vsub.f32 v2, v40  }
0x310: {  	v60 =	vmax.f32 v60, v8;
	v56 =	vmax.f32 v56, v26;
	v1 =	vsub.f32 v5, v6  }
0x311: {  	v15 =	vmul.f32 v19, v15;
	v4 =	vsub.f32 v4, v40;
	[tilespmem:$0x1FD80] =	vst v0;
	v0 =	vsub.f32 v7, v40  }
0x312: {  	v63 =	vmul.f32 v19, v13;
	v13 =	vld [tilespmem:$0x1FD90];
	v5 =	vadd.f32 $9.999999740e-06, v1;
	v1 =	vsub.f32 v11, v40  }
0x313: {  	v22 =	vmovc v33;
	v30 =	vsub.f32 v10, v40;
	v6 =	vsub.f32 v18, v40;
	v35 =	vmov v4;
	v4 =	vld [tilespmem:$0x1FBB0];
	[tilespmem:$0x1FD90] =	vst v0  }
0x314: {  	v33 =	vsub.f32 v20, v40;
	v3 =	vsub.f32 v3, v40;
	v10 =	vmul.f32 v19, v42;
	v0 =	vld [tilespmem:$0x1FDA0];
	[tilespmem:$0x1FDA0] =	vst v1  }
0x315: {  	v18 =	vsub.f32 v9, v40;
	v9 =	vmul.f32 v19, v41;
	v1 =	vld [tilespmem:$0x1FDB0];
	[tilespmem:$0x1FDB0] =	vst v6;
	v6 =	vmul.f32 $1.525878910e-05, v5  }
0x316: {  	[tilespmem:$0x1FD40] =	vst v22;
	v11 =	vmul.f32 v19, v38;
	v22 =	vmul.f32 v19, v21;
	vm1 =	vge.f32 v5, $6.553600000e+04  }
0x317: {  	v21 =	vmul.f32 $2.000000030e-01, v63;
	v5 =	vsel vm1, v6, v5;
	v6 =	vsub.f32 v25, v40  }
0x318: {  	v16 =	vsub.f32 v16, v40;
	v62 =	vmul.f32 v19, v13;
	v12 =	vmul.f32 v19, v39  }
0x319: {  	v14 =	vsub.f32 v24, v40;
	v7 =	vmul.f32 v19, v37;
	v17 =	vmul.f32 $3.906250000e-03, v5;
	v41 =	vmovc v6;
	v6 =	vld [tilespmem:$0x1FDD0]  }
0x31a: {  	v61 =	vmul.f32 v19, v4;
	v2 =	vmul.f32 v19, v59;
	vm2 =	vge.f32 v5, $2.560000000e+02  }
0x31b: {  	v38 =	vmovc v14;
	v20 =	vmul.f32 $2.000000030e-01, v12;
	v37 =	vmovc v3;
	v14 =	vmul.f32 $2.000000030e-01, v7;
	v3 =	vsel vm2, v17, v5;
	v5 =	vld [tilespmem:$0x1FDC0]  }
0x31c: {  	v13 =	vsub.f32 v23, v40;
	v0 =	vmul.f32 v19, v0;
	v4 =	vmul.f32 $6.250000000e-02, v3  }
0x31d: {  	v1 =	vmul.f32 v19, v1;
	v17 =	vmul.f32 $2.000000030e-01, v11;
	vm4 =	vge.f32 v3, $1.600000000e+01  }
0x31e: {  	p1 =	sne.s32 s5, $0x1300;
	v42 =	vmovc v13;
	v13 =	vmul.f32 $2.000000030e-01, v0;
	v3 =	vsel vm4, v4, v3;
	v57 =	vmul.f32 v19, v6  }
.Ltmp3:
0x31f: {  	v46 =	vmax.f32 v46, v27;
	v6 =	vmovc v18;
	v4 =	vmul.f32 $2.500000000e-01, v3;
	v18 =	vmul.f32 $2.000000030e-01, v2;
	(pc) =	sbr.rel @p1 .LBB2_5-.Ltmp3, $4  }
0x320: {  	vm3 =	vge.f32 v3, $4.000000000e+00;
	v58 =	vmul.f32 v19, v5;
	v5 =	vmovc v16;
	[tilespmem:$0x1FDD0] =	vst v6;
	v6 =	vmul.f32 $2.000000030e-01, v22  }
0x321: {  	v19 =	vmul.f32 $2.000000030e-01, v62;
	[tilespmem:$0x1FDC0] =	vst v5;
	v5 =	vmul.f32 $2.000000030e-01, v15;
	v3 =	vsel vm3, v4, v3  }
0x322: {  	s4 =	sadd.s32 $0x80, s4;
	v16 =	vmul.f32 $2.000000030e-01, v10;
	v4 =	vmul.f32 $5.000000000e-01, v3;
	v26 =	vmax.f32 v22, v6  }
0x323: {  	s7 =	sand.u32 $0x380, s4;
	s6 =	sand.u32 $0x1800, s5;
	s5 =	sadd.s32 $0x100, s5;
	vm5 =	vge.f32 v3, $2.000000000e+00;
	v8 =	vmax.f32 v15, v5;
	v15 =	vmul.f32 $2.000000030e-01, v1  }
0x324: {  	v23 =	vld [tilespmem:$0x1FC40]  }
0x325: {  	s5 =	sor.u32 s7, s6;
	v36 =	vld [tilespmem:$0x1FC50]  }
0x326: {  	s4 =	sadd.s32 $0x15800, s5;
	v5 =	vld [tilespmem:s5+$0x15800]  }
0x327: {  	v6 =	vld [tilespmem:s4+$0x10]  }
0x328: {  	v24 =	vld [tilespmem:$0x1FC60]  }
0x329: {  	v27 =	vld [tilespmem:$0x1FC70]  }
0x32a: {  	v22 =	vld [tilespmem:s4+$0x20]  }
0x32b: {  	v25 =	vadd.f32 v5, v23;
	v5 =	vld [tilespmem:s4+$0x30]  }
0x32c: {  	v59 =	vadd.f32 v6, v36  }
0x32d: {  	v39 =	vadd.f32 $0.0e+00, v25  }
0x32e: {  	v6 =	vld [tilespmem:s4+$0x40];
	v32 =	vmul.f32 v25, v25;
	v36 =	vmul.f32 v59, v59  }
0x32f: {  	v28 =	vadd.f32 v22, v24;
	[tilespmem:$0x1FAE0] =	vst v25;
	v25 =	vld [tilespmem:s4+$0x50];
	v23 =	vadd.f32 v59, v39  }
0x330: {  	v29 =	vadd.f32 v5, v27;
	v5 =	vadd.f32 v36, v32;
	v36 =	vld [tilespmem:$0x1FC80]  }
0x331: {  	v39 =	vmul.f32 v28, v28;
	v32 =	vld [tilespmem:$0x1FC90];
	v23 =	vadd.f32 v28, v23  }
0x332: {  	v24 =	vld [tilespmem:s4+$0x60]  }
0x333: {  	v5 =	vadd.f32 v39, v5;
	[tilespmem:$0x1FB00] =	vst v29;
	v39 =	vmul.f32 v29, v29;
	v22 =	vadd.f32 v29, v23;
	v29 =	vld [tilespmem:$0x1FCB0];
	_ =	sdelay $0x1  }
0x334: {  	v23 =	vld [tilespmem:s4+$0x70];
	v31 =	vadd.f32 v6, v36  }
0x335: {  	v36 =	vadd.f32 v25, v32;
	v32 =	vld [tilespmem:$0x1FCC0]  }
0x336: {  	v5 =	vadd.f32 v39, v5;
	v25 =	vld [tilespmem:s4+$0x400];
	v39 =	vmul.f32 v31, v31  }
0x337: {  	v22 =	vadd.f32 v31, v22;
	v27 =	vadd.f32 v24, v29;
	v29 =	vld [tilespmem:$0x1FCE0]  }
0x338: {  	[tilespmem:$0x1FB10] =	vst v31;
	v31 =	vmul.f32 v36, v36;
	v5 =	vadd.f32 v39, v5  }
0x339: {  	v22 =	vadd.f32 v36, v22  }
0x33a: {  	[tilespmem:$0x1FB20] =	vst v36;
	v24 =	vld [tilespmem:s4+$0x410];
	v36 =	vadd.f32 v23, v32;
	v39 =	vmul.f32 v27, v27;
	v5 =	vadd.f32 v31, v5  }
0x33b: {  	v32 =	vld [tilespmem:$0x1FD00];
	v22 =	vadd.f32 v27, v22  }
0x33c: {  	[tilespmem:$0x1FB30] =	vst v27;
	v31 =	vmul.f32 v36, v36;
	v5 =	vadd.f32 v39, v5;
	v27 =	vadd.f32 v25, v29  }
0x33d: {  	v23 =	vld [tilespmem:s4+$0x420]  }
0x33e: {  	v5 =	vadd.f32 v31, v5;
	v39 =	vmul.f32 v27, v27;
	v31 =	vld [tilespmem:$0x1FCF0]  }
0x33f: {  	v22 =	vadd.f32 v36, v22;
	v25 =	vld [tilespmem:s4+$0x430]  }
0x340: {  	[tilespmem:$0x1FB40] =	vst v36;
	v36 =	vadd.f32 v24, v32;
	v5 =	vadd.f32 v39, v5;
	v39 =	vld [tilespmem:$0x1FD10]  }
0x341: {  	v29 =	vld [tilespmem:$0x1FD20];
	v22 =	vadd.f32 v27, v22  }
0x342: {  	[tilespmem:$0x1FAF0] =	vst v28;
	v24 =	vld [tilespmem:s4+$0x440];
	v32 =	vmul.f32 v36, v36  }
0x343: {  	[tilespmem:$0x1FB60] =	vst v36;
	v22 =	vadd.f32 v36, v22;
	v36 =	vld [tilespmem:s4+$0x450];
	v28 =	vadd.f32 v23, v31  }
0x344: {  	v5 =	vadd.f32 v32, v5;
	v32 =	vld [tilespmem:$0x1FCD0]  }
0x345: {  	[tilespmem:$0x1FB50] =	vst v27;
	v27 =	vadd.f32 v25, v39;
	v25 =	vmul.f32 v28, v28  }
0x346: {  	v22 =	vadd.f32 v28, v22  }
0x347: {  	[tilespmem:$0x1FB70] =	vst v28;
	v28 =	vadd.f32 v24, v29;
	v5 =	vadd.f32 v25, v5;
	v31 =	vmul.f32 v27, v27  }
0x348: {  	v6 =	vld [tilespmem:s4+$0x460]  }
0x349: {  	v36 =	vadd.f32 v36, v32;
	v39 =	vmul.f32 v28, v28;
	v32 =	vld [tilespmem:$0x1FCA0];
	v5 =	vadd.f32 v31, v5  }
0x34a: {  	v23 =	vld [tilespmem:s4+$0x470]  }
0x34b: {  	v22 =	vadd.f32 v27, v22;
	v5 =	vadd.f32 v39, v5;
	v39 =	vld [tilespmem:$0x1FD30];
	_ =	sdelay $0x1  }
0x34c: {  	v29 =	vadd.f32 v28, v22  }
0x34d: {  	v31 =	vmul.f32 v36, v36;
	v22 =	vadd.f32 v6, v32  }
0x34e: {  	[tilespmem:$0x1FBA0] =	vst v36;
	v36 =	vadd.f32 v36, v29  }
0x34f: {  	[tilespmem:$0x1FB90] =	vst v28;
	v32 =	vld [tilespmem:$0x1FFC0];
	v5 =	vadd.f32 v31, v5;
	v28 =	vmul.f32 v22, v22;
	v23 =	vadd.f32 v23, v39  }
0x350: {  	v3 =	vsel vm5, v4, v3;
	v6 =	vadd.f32 v22, v36  }
0x351: {  	v31 =	vmul.f32 $6.553600000e+04, v3;
	v5 =	vadd.f32 v28, v5;
	v29 =	vmul.f32 v23, v23  }
0x352: {  	vm6 =	vlt.f32 v3, $1.525878910e-05;
	v6 =	vadd.f32 v23, v6  }
0x353: {  	v3 =	vsel vm6, v31, v3;
	v31 =	vld [tilespmem:$0x1FFD0];
	v4 =	vadd.f32 v29, v5  }
0x354: {  	v36 =	vperm.xlane v6, v32  }
0x355: {  	v28 =	vperm.xlane v4, v32  }
0x356: {  	v39 =	vadd.f32 v6, v36  }
0x357: {  	v29 =	vmul.f32 $2.560000000e+02, v3;
	v4 =	vadd.f32 v28, v4;
	v28 =	vld [tilespmem:$0x1FFE0]  }
0x358: {  	vm8 =	vlt.f32 v3, $3.906250000e-03;
	v32 =	vperm.xlane v39, v31  }
0x359: {  	v3 =	vsel vm8, v29, v3  }
0x35a: {  	v36 =	vmul.f32 $1.600000000e+01, v3;
	v5 =	vadd.f32 v39, v32;
	v39 =	vperm.xlane v4, v31  }
0x35b: {  	vm13 =	vlt.f32 v3, $6.250000000e-02  }
0x35c: {  	v3 =	vsel vm13, v36, v3;
	v4 =	vadd.f32 v39, v4;
	v29 =	vperm.xlane v5, v28  }
0x35d: {  	v31 =	vmul.f32 $4.000000000e+00, v3  }
0x35e: {  	vm12 =	vlt.f32 v3, $2.500000000e-01;
	v32 =	vperm.xlane v4, v28;
	v5 =	vadd.f32 v5, v29  }
0x35f: {  	v3 =	vsel vm12, v31, v3  }
0x360: {  	v36 =	vadd.f32 v3, v3;
	v4 =	vadd.f32 v32, v4;
	v39 =	vperm.xlane v5, v34  }
0x361: {  	vm11 =	vlt.f32 v3, $5.000000000e-01  }
0x362: {  	v3 =	vsel vm11, v36, v3;
	v28 =	vperm.xlane v4, v34;
	v5 =	vadd.f32 v5, v39  }
0x363: {  	v29 =	vmul.f32 $-4.713999930e-01, v3  }
0x364: {  	v4 =	vadd.f32 v28, v4;
	v24 =	vmul.f32 $3.906250000e-03, v5  }
0x365: {  	v3 =	vmul.f32 $5.000000000e-01, v3;
	v5 =	vadd.f32 $1.649999980e+00, v29  }
0x366: {  	v4 =	vmul.f32 $3.906250000e-03, v4;
	v31 =	vmul.f32 v24, v24  }
0x367: {  	v25 =	vmul.f32 v5, v3  }
0x368: {  	v4 =	vsub.f32 v4, v31  }
0x369: {  	v36 =	vimm.f32 $1.000000000e+00;
	v32 =	vmul.f32 v25, v5  }
0x36a: {  	v34 =	vsel vm1, $0x3B800000, v36;
	v4 =	vadd.f32 $9.999999740e-06, v4  }
0x36b: {  	v39 =	vmul.f32 $6.250000000e-02, v34;
	v6 =	vsub.f32 $1.500000000e+00, v32  }
0x36c: {  	v31 =	vmul.f32 $1.525878910e-05, v4  }
0x36d: {  	v25 =	vsel vm2, v39, v34;
	v5 =	vmul.f32 v6, v5;
	vm10 =	vge.f32 v4, $6.553600000e+04  }
0x36e: {  	v32 =	vmul.f32 $2.500000000e-01, v25;
	v4 =	vsel vm10, v31, v4  }
0x36f: {  	v21 =	vmax.f32 v63, v21;
	[tilespmem:$0x1FB80] =	vst v27;
	v34 =	vmul.f32 v5, v3;
	v27 =	vmul.f32 $3.906250000e-03, v4  }
0x370: {  	v19 =	vmax.f32 v62, v19;
	v6 =	vsel vm4, v32, v25;
	vm4 =	vge.f32 v4, $2.560000000e+02  }
0x371: {  	v39 =	vmul.f32 $5.000000000e-01, v6;
	v25 =	vmul.f32 v34, v5;
	v4 =	vsel vm4, v27, v4  }
0x372: {  	v18 =	vmax.f32 v2, v18;
	v0 =	vmax.f32 v0, v13;
	v63 =	vmul.f32 $6.250000000e-02, v4  }
0x373: {  	v62 =	vsel vm3, v39, v6;
	v25 =	vsub.f32 $1.500000000e+00, v25;
	vm7 =	vge.f32 v4, $1.600000000e+01  }
0x374: {  	v7 =	vmax.f32 v7, v14;
	v31 =	vmul.f32 $7.071067690e-01, v62;
	v4 =	vsel vm7, v63, v4  }
0x375: {  	v11 =	vmax.f32 v11, v17;
	v5 =	vmul.f32 v25, v5;
	v6 =	vmul.f32 $2.500000000e-01, v4  }
0x376: {  	v12 =	vmax.f32 v12, v20;
	v2 =	vsel vm5, v31, v62;
	vm5 =	vge.f32 v4, $4.000000000e+00  }
0x377: {  	v17 =	vmul.f32 $2.000000030e-01, v61;
	v34 =	vmul.f32 v5, v3;
	v4 =	vsel vm5, v6, v4  }
0x378: {  	v10 =	vmax.f32 v10, v16;
	v32 =	vmul.f32 $2.560000000e+02, v2;
	v39 =	vmul.f32 $5.000000000e-01, v4  }
0x379: {  	v20 =	vmul.f32 $2.000000030e-01, v58;
	v6 =	vmul.f32 v34, v5;
	vm14 =	vge.f32 v4, $2.000000000e+00  }
0x37a: {  	v1 =	vmax.f32 v1, v15;
	v2 =	vsel vm6, v32, v2;
	v4 =	vsel vm14, v39, v4  }
0x37b: {  	v63 =	vmul.f32 $1.600000000e+01, v2;
	v6 =	vsub.f32 $1.500000000e+00, v6;
	v16 =	vmul.f32 $6.553600000e+04, v4  }
0x37c: {  	v21 =	vmax.f32 v54, v21;
	v18 =	vmax.f32 v50, v18;
	vm15 =	vlt.f32 v4, $1.525878910e-05  }
0x37d: {  	v2 =	vsel vm8, v63, v2;
	v5 =	vmul.f32 v6, v5;
	v4 =	vsel vm15, v16, v4  }
0x37e: {  	v7 =	vmax.f32 v52, v7;
	v25 =	vmul.f32 $4.000000000e+00, v2;
	v27 =	vmul.f32 $2.560000000e+02, v4  }
0x37f: {  	v11 =	vmax.f32 v49, v11;
	v3 =	vmul.f32 v5, v3;
	vm9 =	vlt.f32 v4, $3.906250000e-03  }
0x380: {  	v13 =	vmax.f32 v61, v17;
	v2 =	vsel vm13, v25, v2;
	v4 =	vsel vm9, v27, v4  }
0x381: {  	v29 =	vadd.f32 v2, v2;
	v3 =	vmul.f32 v3, v5;
	v31 =	vmul.f32 $1.600000000e+01, v4  }
0x382: {  	v17 =	vmax.f32 v60, v8;
	v28 =	vmul.f32 $2.000000030e-01, v57;
	v39 =	vld [tilespmem:$0x1FD40];
	vm1 =	vlt.f32 v4, $6.250000000e-02  }
0x383: {  	v15 =	vsel vm12, v29, v2;
	v3 =	vsub.f32 $1.500000000e+00, v3;
	v4 =	vsel vm1, v31, v4  }
0x384: {  	v13 =	vmax.f32 v46, v13;
	v32 =	vmul.f32 $1.414213540e+00, v15;
	v34 =	vmul.f32 $4.000000000e+00, v4  }
0x385: {  	v60 =	vld [tilespmem:$0x1FD90];
	v14 =	vmax.f32 v57, v28;
	v3 =	vmul.f32 v3, v5;
	vm2 =	vlt.f32 v4, $2.500000000e-01  }
0x386: {  	v57 =	vld [tilespmem:$0x1FD80];
	v62 =	vmul.f32 $2.000000030e-01, v9;
	v15 =	vsel vm11, v32, v15;
	v4 =	vsel vm2, v34, v4  }
0x387: {  	v3 =	vmul.f32 v3, v15;
	v15 =	vsub.f32 v39, v40;
	v40 =	vadd.f32 v4, v4  }
0x388: {  	v36 =	vsel vm10, $0x3B800000, v36;
	v9 =	vmax.f32 v9, v62;
	v62 =	vld [tilespmem:$0x1FDA0];
	vm3 =	vlt.f32 v4, $5.000000000e-01  }
0x389: {  	v5 =	vmax.f32 v55, v19;
	v19 =	vmax.f32 v51, v0;
	v51 =	vsel vm3, v40, v4  }
0x38a: {  	v46 =	vmul.f32 $6.250000000e-02, v36;
	v6 =	vmax.f32 v58, v20;
	v54 =	vmul.f32 $-4.713999930e-01, v51  }
0x38b: {  	v20 =	vmax.f32 v53, v1;
	v58 =	vmul.f32 v3, v57;
	v61 =	vmul.f32 v3, v60  }
0x38c: {  	v53 =	vld [tilespmem:$0x1FD50];
	v29 =	vmul.f32 v3, v30;
	v27 =	vmul.f32 $5.000000000e-01, v51;
	v1 =	vadd.f32 $1.649999980e+00, v54  }
0x38d: {  	v12 =	vmax.f32 v48, v12;
	v55 =	vld [tilespmem:$0x1FD60];
	v63 =	vmul.f32 v3, v62;
	v32 =	vmul.f32 v3, v33  }
0x38e: {  	v9 =	vmax.f32 v45, v9;
	v45 =	vmul.f32 v3, v37;
	v39 =	vmul.f32 v1, v27  }
0x38f: {  	v10 =	vmax.f32 v47, v10;
	v34 =	vmul.f32 v3, v35;
	v35 =	vmul.f32 v3, v42  }
0x390: {  	v22 =	vsub.f32 v22, v24;
	v37 =	vmul.f32 v3, v38;
	v0 =	vmul.f32 v39, v1  }
0x391: {  	v36 =	vsel vm4, v46, v36;
	v4 =	vmul.f32 v3, v15;
	v15 =	vmul.f32 v3, v53  }
0x392: {  	v16 =	vmul.f32 v3, v55;
	v51 =	vmul.f32 $2.500000000e-01, v36;
	v0 =	vsub.f32 $1.500000000e+00, v0  }
0x393: {  	v23 =	vsub.f32 v23, v24;
	v55 =	vmul.f32 $2.000000030e-01, v61;
	v57 =	vmul.f32 $2.000000030e-01, v29  }
0x394: {  	v6 =	vmax.f32 v44, v6;
	v62 =	vmul.f32 $2.000000030e-01, v32;
	v48 =	vmul.f32 v0, v1  }
0x395: {  	v47 =	vld [tilespmem:$0x1FDC0];
	v2 =	vmax.f32 v56, v26;
	v46 =	vmul.f32 $2.000000030e-01, v35;
	v56 =	vmul.f32 $2.000000030e-01, v4  }
0x396: {  	v38 =	vsub.f32 v59, v24;
	v40 =	vld [tilespmem:$0x1FDB0];
	v49 =	vmul.f32 $2.000000030e-01, v15;
	v53 =	vmul.f32 v48, v27  }
0x397: {  	v52 =	vmul.f32 $2.000000030e-01, v16;
	v54 =	vmul.f32 $2.000000030e-01, v58;
	v28 =	vmax.f32 v61, v55  }
0x398: {  	v1 =	vmax.f32 v43, v14;
	v14 =	vsel vm7, v51, v36;
	v25 =	vmul.f32 v53, v48  }
0x399: {  	v50 =	vld [tilespmem:$0x1FDD0];
	v35 =	vmax.f32 v35, v46;
	v0 =	vmax.f32 v4, v56;
	v56 =	vmul.f32 $5.000000000e-01, v14  }
0x39a: {  	v15 =	vmax.f32 v15, v49;
	v5 =	vmax.f32 v5, v28;
	v25 =	vsub.f32 $1.500000000e+00, v25  }
0x39b: {  	v31 =	vmul.f32 v3, v40;
	v40 =	vmul.f32 v3, v47;
	v14 =	vsel vm5, v56, v14  }
0x39c: {  	v10 =	vmax.f32 v10, v35;
	v61 =	vmul.f32 $7.071067690e-01, v14;
	v25 =	vmul.f32 v25, v48  }
0x39d: {  	v49 =	vld [tilespmem:$0x1FAF0];
	v26 =	vmax.f32 v58, v54;
	v58 =	vmul.f32 $2.000000030e-01, v63;
	v39 =	vmul.f32 v3, v41  }
0x39e: {  	v47 =	vld [tilespmem:$0x1FAE0];
	v3 =	vmul.f32 v3, v50;
	v14 =	vsel vm14, v61, v14;
	v8 =	vmul.f32 v25, v27  }
0x39f: {  	v15 =	vmax.f32 v17, v15;
	v60 =	vmul.f32 $2.000000030e-01, v31;
	v44 =	vmul.f32 $2.560000000e+02, v14  }
0x3a0: {  	v30 =	vmax.f32 v63, v58;
	v63 =	vmul.f32 $2.000000030e-01, v45;
	v36 =	vmul.f32 v8, v25  }
0x3a1: {  	v50 =	vmul.f32 $2.000000030e-01, v37;
	v55 =	vmul.f32 $2.000000030e-01, v40;
	v14 =	vsel vm15, v44, v14  }
0x3a2: {  	v31 =	vmax.f32 v31, v60;
	v48 =	vmul.f32 $1.600000000e+01, v14;
	v36 =	vsub.f32 $1.500000000e+00, v36  }
0x3a3: {  	v42 =	vsub.f32 v49, v24;
	v41 =	vsub.f32 v47, v24;
	v20 =	vmax.f32 v20, v31  }
0x3a4: {  	v59 =	vld [tilespmem:$0x1FB30];
	v4 =	vmax.f32 v16, v52;
	v14 =	vsel vm9, v48, v14;
	v25 =	vmul.f32 v36, v25  }
0x3a5: {  	v60 =	vld [tilespmem:$0x1FB40];
	v16 =	vmax.f32 v29, v57;
	v29 =	vmax.f32 v32, v62;
	v54 =	vmul.f32 $4.000000000e+00, v14  }
0x3a6: {  	v32 =	vmax.f32 v45, v63;
	v45 =	vmul.f32 $2.000000030e-01, v34;
	v53 =	vld [tilespmem:$0x1FB10];
	v27 =	vmul.f32 v25, v27  }
0x3a7: {  	v51 =	vld [tilespmem:$0x1FB00];
	v52 =	vmul.f32 $2.000000030e-01, v39;
	v57 =	vmul.f32 $2.000000030e-01, v3;
	v14 =	vsel vm1, v54, v14  }
0x3a8: {  	v62 =	vld [tilespmem:$0x1FB60];
	v2 =	vmax.f32 v2, v4;
	v58 =	vadd.f32 v14, v14;
	v27 =	vmul.f32 v27, v25  }
0x3a9: {  	v16 =	vmax.f32 v18, v16;
	v33 =	vmax.f32 v34, v45;
	v34 =	vmax.f32 v37, v50;
	v50 =	vld [tilespmem:$0x1FB80]  }
0x3aa: {  	v7 =	vmax.f32 v7, v29;
	v56 =	vld [tilespmem:$0x1FB20];
	v14 =	vsel vm2, v58, v14;
	v27 =	vsub.f32 $1.500000000e+00, v27  }
0x3ab: {  	v11 =	vmax.f32 v11, v32;
	v44 =	vsub.f32 v53, v24;
	v53 =	vld [tilespmem:$0x1FBA0];
	v63 =	vmul.f32 $1.414213540e+00, v14  }
0x3ac: {  	v3 =	vmax.f32 v3, v57;
	v37 =	vsub.f32 v59, v24;
	v25 =	vmul.f32 v27, v25  }
0x3ad: {  	v46 =	vsub.f32 v60, v24;
	v12 =	vmax.f32 v12, v33;
	v14 =	vsel vm3, v63, v14  }
0x3ae: {  	v9 =	vmax.f32 v9, v34;
	v43 =	vsub.f32 v51, v24;
	v61 =	vld [tilespmem:$0x1FB50];
	v14 =	vmul.f32 v25, v14  }
0x3af: {  	v49 =	vld [tilespmem:$0x1FB70];
	v47 =	vsub.f32 v62, v24;
	v45 =	vsub.f32 v56, v24;
	v56 =	vmax.f32 v19, v30  }
0x3b0: {  	v51 =	vld [tilespmem:$0x1FB90];
	v48 =	vsub.f32 v50, v24;
	v54 =	vsub.f32 v53, v24;
	v19 =	vmul.f32 v14, v23  }
0x3b1: {  	v36 =	vmax.f32 v39, v52;
	v57 =	vmul.f32 v14, v41;
	v58 =	vmul.f32 v14, v38  }
0x3b2: {  	v39 =	vmax.f32 v40, v55;
	v59 =	vmul.f32 v14, v42;
	v25 =	vmul.f32 v14, v43  }
0x3b3: {  	v40 =	vsub.f32 v61, v24;
	v60 =	vmul.f32 v14, v44;
	v61 =	vmul.f32 v14, v45  }
0x3b4: {  	v27 =	vsub.f32 v49, v24;
	v62 =	vmul.f32 v14, v37;
	v63 =	vmul.f32 v14, v46  }
0x3b5: {  	v52 =	vsub.f32 v51, v24;
	v40 =	vmul.f32 v14, v40;
	v41 =	vmul.f32 v14, v47  }
0x3b6: {  	v55 =	vmax.f32 v21, v26;
	v27 =	vmul.f32 v14, v27;
	v42 =	vmul.f32 v14, v48  }
0x3b7: {  	v13 =	vmax.f32 v13, v36;
	v17 =	vmul.f32 v14, v52;
	v43 =	vmul.f32 $2.000000030e-01, v57  }
0x3b8: {  	v6 =	vmax.f32 v6, v39;
	v44 =	vmul.f32 v14, v54;
	v45 =	vmul.f32 $2.000000030e-01, v58  }
0x3b9: {  	v14 =	vmul.f32 v14, v22;
	v46 =	vmul.f32 $2.000000030e-01, v59;
	v21 =	vmax.f32 v57, v43  }
0x3ba: {  	v47 =	vmul.f32 $2.000000030e-01, v25;
	v23 =	vmax.f32 v58, v45;
	v15 =	vmax.f32 v15, v21  }
0x3bb: {  	v48 =	vmul.f32 $2.000000030e-01, v60;
	v22 =	vmax.f32 v59, v46;
	v2 =	vmax.f32 v2, v23;
	[tilespmem:s18+$0xC000] =	vst v15  }
0x3bc: {  	v49 =	vmul.f32 $2.000000030e-01, v61;
	v21 =	vmax.f32 v25, v47;
	v4 =	vmax.f32 v55, v22;
	[tilespmem:s12+$0xC000] =	vst v2  }
0x3bd: {  	v50 =	vmul.f32 $2.000000030e-01, v62;
	v15 =	vmax.f32 v60, v48;
	v5 =	vmax.f32 v5, v21;
	[tilespmem:s11+$0xC000] =	vst v4  }
0x3be: {  	v52 =	vmul.f32 $2.000000030e-01, v40;
	v2 =	vmax.f32 v61, v49;
	v15 =	vmax.f32 v16, v15;
	[tilespmem:s9+$0xC000] =	vst v5  }
0x3bf: {  	v51 =	vmul.f32 $2.000000030e-01, v63;
	v4 =	vmax.f32 v62, v50;
	v2 =	vmax.f32 v56, v2;
	[tilespmem:s10+$0xC000] =	vst v15  }
0x3c0: {  	v53 =	vmul.f32 $2.000000030e-01, v41;
	v4 =	vmax.f32 v20, v4;
	v15 =	vmax.f32 v40, v52;
	[tilespmem:s2+$0xC000] =	vst v2  }
0x3c1: {  	v54 =	vmul.f32 $2.000000030e-01, v27;
	v5 =	vmax.f32 v63, v51;
	v55 =	vmax.f32 v11, v15;
	[tilespmem:s31+$0xC000] =	vst v4  }
0x3c2: {  	v56 =	vmul.f32 $2.000000030e-01, v42;
	v5 =	vmax.f32 v7, v5;
	v2 =	vmax.f32 v41, v53;
	[tilespmem:s29+$0xC000] =	vst v55  }
0x3c3: {  	v57 =	vmul.f32 $2.000000030e-01, v17;
	v62 =	vld [tilespmem:$0x1FD70];
	v4 =	vmax.f32 v27, v54;
	v2 =	vmax.f32 v12, v2;
	[tilespmem:s0+$0xC000] =	vst v5  }
0x3c4: {  	v58 =	vmul.f32 $2.000000030e-01, v44;
	v5 =	vmax.f32 v42, v56;
	v4 =	vmax.f32 v10, v4;
	[tilespmem:s30+$0xC000] =	vst v2  }
0x3c5: {  	v59 =	vmul.f32 $2.000000030e-01, v14;
	v7 =	vmax.f32 v17, v57;
	v5 =	vmax.f32 v9, v5;
	[tilespmem:s28+$0xC000] =	vst v4  }
.Ltmp4:
0x3c6: {  	v60 =	vmul.f32 $2.000000030e-01, v19;
	v7 =	vmax.f32 v13, v7;
	v2 =	vmax.f32 v44, v58;
	[tilespmem:s26+$0xC000] =	vst v5;
	(pc) =	sbr.rel @p0 .LBB2_8-.Ltmp4, $4  }
0x3c7: {  	v1 =	vmax.f32 v1, v3;
	v61 =	vmax.f32 v14, v59;
	v2 =	vmax.f32 v6, v2;
	[tilespmem:s25+$0xC000] =	vst v7  }
0x3c8: {  	v1 =	vmax.f32 v1, v61;
	v63 =	vmax.f32 v19, v60;
	v0 =	vmax.f32 v62, v0;
	[tilespmem:s24+$0xC000] =	vst v2  }
0x3c9: {  	v0 =	vmax.f32 v0, v63;
	[tilespmem:s23+$0xC000] =	vst v1  }
0x3ca: {  	v38 =	vimm.f32 $1.000000000e+00;
	[tilespmem:s21+$0xC000] =	vst v0  }
0x3cb: {  	s0 =	sshrl.u32 s22, $0x2  }
0x3cc: {  	v0 =	vld [tilespmem:s0+$0x180];
	_ =	sdelay $0x2  }
0x3cd: {  	v2 =	vld [tilespmem:$0x1FF90]  }
0x3ce: {  	v3 =	vld [tilespmem:$0x1FFA0]  }
0x3cf: {  	v4 =	vld [tilespmem:$0x1FFB0];
	v1 =	vshll.u32 v0, $0x1  }
0x3d0: {  	v0 =	vand.u32 $0x7, v0;
	v1 =	vand.u32 $0xFFFFFFF0, v1  }
0x3d1: {  	v0 =	vor.u32 v0, v1  }
0x3d2: {  	v1 =	vperm.xlane v0, v2;
	_ =	sdelay $0x1  }
0x3d3: {  	v0 =	vperm.xlane v0, v4;
	v1 =	vadd.s32 v3, v1;
	_ =	sdelay $0x1  }
0x3d4: {  	v0 =	vadd.s32 v3, v0;
	_ =	sdelay $0x2  }
0x3d5: {  	[tilespmem:s13], [sflag:$0x2] =	stream.indirect_vreg.gather [hbm4b:s1+s3], $0x80, v1, vm0, $0xb8;
	[tilespmem:$0x17000] =	vst v63  }
0x3d6: {  	_ = 	snop  }
0x3d7: {  	[tilespmem:s14], [sflag:$0x2] =	stream.indirect_vreg.gather [hbm4b:s1+s3], $0x80, v0, vm0, $0xb8;
	[tilespmem:$0x17000] =	vst v63  }
0x3d8: {  	v0 =	vld.msk [tilespmem:s0+$0x190], $0xff;
	_ =	sdelay $0x4  }
0x3d9: {  	v63 =	vshll.u32 v0, $0x1  }
0x3da: {  	v0 =	vand.u32 $0x7, v0;
	v1 =	vand.u32 $0xFFFFFFF0, v63  }
0x3db: {  	v0 =	vor.u32 v0, v1  }
0x3dc: {  	v0 =	vperm.xlane v0, v2;
	_ =	sdelay $0x1  }
0x3dd: {  	v0 =	vadd.s32 v3, v0  }
.Ltmp5:
0x3de: {  	_ = 	snop;
	(pc) =	sbr.rel .LBB2_2-.Ltmp5, $4  }
0x3df: {  	v39 =	vld [tilespmem:$0x1FFC0]  }
0x3e0: {  	v40 =	vld [tilespmem:$0x1FFD0]  }
0x3e1: {  	s20 =	sadd.s32 $0x1, s20;
	v41 =	vld [tilespmem:$0x1FFE0]  }
0x3e2: {  	v15 =	vld [tilespmem:$0x1FFF0];
	[tilespmem:s15], [sflag:$0x2] =	stream.indirect_vreg.gather [hbm4b:s1+s3], $0x80, v0, vm0, $0xb8  }
.LBB2_9:
0x3e3: {  	_ =	sfence.sel $0x180000  }
0x3e4: {  	[bflag:$0x0] =	sbarrier.arrive $0xFFFF  }
0x3e5: {  	_ =	strace $0x90000047  }
0x3e6: {  	s0 =	stileid.u32;
	[bflag:$0x2] =	sbarrier.arrive $0xFFFF  }
0x3e7: {  	p0 =	sne.s32 s0, $0x0;
	s0 =	rddreg [dreg:$0x2]  }
0x3e8: {  	s0 =	sadd.s32 @!p0 $0x100000, s0  }
0x3e9: {  	[sflag:s0] =	ssyncadd.tile.s32 @!p0 $0x1;
	_ =	shalt  }
.Lfunc_end2:
_tile_overlayer_lowered:
.L_overlay_start_2:
0x3ea: {  	(tag) =	ssettag $0x2  }
0x3eb: {  	s0 =	rddreg [dreg:$0x0];
	s2 =	stileid.u32  }
0x3ec: {  	s1 =	rddreg [dreg:$0x1];
	p0 =	sne.s32 s2, $0x0  }
0x3ed: {  	s3 =	rddreg [dreg:$0x2];
	[bflag:$0x3] =	sbarrier.arrive $0xFFFF;
	s2 =	simm.s32 @!p0 $0x1C03  }
0x3ee: {  	[timem:s3], [sflag:s2] =	dma.local @!p0 [hbm:s0], s1  }
0x3ef: {  	s0 =	simm.s32 @!p0 $0x3  }
0x3f0: {  	_ =	swait.ge @!p0 [sflag:s0], s1  }
0x3f1: {  	s1 =	ssub.s32 @!p0 $0x0, s1;
	[sflag:s0] =	ssyncset.done @!p0 $0x0  }
0x3f2: {  	[sflag:s0] =	ssyncadd.s32 @!p0 s1  }
0x3f3: {  	[bflag:$0x3] =	sbarrier.arrive $0xFFFF  }
0x3f4: {  	_ =	shalt  }

</sc_bundles>
